<compile_context>
chip_gen: v7x
topology: tpu7x:2x2x1
jax: 0.10.2.dev20260603
libtpu: 0.0.44.dev20260713+nightly
codegen_flags: <defaults>
</compile_context>

<pallas_src>
import functools

import jax
import jax.numpy as jnp
from jax import lax
from jax.experimental import pallas as pl
from jax.experimental.pallas import tpu as pltpu
from jax.experimental.pallas import tpu_sc as plsc

_NC, _NS, _L = 2, 16, 16


def _make_sc_kernel(n, h):
    nw = _NC * _NS
    blk = 80
    assert n % blk == 0 and h % _L == 0
    nblocks = n // blk
    gmax = -(-nblocks // nw)
    nch = h // _L
    nbuf = 3

    mesh = plsc.VectorSubcoreMesh(core_axis_name="c", subcore_axis_name="s")

    @functools.partial(
        pl.kernel,
        mesh=mesh,
        out_type=jax.ShapeDtypeStruct((n, h), jnp.float32),
        scratch_types=(
            [pltpu.VMEM((3, h), jnp.float32),
             pltpu.VMEM((_L,), jnp.int32)]
            + [pltpu.VMEM((blk, h), jnp.float32)] * nbuf
            + [pltpu.SemaphoreType.DMA] * (2 * nbuf)
        ),
    )
    def sc_kernel(nodes_hbm, table_hbm, tid_hbm, out_hbm,
                  table_v, tid_v, *bufs_sems):
        wid = lax.axis_index("s") * _NC + lax.axis_index("c")

        def cond(g):
            return wid + g * nw < nblocks

        bufs = bufs_sems[:nbuf]
        sin = bufs_sems[nbuf:2 * nbuf]
        sout = bufs_sems[2 * nbuf:]

        def load(g, b):
            rs = (wid + g * nw) * blk
            return pltpu.make_async_copy(
                nodes_hbm.at[pl.ds(rs, blk)], bufs[b], sin[b])

        def store(g, b):
            rs = (wid + g * nw) * blk
            return pltpu.make_async_copy(
                bufs[b], out_hbm.at[pl.ds(rs, blk)], sout[b])

        lookahead = nbuf - 1
        for g in range(min(lookahead, gmax)):
            @pl.when(cond(g))
            def _(g=g):
                load(g, g % nbuf).start()

        pltpu.sync_copy(table_hbm, table_v)
        pltpu.sync_copy(tid_hbm, tid_v)
        tid_vec = tid_v[...]
        m0 = tid_vec == 0
        m1 = tid_vec == 1
        rowc = []
        for c in range(nch):
            r0 = table_v[0, pl.ds(c * _L, _L)]
            r1 = table_v[1, pl.ds(c * _L, _L)]
            r2 = table_v[2, pl.ds(c * _L, _L)]
            rowc.append(jnp.where(m0, r0, jnp.where(m1, r1, r2)))

        def compute(b):
            buf = bufs[b]

            def row_body(r, _):
                for c in range(nch):
                    sl = pl.ds(c * _L, _L)
                    buf[r, sl] = buf[r, sl] + rowc[c]
                return _

            lax.fori_loop(0, blk, row_body, None)

        n_super = -(-gmax // nbuf)

        def super_body(s, _):
            g0 = s * nbuf
            for b in range(nbuf):
                g = g0 + b

                @pl.when(cond(g + lookahead))
                def _(g=g, b=b):
                    @pl.when(g >= 1)
                    def _():
                        store(g - 1, (b - 1) % nbuf).wait()
                    load(g + lookahead, (b + lookahead) % nbuf).start()

                @pl.when(cond(g))
                def _(g=g, b=b):
                    load(g, b).wait()
                    compute(b)
                    store(g, b).start()
            return _

        lax.fori_loop(0, n_super, super_body, None)

        for q in range(nbuf):
            g = gmax - nbuf + q
            if g >= 0:
                store(g, g % nbuf).wait()

    return sc_kernel


def kernel(node_embeddings, task_embedding, task_id):
    n, h = node_embeddings.shape
    tid_arr = jnp.full((_L,), task_id, jnp.int32)
    sc = _make_sc_kernel(n, h)
    return sc(node_embeddings, task_embedding, tid_arr)

# --- scband reference (transcript-rebuilt; emitter-appended) ---
"""Pipeline reference for scband-task-conditioner-27960237097196 (READ-ONLY COPY).

The authoritative reference and input builder live on the scoring server;
editing this copy changes nothing except your own understanding.
"""

import jax, jax.numpy as jnp
import numpy as np

TASK_TO_ID = {'entity_consolidation': 0, 'semantic_linking': 1, 'attribute_canonicalization': 2}


def setup_inputs(seed: int = 0) -> dict:
    key = jax.random.key(seed)
    k1, k2 = jax.random.split(key)
    node_embeddings = jax.random.normal(k1, (100000, 512), dtype=jnp.float32)
    # learned parameter: nn.Embedding(3, hidden_size).weight
    task_embedding = jax.random.normal(k2, (3, 512), dtype=jnp.float32)
    # task_name='semantic_linking' -> id 1; router_mode='token' (the only mode that mutates inputs)
    task_id = 1
    return {'node_embeddings': node_embeddings, 'task_embedding': task_embedding, 'task_id': task_id}


def reference(node_embeddings, task_embedding, task_id):
    # condition_nodes(node_embeddings, task_name, router_mode='token'):
    #   task_embed = self.task_embedding.weight[TASK_TO_ID[task_name]]
    #   return node_embeddings + task_embed.unsqueeze(0)
    task_embed = jnp.take(task_embedding, task_id, axis=0)
    return node_embeddings + task_embed[None, :]

if __name__ == "__main__":
    import jax
    _d = setup_inputs()
    print(jax.jit(kernel)(*tuple(_d.values())))

</pallas_src>

<mosaic_0001>
#map = affine_map<(d0, d1) -> (0, 0)>
#map1 = affine_map<(d0, d1) -> (0)>
module attributes {stable_mosaic.version = 14 : i64} {
  func.func @sc_kernel(%arg0: i32, %arg1: i32, %arg2: memref<100000x512xf32, #tpu.memory_space<hbm>>, %arg3: memref<3x512xf32, #tpu.memory_space<hbm>>, %arg4: memref<16xi32, #tpu.memory_space<hbm>>, %arg5: memref<100000x512xf32, #tpu.memory_space<hbm>>, %arg6: memref<3x512xf32, #tpu.memory_space<vmem>>, %arg7: memref<16xi32, #tpu.memory_space<vmem>>, %arg8: memref<80x512xf32, #tpu.memory_space<vmem>>, %arg9: memref<80x512xf32, #tpu.memory_space<vmem>>, %arg10: memref<80x512xf32, #tpu.memory_space<vmem>>, %arg11: memref<!tpu.dma_semaphore, #tpu.memory_space<semaphore_mem>>, %arg12: memref<!tpu.dma_semaphore, #tpu.memory_space<semaphore_mem>>, %arg13: memref<!tpu.dma_semaphore, #tpu.memory_space<semaphore_mem>>, %arg14: memref<!tpu.dma_semaphore, #tpu.memory_space<semaphore_mem>>, %arg15: memref<!tpu.dma_semaphore, #tpu.memory_space<semaphore_mem>>, %arg16: memref<!tpu.dma_semaphore, #tpu.memory_space<semaphore_mem>>) attributes {dimension_semantics = [#tpu.dimension_semantics<core_parallel>, #tpu.dimension_semantics<subcore_parallel>], iteration_bounds = array<i64: 2, 16>, scalar_prefetch = 0 : i64, scratch_operands = 11 : i64, tpu.core_type = #tpu.core_type<sc_vector_subcore>, window_params = [{transform_indices = #map}, {transform_indices = #map}, {transform_indices = #map1}, {transform_indices = #map}]} {
    %mul3A = arith.constant 2 : i32
    %mul3A_0 = arith.muli %arg1, %mul3A : i32
    %add3A = arith.addi %mul3A_0, %arg0 : i32
    %add3A_1 = arith.constant 0 : i32
    %add3A_2 = arith.addi %add3A, %add3A_1 : i32
    %lt3A = arith.constant 1250 : i32
    %lt3A_3 = arith.cmpi slt, %add3A_2, %lt3A : i32
    %convert_element_type3A = arith.extui %lt3A_3 : i1 to i32
    %cond3A = arith.constant 0 : i32
    %cond3A_4 = arith.cmpi ne, %convert_element_type3A, %cond3A : i32
    scf.if %cond3A_4 {
      %add3A_589 = arith.constant 0 : i32
      %add3A_590 = arith.addi %add3A, %add3A_589 : i32
      %mul3A_591 = arith.constant 80 : i32
      %mul3A_592 = arith.muli %add3A_590, %mul3A_591 : i32
      %dma_start3A = arith.constant 0 : i32
      %dma_start3A_593 = tpu.memref_slice %arg2[%mul3A_592, %dma_start3A] : memref<100000x512xf32, #tpu.memory_space<hbm>> -> memref<80x512xf32, #tpu.memory_space<hbm>>
      %dma_start3A_594 = arith.constant 0 : i32
      %dma_start3A_595 = tpu.memref_slice %arg2[%mul3A_592, %dma_start3A_594] : memref<100000x512xf32, #tpu.memory_space<hbm>> -> memref<80x512xf32, #tpu.memory_space<hbm>>
      tpu.enqueue_dma source(%dma_start3A_595 : memref<80x512xf32, #tpu.memory_space<hbm>>) target(%arg8 : memref<80x512xf32, #tpu.memory_space<vmem>>) target_semaphore(%arg11 : memref<!tpu.dma_semaphore, #tpu.memory_space<semaphore_mem>>)
    } else {
    }
    %add3A_5 = arith.constant 32 : i32
    %add3A_6 = arith.addi %add3A, %add3A_5 : i32
    %lt3A_7 = arith.constant 1250 : i32
    %lt3A_8 = arith.cmpi slt, %add3A_6, %lt3A_7 : i32
    %convert_element_type3A_9 = arith.extui %lt3A_8 : i1 to i32
    %cond3A_10 = arith.constant 0 : i32
    %cond3A_11 = arith.cmpi ne, %convert_element_type3A_9, %cond3A_10 : i32
    scf.if %cond3A_11 {
      %add3A_589 = arith.constant 32 : i32
      %add3A_590 = arith.addi %add3A, %add3A_589 : i32
      %mul3A_591 = arith.constant 80 : i32
      %mul3A_592 = arith.muli %add3A_590, %mul3A_591 : i32
      %dma_start3A = arith.constant 0 : i32
      %dma_start3A_593 = tpu.memref_slice %arg2[%mul3A_592, %dma_start3A] : memref<100000x512xf32, #tpu.memory_space<hbm>> -> memref<80x512xf32, #tpu.memory_space<hbm>>
      %dma_start3A_594 = arith.constant 0 : i32
      %dma_start3A_595 = tpu.memref_slice %arg2[%mul3A_592, %dma_start3A_594] : memref<100000x512xf32, #tpu.memory_space<hbm>> -> memref<80x512xf32, #tpu.memory_space<hbm>>
      tpu.enqueue_dma source(%dma_start3A_595 : memref<80x512xf32, #tpu.memory_space<hbm>>) target(%arg9 : memref<80x512xf32, #tpu.memory_space<vmem>>) target_semaphore(%arg12 : memref<!tpu.dma_semaphore, #tpu.memory_space<semaphore_mem>>)
    } else {
    }
    "tpu.region"() ({
      %run_scoped3A = tpu.sem_alloc : memref<!tpu.dma_semaphore, #tpu.memory_space<semaphore_mem>>
      tpu.enqueue_dma source(%arg3 : memref<3x512xf32, #tpu.memory_space<hbm>>) target(%arg6 : memref<3x512xf32, #tpu.memory_space<vmem>>) target_semaphore(%run_scoped3A : memref<!tpu.dma_semaphore, #tpu.memory_space<semaphore_mem>>)
      tpu.wait_dma2 semaphore(%run_scoped3A : memref<!tpu.dma_semaphore, #tpu.memory_space<semaphore_mem>>) src(%arg3 : memref<3x512xf32, #tpu.memory_space<hbm>>) dst(%arg6 : memref<3x512xf32, #tpu.memory_space<vmem>>)
      tpu.yield
    }) : () -> ()
    "tpu.region"() ({
      %run_scoped3A = tpu.sem_alloc : memref<!tpu.dma_semaphore, #tpu.memory_space<semaphore_mem>>
      tpu.enqueue_dma source(%arg4 : memref<16xi32, #tpu.memory_space<hbm>>) target(%arg7 : memref<16xi32, #tpu.memory_space<vmem>>) target_semaphore(%run_scoped3A : memref<!tpu.dma_semaphore, #tpu.memory_space<semaphore_mem>>)
      tpu.wait_dma2 semaphore(%run_scoped3A : memref<!tpu.dma_semaphore, #tpu.memory_space<semaphore_mem>>) src(%arg4 : memref<16xi32, #tpu.memory_space<hbm>>) dst(%arg7 : memref<16xi32, #tpu.memory_space<vmem>>)
      tpu.yield
    }) : () -> ()
    %get3A = arith.constant 0 : index
    %get3A_12 = tpu.vector_load %arg7[%get3A] {strides = array<i32>} : memref<16xi32, #tpu.memory_space<vmem>>, vector<16xi32>,
    %get3A_13 = vector.shape_cast %get3A_12 : vector<16xi32> to vector<16xi32>
    %eq3A = arith.constant 0 : i32
    %eq3A_14 = vector.broadcast %eq3A : i32 to vector<16xi32>
    %eq3A_15 = arith.cmpi eq, %get3A_13, %eq3A_14 : vector<16xi32>
    %eq3A_16 = arith.constant 1 : i32
    %eq3A_17 = vector.broadcast %eq3A_16 : i32 to vector<16xi32>
    %eq3A_18 = arith.cmpi eq, %get3A_13, %eq3A_17 : vector<16xi32>
    %get3A_19 = arith.constant 0 : i32
    %get3A_20 = arith.index_cast %get3A_19 : i32 to index
    %get3A_21 = arith.constant 0 : index
    %get3A_22 = tpu.vector_load %arg6[%get3A_20, %get3A_21] {strides = array<i32>} : memref<3x512xf32, #tpu.memory_space<vmem>>, vector<1x16xf32>,
    %get3A_23 = vector.shape_cast %get3A_22 : vector<1x16xf32> to vector<16xf32>
    %get3A_24 = arith.constant 1 : i32
    %get3A_25 = arith.index_cast %get3A_24 : i32 to index
    %get3A_26 = arith.constant 0 : index
    %get3A_27 = tpu.vector_load %arg6[%get3A_25, %get3A_26] {strides = array<i32>} : memref<3x512xf32, #tpu.memory_space<vmem>>, vector<1x16xf32>,
    %get3A_28 = vector.shape_cast %get3A_27 : vector<1x16xf32> to vector<16xf32>
    %get3A_29 = arith.constant 2 : i32
    %get3A_30 = arith.index_cast %get3A_29 : i32 to index
    %get3A_31 = arith.constant 0 : index
    %get3A_32 = tpu.vector_load %arg6[%get3A_30, %get3A_31] {strides = array<i32>} : memref<3x512xf32, #tpu.memory_space<vmem>>, vector<1x16xf32>,
    %get3A_33 = vector.shape_cast %get3A_32 : vector<1x16xf32> to vector<16xf32>
    %select_n3A = arith.select %eq3A_18, %get3A_28, %get3A_33 : vector<16xi1>, vector<16xf32>
    %select_n3A_34 = arith.select %eq3A_15, %get3A_23, %select_n3A : vector<16xi1>, vector<16xf32>
    %get3A_35 = arith.constant 0 : i32
    %get3A_36 = arith.index_cast %get3A_35 : i32 to index
    %get3A_37 = arith.constant 16 : index
    %get3A_38 = tpu.vector_load %arg6[%get3A_36, %get3A_37] {strides = array<i32>} : memref<3x512xf32, #tpu.memory_space<vmem>>, vector<1x16xf32>,
    %get3A_39 = vector.shape_cast %get3A_38 : vector<1x16xf32> to vector<16xf32>
    %get3A_40 = arith.constant 1 : i32
    %get3A_41 = arith.index_cast %get3A_40 : i32 to index
    %get3A_42 = arith.constant 16 : index
    %get3A_43 = tpu.vector_load %arg6[%get3A_41, %get3A_42] {strides = array<i32>} : memref<3x512xf32, #tpu.memory_space<vmem>>, vector<1x16xf32>,
    %get3A_44 = vector.shape_cast %get3A_43 : vector<1x16xf32> to vector<16xf32>
    %get3A_45 = arith.constant 2 : i32
    %get3A_46 = arith.index_cast %get3A_45 : i32 to index
    %get3A_47 = arith.constant 16 : index
    %get3A_48 = tpu.vector_load %arg6[%get3A_46, %get3A_47] {strides = array<i32>} : memref<3x512xf32, #tpu.memory_space<vmem>>, vector<1x16xf32>,
    %get3A_49 = vector.shape_cast %get3A_48 : vector<1x16xf32> to vector<16xf32>
    %select_n3A_50 = arith.select %eq3A_18, %get3A_44, %get3A_49 : vector<16xi1>, vector<16xf32>
    %select_n3A_51 = arith.select %eq3A_15, %get3A_39, %select_n3A_50 : vector<16xi1>, vector<16xf32>
    %get3A_52 = arith.constant 0 : i32
    %get3A_53 = arith.index_cast %get3A_52 : i32 to index
    %get3A_54 = arith.constant 32 : index
    %get3A_55 = tpu.vector_load %arg6[%get3A_53, %get3A_54] {strides = array<i32>} : memref<3x512xf32, #tpu.memory_space<vmem>>, vector<1x16xf32>,
    %get3A_56 = vector.shape_cast %get3A_55 : vector<1x16xf32> to vector<16xf32>
    %get3A_57 = arith.constant 1 : i32
    %get3A_58 = arith.index_cast %get3A_57 : i32 to index
    %get3A_59 = arith.constant 32 : index
    %get3A_60 = tpu.vector_load %arg6[%get3A_58, %get3A_59] {strides = array<i32>} : memref<3x512xf32, #tpu.memory_space<vmem>>, vector<1x16xf32>,
    %get3A_61 = vector.shape_cast %get3A_60 : vector<1x16xf32> to vector<16xf32>
    %get3A_62 = arith.constant 2 : i32
    %get3A_63 = arith.index_cast %get3A_62 : i32 to index
    %get3A_64 = arith.constant 32 : index
    %get3A_65 = tpu.vector_load %arg6[%get3A_63, %get3A_64] {strides = array<i32>} : memref<3x512xf32, #tpu.memory_space<vmem>>, vector<1x16xf32>,
    %get3A_66 = vector.shape_cast %get3A_65 : vector<1x16xf32> to vector<16xf32>
    %select_n3A_67 = arith.select %eq3A_18, %get3A_61, %get3A_66 : vector<16xi1>, vector<16xf32>
    %select_n3A_68 = arith.select %eq3A_15, %get3A_56, %select_n3A_67 : vector<16xi1>, vector<16xf32>
    %get3A_69 = arith.constant 0 : i32
    %get3A_70 = arith.index_cast %get3A_69 : i32 to index
    %get3A_71 = arith.constant 48 : index
    %get3A_72 = tpu.vector_load %arg6[%get3A_70, %get3A_71] {strides = array<i32>} : memref<3x512xf32, #tpu.memory_space<vmem>>, vector<1x16xf32>,
    %get3A_73 = vector.shape_cast %get3A_72 : vector<1x16xf32> to vector<16xf32>
    %get3A_74 = arith.constant 1 : i32
    %get3A_75 = arith.index_cast %get3A_74 : i32 to index
    %get3A_76 = arith.constant 48 : index
    %get3A_77 = tpu.vector_load %arg6[%get3A_75, %get3A_76] {strides = array<i32>} : memref<3x512xf32, #tpu.memory_space<vmem>>, vector<1x16xf32>,
    %get3A_78 = vector.shape_cast %get3A_77 : vector<1x16xf32> to vector<16xf32>
    %get3A_79 = arith.constant 2 : i32
    %get3A_80 = arith.index_cast %get3A_79 : i32 to index
    %get3A_81 = arith.constant 48 : index
    %get3A_82 = tpu.vector_load %arg6[%get3A_80, %get3A_81] {strides = array<i32>} : memref<3x512xf32, #tpu.memory_space<vmem>>, vector<1x16xf32>,
    %get3A_83 = vector.shape_cast %get3A_82 : vector<1x16xf32> to vector<16xf32>
    %select_n3A_84 = arith.select %eq3A_18, %get3A_78, %get3A_83 : vector<16xi1>, vector<16xf32>
    %select_n3A_85 = arith.select %eq3A_15, %get3A_73, %select_n3A_84 : vector<16xi1>, vector<16xf32>
    %get3A_86 = arith.constant 0 : i32
    %get3A_87 = arith.index_cast %get3A_86 : i32 to index
    %get3A_88 = arith.constant 64 : index
    %get3A_89 = tpu.vector_load %arg6[%get3A_87, %get3A_88] {strides = array<i32>} : memref<3x512xf32, #tpu.memory_space<vmem>>, vector<1x16xf32>,
    %get3A_90 = vector.shape_cast %get3A_89 : vector<1x16xf32> to vector<16xf32>
    %get3A_91 = arith.constant 1 : i32
    %get3A_92 = arith.index_cast %get3A_91 : i32 to index
    %get3A_93 = arith.constant 64 : index
    %get3A_94 = tpu.vector_load %arg6[%get3A_92, %get3A_93] {strides = array<i32>} : memref<3x512xf32, #tpu.memory_space<vmem>>, vector<1x16xf32>,
    %get3A_95 = vector.shape_cast %get3A_94 : vector<1x16xf32> to vector<16xf32>
    %get3A_96 = arith.constant 2 : i32
    %get3A_97 = arith.index_cast %get3A_96 : i32 to index
    %get3A_98 = arith.constant 64 : index
    %get3A_99 = tpu.vector_load %arg6[%get3A_97, %get3A_98] {strides = array<i32>} : memref<3x512xf32, #tpu.memory_space<vmem>>, vector<1x16xf32>,
    %get3A_100 = vector.shape_cast %get3A_99 : vector<1x16xf32> to vector<16xf32>
    %select_n3A_101 = arith.select %eq3A_18, %get3A_95, %get3A_100 : vector<16xi1>, vector<16xf32>
    %select_n3A_102 = arith.select %eq3A_15, %get3A_90, %select_n3A_101 : vector<16xi1>, vector<16xf32>
    %get3A_103 = arith.constant 0 : i32
    %get3A_104 = arith.index_cast %get3A_103 : i32 to index
    %get3A_105 = arith.constant 80 : index
    %get3A_106 = tpu.vector_load %arg6[%get3A_104, %get3A_105] {strides = array<i32>} : memref<3x512xf32, #tpu.memory_space<vmem>>, vector<1x16xf32>,
    %get3A_107 = vector.shape_cast %get3A_106 : vector<1x16xf32> to vector<16xf32>
    %get3A_108 = arith.constant 1 : i32
    %get3A_109 = arith.index_cast %get3A_108 : i32 to index
    %get3A_110 = arith.constant 80 : index
    %get3A_111 = tpu.vector_load %arg6[%get3A_109, %get3A_110] {strides = array<i32>} : memref<3x512xf32, #tpu.memory_space<vmem>>, vector<1x16xf32>,
    %get3A_112 = vector.shape_cast %get3A_111 : vector<1x16xf32> to vector<16xf32>
    %get3A_113 = arith.constant 2 : i32
    %get3A_114 = arith.index_cast %get3A_113 : i32 to index
    %get3A_115 = arith.constant 80 : index
    %get3A_116 = tpu.vector_load %arg6[%get3A_114, %get3A_115] {strides = array<i32>} : memref<3x512xf32, #tpu.memory_space<vmem>>, vector<1x16xf32>,
    %get3A_117 = vector.shape_cast %get3A_116 : vector<1x16xf32> to vector<16xf32>
    %select_n3A_118 = arith.select %eq3A_18, %get3A_112, %get3A_117 : vector<16xi1>, vector<16xf32>
    %select_n3A_119 = arith.select %eq3A_15, %get3A_107, %select_n3A_118 : vector<16xi1>, vector<16xf32>
    %get3A_120 = arith.constant 0 : i32
    %get3A_121 = arith.index_cast %get3A_120 : i32 to index
    %get3A_122 = arith.constant 96 : index
    %get3A_123 = tpu.vector_load %arg6[%get3A_121, %get3A_122] {strides = array<i32>} : memref<3x512xf32, #tpu.memory_space<vmem>>, vector<1x16xf32>,
    %get3A_124 = vector.shape_cast %get3A_123 : vector<1x16xf32> to vector<16xf32>
    %get3A_125 = arith.constant 1 : i32
    %get3A_126 = arith.index_cast %get3A_125 : i32 to index
    %get3A_127 = arith.constant 96 : index
    %get3A_128 = tpu.vector_load %arg6[%get3A_126, %get3A_127] {strides = array<i32>} : memref<3x512xf32, #tpu.memory_space<vmem>>, vector<1x16xf32>,
    %get3A_129 = vector.shape_cast %get3A_128 : vector<1x16xf32> to vector<16xf32>
    %get3A_130 = arith.constant 2 : i32
    %get3A_131 = arith.index_cast %get3A_130 : i32 to index
    %get3A_132 = arith.constant 96 : index
    %get3A_133 = tpu.vector_load %arg6[%get3A_131, %get3A_132] {strides = array<i32>} : memref<3x512xf32, #tpu.memory_space<vmem>>, vector<1x16xf32>,
    %get3A_134 = vector.shape_cast %get3A_133 : vector<1x16xf32> to vector<16xf32>
    %select_n3A_135 = arith.select %eq3A_18, %get3A_129, %get3A_134 : vector<16xi1>, vector<16xf32>
    %select_n3A_136 = arith.select %eq3A_15, %get3A_124, %select_n3A_135 : vector<16xi1>, vector<16xf32>
    %get3A_137 = arith.constant 0 : i32
    %get3A_138 = arith.index_cast %get3A_137 : i32 to index
    %get3A_139 = arith.constant 112 : index
    %get3A_140 = tpu.vector_load %arg6[%get3A_138, %get3A_139] {strides = array<i32>} : memref<3x512xf32, #tpu.memory_space<vmem>>, vector<1x16xf32>,
    %get3A_141 = vector.shape_cast %get3A_140 : vector<1x16xf32> to vector<16xf32>
    %get3A_142 = arith.constant 1 : i32
    %get3A_143 = arith.index_cast %get3A_142 : i32 to index
    %get3A_144 = arith.constant 112 : index
    %get3A_145 = tpu.vector_load %arg6[%get3A_143, %get3A_144] {strides = array<i32>} : memref<3x512xf32, #tpu.memory_space<vmem>>, vector<1x16xf32>,
    %get3A_146 = vector.shape_cast %get3A_145 : vector<1x16xf32> to vector<16xf32>
    %get3A_147 = arith.constant 2 : i32
    %get3A_148 = arith.index_cast %get3A_147 : i32 to index
    %get3A_149 = arith.constant 112 : index
    %get3A_150 = tpu.vector_load %arg6[%get3A_148, %get3A_149] {strides = array<i32>} : memref<3x512xf32, #tpu.memory_space<vmem>>, vector<1x16xf32>,
    %get3A_151 = vector.shape_cast %get3A_150 : vector<1x16xf32> to vector<16xf32>
    %select_n3A_152 = arith.select %eq3A_18, %get3A_146, %get3A_151 : vector<16xi1>, vector<16xf32>
    %select_n3A_153 = arith.select %eq3A_15, %get3A_141, %select_n3A_152 : vector<16xi1>, vector<16xf32>
    %get3A_154 = arith.constant 0 : i32
    %get3A_155 = arith.index_cast %get3A_154 : i32 to index
    %get3A_156 = arith.constant 128 : index
    %get3A_157 = tpu.vector_load %arg6[%get3A_155, %get3A_156] {strides = array<i32>} : memref<3x512xf32, #tpu.memory_space<vmem>>, vector<1x16xf32>,
    %get3A_158 = vector.shape_cast %get3A_157 : vector<1x16xf32> to vector<16xf32>
    %get3A_159 = arith.constant 1 : i32
    %get3A_160 = arith.index_cast %get3A_159 : i32 to index
    %get3A_161 = arith.constant 128 : index
    %get3A_162 = tpu.vector_load %arg6[%get3A_160, %get3A_161] {strides = array<i32>} : memref<3x512xf32, #tpu.memory_space<vmem>>, vector<1x16xf32>,
    %get3A_163 = vector.shape_cast %get3A_162 : vector<1x16xf32> to vector<16xf32>
    %get3A_164 = arith.constant 2 : i32
    %get3A_165 = arith.index_cast %get3A_164 : i32 to index
    %get3A_166 = arith.constant 128 : index
    %get3A_167 = tpu.vector_load %arg6[%get3A_165, %get3A_166] {strides = array<i32>} : memref<3x512xf32, #tpu.memory_space<vmem>>, vector<1x16xf32>,
    %get3A_168 = vector.shape_cast %get3A_167 : vector<1x16xf32> to vector<16xf32>
    %select_n3A_169 = arith.select %eq3A_18, %get3A_163, %get3A_168 : vector<16xi1>, vector<16xf32>
    %select_n3A_170 = arith.select %eq3A_15, %get3A_158, %select_n3A_169 : vector<16xi1>, vector<16xf32>
    %get3A_171 = arith.constant 0 : i32
    %get3A_172 = arith.index_cast %get3A_171 : i32 to index
    %get3A_173 = arith.constant 144 : index
    %get3A_174 = tpu.vector_load %arg6[%get3A_172, %get3A_173] {strides = array<i32>} : memref<3x512xf32, #tpu.memory_space<vmem>>, vector<1x16xf32>,
    %get3A_175 = vector.shape_cast %get3A_174 : vector<1x16xf32> to vector<16xf32>
    %get3A_176 = arith.constant 1 : i32
    %get3A_177 = arith.index_cast %get3A_176 : i32 to index
    %get3A_178 = arith.constant 144 : index
    %get3A_179 = tpu.vector_load %arg6[%get3A_177, %get3A_178] {strides = array<i32>} : memref<3x512xf32, #tpu.memory_space<vmem>>, vector<1x16xf32>,
    %get3A_180 = vector.shape_cast %get3A_179 : vector<1x16xf32> to vector<16xf32>
    %get3A_181 = arith.constant 2 : i32
    %get3A_182 = arith.index_cast %get3A_181 : i32 to index
    %get3A_183 = arith.constant 144 : index
    %get3A_184 = tpu.vector_load %arg6[%get3A_182, %get3A_183] {strides = array<i32>} : memref<3x512xf32, #tpu.memory_space<vmem>>, vector<1x16xf32>,
    %get3A_185 = vector.shape_cast %get3A_184 : vector<1x16xf32> to vector<16xf32>
    %select_n3A_186 = arith.select %eq3A_18, %get3A_180, %get3A_185 : vector<16xi1>, vector<16xf32>
    %select_n3A_187 = arith.select %eq3A_15, %get3A_175, %select_n3A_186 : vector<16xi1>, vector<16xf32>
    %get3A_188 = arith.constant 0 : i32
    %get3A_189 = arith.index_cast %get3A_188 : i32 to index
    %get3A_190 = arith.constant 160 : index
    %get3A_191 = tpu.vector_load %arg6[%get3A_189, %get3A_190] {strides = array<i32>} : memref<3x512xf32, #tpu.memory_space<vmem>>, vector<1x16xf32>,
    %get3A_192 = vector.shape_cast %get3A_191 : vector<1x16xf32> to vector<16xf32>
    %get3A_193 = arith.constant 1 : i32
    %get3A_194 = arith.index_cast %get3A_193 : i32 to index
    %get3A_195 = arith.constant 160 : index
    %get3A_196 = tpu.vector_load %arg6[%get3A_194, %get3A_195] {strides = array<i32>} : memref<3x512xf32, #tpu.memory_space<vmem>>, vector<1x16xf32>,
    %get3A_197 = vector.shape_cast %get3A_196 : vector<1x16xf32> to vector<16xf32>
    %get3A_198 = arith.constant 2 : i32
    %get3A_199 = arith.index_cast %get3A_198 : i32 to index
    %get3A_200 = arith.constant 160 : index
    %get3A_201 = tpu.vector_load %arg6[%get3A_199, %get3A_200] {strides = array<i32>} : memref<3x512xf32, #tpu.memory_space<vmem>>, vector<1x16xf32>,
    %get3A_202 = vector.shape_cast %get3A_201 : vector<1x16xf32> to vector<16xf32>
    %select_n3A_203 = arith.select %eq3A_18, %get3A_197, %get3A_202 : vector<16xi1>, vector<16xf32>
    %select_n3A_204 = arith.select %eq3A_15, %get3A_192, %select_n3A_203 : vector<16xi1>, vector<16xf32>
    %get3A_205 = arith.constant 0 : i32
    %get3A_206 = arith.index_cast %get3A_205 : i32 to index
    %get3A_207 = arith.constant 176 : index
    %get3A_208 = tpu.vector_load %arg6[%get3A_206, %get3A_207] {strides = array<i32>} : memref<3x512xf32, #tpu.memory_space<vmem>>, vector<1x16xf32>,
    %get3A_209 = vector.shape_cast %get3A_208 : vector<1x16xf32> to vector<16xf32>
    %get3A_210 = arith.constant 1 : i32
    %get3A_211 = arith.index_cast %get3A_210 : i32 to index
    %get3A_212 = arith.constant 176 : index
    %get3A_213 = tpu.vector_load %arg6[%get3A_211, %get3A_212] {strides = array<i32>} : memref<3x512xf32, #tpu.memory_space<vmem>>, vector<1x16xf32>,
    %get3A_214 = vector.shape_cast %get3A_213 : vector<1x16xf32> to vector<16xf32>
    %get3A_215 = arith.constant 2 : i32
    %get3A_216 = arith.index_cast %get3A_215 : i32 to index
    %get3A_217 = arith.constant 176 : index
    %get3A_218 = tpu.vector_load %arg6[%get3A_216, %get3A_217] {strides = array<i32>} : memref<3x512xf32, #tpu.memory_space<vmem>>, vector<1x16xf32>,
    %get3A_219 = vector.shape_cast %get3A_218 : vector<1x16xf32> to vector<16xf32>
    %select_n3A_220 = arith.select %eq3A_18, %get3A_214, %get3A_219 : vector<16xi1>, vector<16xf32>
    %select_n3A_221 = arith.select %eq3A_15, %get3A_209, %select_n3A_220 : vector<16xi1>, vector<16xf32>
    %get3A_222 = arith.constant 0 : i32
    %get3A_223 = arith.index_cast %get3A_222 : i32 to index
    %get3A_224 = arith.constant 192 : index
    %get3A_225 = tpu.vector_load %arg6[%get3A_223, %get3A_224] {strides = array<i32>} : memref<3x512xf32, #tpu.memory_space<vmem>>, vector<1x16xf32>,
    %get3A_226 = vector.shape_cast %get3A_225 : vector<1x16xf32> to vector<16xf32>
    %get3A_227 = arith.constant 1 : i32
    %get3A_228 = arith.index_cast %get3A_227 : i32 to index
    %get3A_229 = arith.constant 192 : index
    %get3A_230 = tpu.vector_load %arg6[%get3A_228, %get3A_229] {strides = array<i32>} : memref<3x512xf32, #tpu.memory_space<vmem>>, vector<1x16xf32>,
    %get3A_231 = vector.shape_cast %get3A_230 : vector<1x16xf32> to vector<16xf32>
    %get3A_232 = arith.constant 2 : i32
    %get3A_233 = arith.index_cast %get3A_232 : i32 to index
    %get3A_234 = arith.constant 192 : index
    %get3A_235 = tpu.vector_load %arg6[%get3A_233, %get3A_234] {strides = array<i32>} : memref<3x512xf32, #tpu.memory_space<vmem>>, vector<1x16xf32>,
    %get3A_236 = vector.shape_cast %get3A_235 : vector<1x16xf32> to vector<16xf32>
    %select_n3A_237 = arith.select %eq3A_18, %get3A_231, %get3A_236 : vector<16xi1>, vector<16xf32>
    %select_n3A_238 = arith.select %eq3A_15, %get3A_226, %select_n3A_237 : vector<16xi1>, vector<16xf32>
    %get3A_239 = arith.constant 0 : i32
    %get3A_240 = arith.index_cast %get3A_239 : i32 to index
    %get3A_241 = arith.constant 208 : index
    %get3A_242 = tpu.vector_load %arg6[%get3A_240, %get3A_241] {strides = array<i32>} : memref<3x512xf32, #tpu.memory_space<vmem>>, vector<1x16xf32>,
    %get3A_243 = vector.shape_cast %get3A_242 : vector<1x16xf32> to vector<16xf32>
    %get3A_244 = arith.constant 1 : i32
    %get3A_245 = arith.index_cast %get3A_244 : i32 to index
    %get3A_246 = arith.constant 208 : index
    %get3A_247 = tpu.vector_load %arg6[%get3A_245, %get3A_246] {strides = array<i32>} : memref<3x512xf32, #tpu.memory_space<vmem>>, vector<1x16xf32>,
    %get3A_248 = vector.shape_cast %get3A_247 : vector<1x16xf32> to vector<16xf32>
    %get3A_249 = arith.constant 2 : i32
    %get3A_250 = arith.index_cast %get3A_249 : i32 to index
    %get3A_251 = arith.constant 208 : index
    %get3A_252 = tpu.vector_load %arg6[%get3A_250, %get3A_251] {strides = array<i32>} : memref<3x512xf32, #tpu.memory_space<vmem>>, vector<1x16xf32>,
    %get3A_253 = vector.shape_cast %get3A_252 : vector<1x16xf32> to vector<16xf32>
    %select_n3A_254 = arith.select %eq3A_18, %get3A_248, %get3A_253 : vector<16xi1>, vector<16xf32>
    %select_n3A_255 = arith.select %eq3A_15, %get3A_243, %select_n3A_254 : vector<16xi1>, vector<16xf32>
    %get3A_256 = arith.constant 0 : i32
    %get3A_257 = arith.index_cast %get3A_256 : i32 to index
    %get3A_258 = arith.constant 224 : index
    %get3A_259 = tpu.vector_load %arg6[%get3A_257, %get3A_258] {strides = array<i32>} : memref<3x512xf32, #tpu.memory_space<vmem>>, vector<1x16xf32>,
    %get3A_260 = vector.shape_cast %get3A_259 : vector<1x16xf32> to vector<16xf32>
    %get3A_261 = arith.constant 1 : i32
    %get3A_262 = arith.index_cast %get3A_261 : i32 to index
    %get3A_263 = arith.constant 224 : index
    %get3A_264 = tpu.vector_load %arg6[%get3A_262, %get3A_263] {strides = array<i32>} : memref<3x512xf32, #tpu.memory_space<vmem>>, vector<1x16xf32>,
    %get3A_265 = vector.shape_cast %get3A_264 : vector<1x16xf32> to vector<16xf32>
    %get3A_266 = arith.constant 2 : i32
    %get3A_267 = arith.index_cast %get3A_266 : i32 to index
    %get3A_268 = arith.constant 224 : index
    %get3A_269 = tpu.vector_load %arg6[%get3A_267, %get3A_268] {strides = array<i32>} : memref<3x512xf32, #tpu.memory_space<vmem>>, vector<1x16xf32>,
    %get3A_270 = vector.shape_cast %get3A_269 : vector<1x16xf32> to vector<16xf32>
    %select_n3A_271 = arith.select %eq3A_18, %get3A_265, %get3A_270 : vector<16xi1>, vector<16xf32>
    %select_n3A_272 = arith.select %eq3A_15, %get3A_260, %select_n3A_271 : vector<16xi1>, vector<16xf32>
    %get3A_273 = arith.constant 0 : i32
    %get3A_274 = arith.index_cast %get3A_273 : i32 to index
    %get3A_275 = arith.constant 240 : index
    %get3A_276 = tpu.vector_load %arg6[%get3A_274, %get3A_275] {strides = array<i32>} : memref<3x512xf32, #tpu.memory_space<vmem>>, vector<1x16xf32>,
    %get3A_277 = vector.shape_cast %get3A_276 : vector<1x16xf32> to vector<16xf32>
    %get3A_278 = arith.constant 1 : i32
    %get3A_279 = arith.index_cast %get3A_278 : i32 to index
    %get3A_280 = arith.constant 240 : index
    %get3A_281 = tpu.vector_load %arg6[%get3A_279, %get3A_280] {strides = array<i32>} : memref<3x512xf32, #tpu.memory_space<vmem>>, vector<1x16xf32>,
    %get3A_282 = vector.shape_cast %get3A_281 : vector<1x16xf32> to vector<16xf32>
    %get3A_283 = arith.constant 2 : i32
    %get3A_284 = arith.index_cast %get3A_283 : i32 to index
    %get3A_285 = arith.constant 240 : index
    %get3A_286 = tpu.vector_load %arg6[%get3A_284, %get3A_285] {strides = array<i32>} : memref<3x512xf32, #tpu.memory_space<vmem>>, vector<1x16xf32>,
    %get3A_287 = vector.shape_cast %get3A_286 : vector<1x16xf32> to vector<16xf32>
    %select_n3A_288 = arith.select %eq3A_18, %get3A_282, %get3A_287 : vector<16xi1>, vector<16xf32>
    %select_n3A_289 = arith.select %eq3A_15, %get3A_277, %select_n3A_288 : vector<16xi1>, vector<16xf32>
    %get3A_290 = arith.constant 0 : i32
    %get3A_291 = arith.index_cast %get3A_290 : i32 to index
    %get3A_292 = arith.constant 256 : index
    %get3A_293 = tpu.vector_load %arg6[%get3A_291, %get3A_292] {strides = array<i32>} : memref<3x512xf32, #tpu.memory_space<vmem>>, vector<1x16xf32>,
    %get3A_294 = vector.shape_cast %get3A_293 : vector<1x16xf32> to vector<16xf32>
    %get3A_295 = arith.constant 1 : i32
    %get3A_296 = arith.index_cast %get3A_295 : i32 to index
    %get3A_297 = arith.constant 256 : index
    %get3A_298 = tpu.vector_load %arg6[%get3A_296, %get3A_297] {strides = array<i32>} : memref<3x512xf32, #tpu.memory_space<vmem>>, vector<1x16xf32>,
    %get3A_299 = vector.shape_cast %get3A_298 : vector<1x16xf32> to vector<16xf32>
    %get3A_300 = arith.constant 2 : i32
    %get3A_301 = arith.index_cast %get3A_300 : i32 to index
    %get3A_302 = arith.constant 256 : index
    %get3A_303 = tpu.vector_load %arg6[%get3A_301, %get3A_302] {strides = array<i32>} : memref<3x512xf32, #tpu.memory_space<vmem>>, vector<1x16xf32>,
    %get3A_304 = vector.shape_cast %get3A_303 : vector<1x16xf32> to vector<16xf32>
    %select_n3A_305 = arith.select %eq3A_18, %get3A_299, %get3A_304 : vector<16xi1>, vector<16xf32>
    %select_n3A_306 = arith.select %eq3A_15, %get3A_294, %select_n3A_305 : vector<16xi1>, vector<16xf32>
    %get3A_307 = arith.constant 0 : i32
    %get3A_308 = arith.index_cast %get3A_307 : i32 to index
    %get3A_309 = arith.constant 272 : index
    %get3A_310 = tpu.vector_load %arg6[%get3A_308, %get3A_309] {strides = array<i32>} : memref<3x512xf32, #tpu.memory_space<vmem>>, vector<1x16xf32>,
    %get3A_311 = vector.shape_cast %get3A_310 : vector<1x16xf32> to vector<16xf32>
    %get3A_312 = arith.constant 1 : i32
    %get3A_313 = arith.index_cast %get3A_312 : i32 to index
    %get3A_314 = arith.constant 272 : index
    %get3A_315 = tpu.vector_load %arg6[%get3A_313, %get3A_314] {strides = array<i32>} : memref<3x512xf32, #tpu.memory_space<vmem>>, vector<1x16xf32>,
    %get3A_316 = vector.shape_cast %get3A_315 : vector<1x16xf32> to vector<16xf32>
    %get3A_317 = arith.constant 2 : i32
    %get3A_318 = arith.index_cast %get3A_317 : i32 to index
    %get3A_319 = arith.constant 272 : index
    %get3A_320 = tpu.vector_load %arg6[%get3A_318, %get3A_319] {strides = array<i32>} : memref<3x512xf32, #tpu.memory_space<vmem>>, vector<1x16xf32>,
    %get3A_321 = vector.shape_cast %get3A_320 : vector<1x16xf32> to vector<16xf32>
    %select_n3A_322 = arith.select %eq3A_18, %get3A_316, %get3A_321 : vector<16xi1>, vector<16xf32>
    %select_n3A_323 = arith.select %eq3A_15, %get3A_311, %select_n3A_322 : vector<16xi1>, vector<16xf32>
    %get3A_324 = arith.constant 0 : i32
    %get3A_325 = arith.index_cast %get3A_324 : i32 to index
    %get3A_326 = arith.constant 288 : index
    %get3A_327 = tpu.vector_load %arg6[%get3A_325, %get3A_326] {strides = array<i32>} : memref<3x512xf32, #tpu.memory_space<vmem>>, vector<1x16xf32>,
    %get3A_328 = vector.shape_cast %get3A_327 : vector<1x16xf32> to vector<16xf32>
    %get3A_329 = arith.constant 1 : i32
    %get3A_330 = arith.index_cast %get3A_329 : i32 to index
    %get3A_331 = arith.constant 288 : index
    %get3A_332 = tpu.vector_load %arg6[%get3A_330, %get3A_331] {strides = array<i32>} : memref<3x512xf32, #tpu.memory_space<vmem>>, vector<1x16xf32>,
    %get3A_333 = vector.shape_cast %get3A_332 : vector<1x16xf32> to vector<16xf32>
    %get3A_334 = arith.constant 2 : i32
    %get3A_335 = arith.index_cast %get3A_334 : i32 to index
    %get3A_336 = arith.constant 288 : index
    %get3A_337 = tpu.vector_load %arg6[%get3A_335, %get3A_336] {strides = array<i32>} : memref<3x512xf32, #tpu.memory_space<vmem>>, vector<1x16xf32>,
    %get3A_338 = vector.shape_cast %get3A_337 : vector<1x16xf32> to vector<16xf32>
    %select_n3A_339 = arith.select %eq3A_18, %get3A_333, %get3A_338 : vector<16xi1>, vector<16xf32>
    %select_n3A_340 = arith.select %eq3A_15, %get3A_328, %select_n3A_339 : vector<16xi1>, vector<16xf32>
    %get3A_341 = arith.constant 0 : i32
    %get3A_342 = arith.index_cast %get3A_341 : i32 to index
    %get3A_343 = arith.constant 304 : index
    %get3A_344 = tpu.vector_load %arg6[%get3A_342, %get3A_343] {strides = array<i32>} : memref<3x512xf32, #tpu.memory_space<vmem>>, vector<1x16xf32>,
    %get3A_345 = vector.shape_cast %get3A_344 : vector<1x16xf32> to vector<16xf32>
    %get3A_346 = arith.constant 1 : i32
    %get3A_347 = arith.index_cast %get3A_346 : i32 to index
    %get3A_348 = arith.constant 304 : index
    %get3A_349 = tpu.vector_load %arg6[%get3A_347, %get3A_348] {strides = array<i32>} : memref<3x512xf32, #tpu.memory_space<vmem>>, vector<1x16xf32>,
    %get3A_350 = vector.shape_cast %get3A_349 : vector<1x16xf32> to vector<16xf32>
    %get3A_351 = arith.constant 2 : i32
    %get3A_352 = arith.index_cast %get3A_351 : i32 to index
    %get3A_353 = arith.constant 304 : index
    %get3A_354 = tpu.vector_load %arg6[%get3A_352, %get3A_353] {strides = array<i32>} : memref<3x512xf32, #tpu.memory_space<vmem>>, vector<1x16xf32>,
    %get3A_355 = vector.shape_cast %get3A_354 : vector<1x16xf32> to vector<16xf32>
    %select_n3A_356 = arith.select %eq3A_18, %get3A_350, %get3A_355 : vector<16xi1>, vector<16xf32>
    %select_n3A_357 = arith.select %eq3A_15, %get3A_345, %select_n3A_356 : vector<16xi1>, vector<16xf32>
    %get3A_358 = arith.constant 0 : i32
    %get3A_359 = arith.index_cast %get3A_358 : i32 to index
    %get3A_360 = arith.constant 320 : index
    %get3A_361 = tpu.vector_load %arg6[%get3A_359, %get3A_360] {strides = array<i32>} : memref<3x512xf32, #tpu.memory_space<vmem>>, vector<1x16xf32>,
    %get3A_362 = vector.shape_cast %get3A_361 : vector<1x16xf32> to vector<16xf32>
    %get3A_363 = arith.constant 1 : i32
    %get3A_364 = arith.index_cast %get3A_363 : i32 to index
    %get3A_365 = arith.constant 320 : index
    %get3A_366 = tpu.vector_load %arg6[%get3A_364, %get3A_365] {strides = array<i32>} : memref<3x512xf32, #tpu.memory_space<vmem>>, vector<1x16xf32>,
    %get3A_367 = vector.shape_cast %get3A_366 : vector<1x16xf32> to vector<16xf32>
    %get3A_368 = arith.constant 2 : i32
    %get3A_369 = arith.index_cast %get3A_368 : i32 to index
    %get3A_370 = arith.constant 320 : index
    %get3A_371 = tpu.vector_load %arg6[%get3A_369, %get3A_370] {strides = array<i32>} : memref<3x512xf32, #tpu.memory_space<vmem>>, vector<1x16xf32>,
    %get3A_372 = vector.shape_cast %get3A_371 : vector<1x16xf32> to vector<16xf32>
    %select_n3A_373 = arith.select %eq3A_18, %get3A_367, %get3A_372 : vector<16xi1>, vector<16xf32>
    %select_n3A_374 = arith.select %eq3A_15, %get3A_362, %select_n3A_373 : vector<16xi1>, vector<16xf32>
    %get3A_375 = arith.constant 0 : i32
    %get3A_376 = arith.index_cast %get3A_375 : i32 to index
    %get3A_377 = arith.constant 336 : index
    %get3A_378 = tpu.vector_load %arg6[%get3A_376, %get3A_377] {strides = array<i32>} : memref<3x512xf32, #tpu.memory_space<vmem>>, vector<1x16xf32>,
    %get3A_379 = vector.shape_cast %get3A_378 : vector<1x16xf32> to vector<16xf32>
    %get3A_380 = arith.constant 1 : i32
    %get3A_381 = arith.index_cast %get3A_380 : i32 to index
    %get3A_382 = arith.constant 336 : index
    %get3A_383 = tpu.vector_load %arg6[%get3A_381, %get3A_382] {strides = array<i32>} : memref<3x512xf32, #tpu.memory_space<vmem>>, vector<1x16xf32>,
    %get3A_384 = vector.shape_cast %get3A_383 : vector<1x16xf32> to vector<16xf32>
    %get3A_385 = arith.constant 2 : i32
    %get3A_386 = arith.index_cast %get3A_385 : i32 to index
    %get3A_387 = arith.constant 336 : index
    %get3A_388 = tpu.vector_load %arg6[%get3A_386, %get3A_387] {strides = array<i32>} : memref<3x512xf32, #tpu.memory_space<vmem>>, vector<1x16xf32>,
    %get3A_389 = vector.shape_cast %get3A_388 : vector<1x16xf32> to vector<16xf32>
    %select_n3A_390 = arith.select %eq3A_18, %get3A_384, %get3A_389 : vector<16xi1>, vector<16xf32>
    %select_n3A_391 = arith.select %eq3A_15, %get3A_379, %select_n3A_390 : vector<16xi1>, vector<16xf32>
    %get3A_392 = arith.constant 0 : i32
    %get3A_393 = arith.index_cast %get3A_392 : i32 to index
    %get3A_394 = arith.constant 352 : index
    %get3A_395 = tpu.vector_load %arg6[%get3A_393, %get3A_394] {strides = array<i32>} : memref<3x512xf32, #tpu.memory_space<vmem>>, vector<1x16xf32>,
    %get3A_396 = vector.shape_cast %get3A_395 : vector<1x16xf32> to vector<16xf32>
    %get3A_397 = arith.constant 1 : i32
    %get3A_398 = arith.index_cast %get3A_397 : i32 to index
    %get3A_399 = arith.constant 352 : index
    %get3A_400 = tpu.vector_load %arg6[%get3A_398, %get3A_399] {strides = array<i32>} : memref<3x512xf32, #tpu.memory_space<vmem>>, vector<1x16xf32>,
    %get3A_401 = vector.shape_cast %get3A_400 : vector<1x16xf32> to vector<16xf32>
    %get3A_402 = arith.constant 2 : i32
    %get3A_403 = arith.index_cast %get3A_402 : i32 to index
    %get3A_404 = arith.constant 352 : index
    %get3A_405 = tpu.vector_load %arg6[%get3A_403, %get3A_404] {strides = array<i32>} : memref<3x512xf32, #tpu.memory_space<vmem>>, vector<1x16xf32>,
    %get3A_406 = vector.shape_cast %get3A_405 : vector<1x16xf32> to vector<16xf32>
    %select_n3A_407 = arith.select %eq3A_18, %get3A_401, %get3A_406 : vector<16xi1>, vector<16xf32>
    %select_n3A_408 = arith.select %eq3A_15, %get3A_396, %select_n3A_407 : vector<16xi1>, vector<16xf32>
    %get3A_409 = arith.constant 0 : i32
    %get3A_410 = arith.index_cast %get3A_409 : i32 to index
    %get3A_411 = arith.constant 368 : index
    %get3A_412 = tpu.vector_load %arg6[%get3A_410, %get3A_411] {strides = array<i32>} : memref<3x512xf32, #tpu.memory_space<vmem>>, vector<1x16xf32>,
    %get3A_413 = vector.shape_cast %get3A_412 : vector<1x16xf32> to vector<16xf32>
    %get3A_414 = arith.constant 1 : i32
    %get3A_415 = arith.index_cast %get3A_414 : i32 to index
    %get3A_416 = arith.constant 368 : index
    %get3A_417 = tpu.vector_load %arg6[%get3A_415, %get3A_416] {strides = array<i32>} : memref<3x512xf32, #tpu.memory_space<vmem>>, vector<1x16xf32>,
    %get3A_418 = vector.shape_cast %get3A_417 : vector<1x16xf32> to vector<16xf32>
    %get3A_419 = arith.constant 2 : i32
    %get3A_420 = arith.index_cast %get3A_419 : i32 to index
    %get3A_421 = arith.constant 368 : index
    %get3A_422 = tpu.vector_load %arg6[%get3A_420, %get3A_421] {strides = array<i32>} : memref<3x512xf32, #tpu.memory_space<vmem>>, vector<1x16xf32>,
    %get3A_423 = vector.shape_cast %get3A_422 : vector<1x16xf32> to vector<16xf32>
    %select_n3A_424 = arith.select %eq3A_18, %get3A_418, %get3A_423 : vector<16xi1>, vector<16xf32>
    %select_n3A_425 = arith.select %eq3A_15, %get3A_413, %select_n3A_424 : vector<16xi1>, vector<16xf32>
    %get3A_426 = arith.constant 0 : i32
    %get3A_427 = arith.index_cast %get3A_426 : i32 to index
    %get3A_428 = arith.constant 384 : index
    %get3A_429 = tpu.vector_load %arg6[%get3A_427, %get3A_428] {strides = array<i32>} : memref<3x512xf32, #tpu.memory_space<vmem>>, vector<1x16xf32>,
    %get3A_430 = vector.shape_cast %get3A_429 : vector<1x16xf32> to vector<16xf32>
    %get3A_431 = arith.constant 1 : i32
    %get3A_432 = arith.index_cast %get3A_431 : i32 to index
    %get3A_433 = arith.constant 384 : index
    %get3A_434 = tpu.vector_load %arg6[%get3A_432, %get3A_433] {strides = array<i32>} : memref<3x512xf32, #tpu.memory_space<vmem>>, vector<1x16xf32>,
    %get3A_435 = vector.shape_cast %get3A_434 : vector<1x16xf32> to vector<16xf32>
    %get3A_436 = arith.constant 2 : i32
    %get3A_437 = arith.index_cast %get3A_436 : i32 to index
    %get3A_438 = arith.constant 384 : index
    %get3A_439 = tpu.vector_load %arg6[%get3A_437, %get3A_438] {strides = array<i32>} : memref<3x512xf32, #tpu.memory_space<vmem>>, vector<1x16xf32>,
    %get3A_440 = vector.shape_cast %get3A_439 : vector<1x16xf32> to vector<16xf32>
    %select_n3A_441 = arith.select %eq3A_18, %get3A_435, %get3A_440 : vector<16xi1>, vector<16xf32>
    %select_n3A_442 = arith.select %eq3A_15, %get3A_430, %select_n3A_441 : vector<16xi1>, vector<16xf32>
    %get3A_443 = arith.constant 0 : i32
    %get3A_444 = arith.index_cast %get3A_443 : i32 to index
    %get3A_445 = arith.constant 400 : index
    %get3A_446 = tpu.vector_load %arg6[%get3A_444, %get3A_445] {strides = array<i32>} : memref<3x512xf32, #tpu.memory_space<vmem>>, vector<1x16xf32>,
    %get3A_447 = vector.shape_cast %get3A_446 : vector<1x16xf32> to vector<16xf32>
    %get3A_448 = arith.constant 1 : i32
    %get3A_449 = arith.index_cast %get3A_448 : i32 to index
    %get3A_450 = arith.constant 400 : index
    %get3A_451 = tpu.vector_load %arg6[%get3A_449, %get3A_450] {strides = array<i32>} : memref<3x512xf32, #tpu.memory_space<vmem>>, vector<1x16xf32>,
    %get3A_452 = vector.shape_cast %get3A_451 : vector<1x16xf32> to vector<16xf32>
    %get3A_453 = arith.constant 2 : i32
    %get3A_454 = arith.index_cast %get3A_453 : i32 to index
    %get3A_455 = arith.constant 400 : index
    %get3A_456 = tpu.vector_load %arg6[%get3A_454, %get3A_455] {strides = array<i32>} : memref<3x512xf32, #tpu.memory_space<vmem>>, vector<1x16xf32>,
    %get3A_457 = vector.shape_cast %get3A_456 : vector<1x16xf32> to vector<16xf32>
    %select_n3A_458 = arith.select %eq3A_18, %get3A_452, %get3A_457 : vector<16xi1>, vector<16xf32>
    %select_n3A_459 = arith.select %eq3A_15, %get3A_447, %select_n3A_458 : vector<16xi1>, vector<16xf32>
    %get3A_460 = arith.constant 0 : i32
    %get3A_461 = arith.index_cast %get3A_460 : i32 to index
    %get3A_462 = arith.constant 416 : index
    %get3A_463 = tpu.vector_load %arg6[%get3A_461, %get3A_462] {strides = array<i32>} : memref<3x512xf32, #tpu.memory_space<vmem>>, vector<1x16xf32>,
    %get3A_464 = vector.shape_cast %get3A_463 : vector<1x16xf32> to vector<16xf32>
    %get3A_465 = arith.constant 1 : i32
    %get3A_466 = arith.index_cast %get3A_465 : i32 to index
    %get3A_467 = arith.constant 416 : index
    %get3A_468 = tpu.vector_load %arg6[%get3A_466, %get3A_467] {strides = array<i32>} : memref<3x512xf32, #tpu.memory_space<vmem>>, vector<1x16xf32>,
    %get3A_469 = vector.shape_cast %get3A_468 : vector<1x16xf32> to vector<16xf32>
    %get3A_470 = arith.constant 2 : i32
    %get3A_471 = arith.index_cast %get3A_470 : i32 to index
    %get3A_472 = arith.constant 416 : index
    %get3A_473 = tpu.vector_load %arg6[%get3A_471, %get3A_472] {strides = array<i32>} : memref<3x512xf32, #tpu.memory_space<vmem>>, vector<1x16xf32>,
    %get3A_474 = vector.shape_cast %get3A_473 : vector<1x16xf32> to vector<16xf32>
    %select_n3A_475 = arith.select %eq3A_18, %get3A_469, %get3A_474 : vector<16xi1>, vector<16xf32>
    %select_n3A_476 = arith.select %eq3A_15, %get3A_464, %select_n3A_475 : vector<16xi1>, vector<16xf32>
    %get3A_477 = arith.constant 0 : i32
    %get3A_478 = arith.index_cast %get3A_477 : i32 to index
    %get3A_479 = arith.constant 432 : index
    %get3A_480 = tpu.vector_load %arg6[%get3A_478, %get3A_479] {strides = array<i32>} : memref<3x512xf32, #tpu.memory_space<vmem>>, vector<1x16xf32>,
    %get3A_481 = vector.shape_cast %get3A_480 : vector<1x16xf32> to vector<16xf32>
    %get3A_482 = arith.constant 1 : i32
    %get3A_483 = arith.index_cast %get3A_482 : i32 to index
    %get3A_484 = arith.constant 432 : index
    %get3A_485 = tpu.vector_load %arg6[%get3A_483, %get3A_484] {strides = array<i32>} : memref<3x512xf32, #tpu.memory_space<vmem>>, vector<1x16xf32>,
    %get3A_486 = vector.shape_cast %get3A_485 : vector<1x16xf32> to vector<16xf32>
    %get3A_487 = arith.constant 2 : i32
    %get3A_488 = arith.index_cast %get3A_487 : i32 to index
    %get3A_489 = arith.constant 432 : index
    %get3A_490 = tpu.vector_load %arg6[%get3A_488, %get3A_489] {strides = array<i32>} : memref<3x512xf32, #tpu.memory_space<vmem>>, vector<1x16xf32>,
    %get3A_491 = vector.shape_cast %get3A_490 : vector<1x16xf32> to vector<16xf32>
    %select_n3A_492 = arith.select %eq3A_18, %get3A_486, %get3A_491 : vector<16xi1>, vector<16xf32>
    %select_n3A_493 = arith.select %eq3A_15, %get3A_481, %select_n3A_492 : vector<16xi1>, vector<16xf32>
    %get3A_494 = arith.constant 0 : i32
    %get3A_495 = arith.index_cast %get3A_494 : i32 to index
    %get3A_496 = arith.constant 448 : index
    %get3A_497 = tpu.vector_load %arg6[%get3A_495, %get3A_496] {strides = array<i32>} : memref<3x512xf32, #tpu.memory_space<vmem>>, vector<1x16xf32>,
    %get3A_498 = vector.shape_cast %get3A_497 : vector<1x16xf32> to vector<16xf32>
    %get3A_499 = arith.constant 1 : i32
    %get3A_500 = arith.index_cast %get3A_499 : i32 to index
    %get3A_501 = arith.constant 448 : index
    %get3A_502 = tpu.vector_load %arg6[%get3A_500, %get3A_501] {strides = array<i32>} : memref<3x512xf32, #tpu.memory_space<vmem>>, vector<1x16xf32>,
    %get3A_503 = vector.shape_cast %get3A_502 : vector<1x16xf32> to vector<16xf32>
    %get3A_504 = arith.constant 2 : i32
    %get3A_505 = arith.index_cast %get3A_504 : i32 to index
    %get3A_506 = arith.constant 448 : index
    %get3A_507 = tpu.vector_load %arg6[%get3A_505, %get3A_506] {strides = array<i32>} : memref<3x512xf32, #tpu.memory_space<vmem>>, vector<1x16xf32>,
    %get3A_508 = vector.shape_cast %get3A_507 : vector<1x16xf32> to vector<16xf32>
    %select_n3A_509 = arith.select %eq3A_18, %get3A_503, %get3A_508 : vector<16xi1>, vector<16xf32>
    %select_n3A_510 = arith.select %eq3A_15, %get3A_498, %select_n3A_509 : vector<16xi1>, vector<16xf32>
    %get3A_511 = arith.constant 0 : i32
    %get3A_512 = arith.index_cast %get3A_511 : i32 to index
    %get3A_513 = arith.constant 464 : index
    %get3A_514 = tpu.vector_load %arg6[%get3A_512, %get3A_513] {strides = array<i32>} : memref<3x512xf32, #tpu.memory_space<vmem>>, vector<1x16xf32>,
    %get3A_515 = vector.shape_cast %get3A_514 : vector<1x16xf32> to vector<16xf32>
    %get3A_516 = arith.constant 1 : i32
    %get3A_517 = arith.index_cast %get3A_516 : i32 to index
    %get3A_518 = arith.constant 464 : index
    %get3A_519 = tpu.vector_load %arg6[%get3A_517, %get3A_518] {strides = array<i32>} : memref<3x512xf32, #tpu.memory_space<vmem>>, vector<1x16xf32>,
    %get3A_520 = vector.shape_cast %get3A_519 : vector<1x16xf32> to vector<16xf32>
    %get3A_521 = arith.constant 2 : i32
    %get3A_522 = arith.index_cast %get3A_521 : i32 to index
    %get3A_523 = arith.constant 464 : index
    %get3A_524 = tpu.vector_load %arg6[%get3A_522, %get3A_523] {strides = array<i32>} : memref<3x512xf32, #tpu.memory_space<vmem>>, vector<1x16xf32>,
    %get3A_525 = vector.shape_cast %get3A_524 : vector<1x16xf32> to vector<16xf32>
    %select_n3A_526 = arith.select %eq3A_18, %get3A_520, %get3A_525 : vector<16xi1>, vector<16xf32>
    %select_n3A_527 = arith.select %eq3A_15, %get3A_515, %select_n3A_526 : vector<16xi1>, vector<16xf32>
    %get3A_528 = arith.constant 0 : i32
    %get3A_529 = arith.index_cast %get3A_528 : i32 to index
    %get3A_530 = arith.constant 480 : index
    %get3A_531 = tpu.vector_load %arg6[%get3A_529, %get3A_530] {strides = array<i32>} : memref<3x512xf32, #tpu.memory_space<vmem>>, vector<1x16xf32>,
    %get3A_532 = vector.shape_cast %get3A_531 : vector<1x16xf32> to vector<16xf32>
    %get3A_533 = arith.constant 1 : i32
    %get3A_534 = arith.index_cast %get3A_533 : i32 to index
    %get3A_535 = arith.constant 480 : index
    %get3A_536 = tpu.vector_load %arg6[%get3A_534, %get3A_535] {strides = array<i32>} : memref<3x512xf32, #tpu.memory_space<vmem>>, vector<1x16xf32>,
    %get3A_537 = vector.shape_cast %get3A_536 : vector<1x16xf32> to vector<16xf32>
    %get3A_538 = arith.constant 2 : i32
    %get3A_539 = arith.index_cast %get3A_538 : i32 to index
    %get3A_540 = arith.constant 480 : index
    %get3A_541 = tpu.vector_load %arg6[%get3A_539, %get3A_540] {strides = array<i32>} : memref<3x512xf32, #tpu.memory_space<vmem>>, vector<1x16xf32>,
    %get3A_542 = vector.shape_cast %get3A_541 : vector<1x16xf32> to vector<16xf32>
    %select_n3A_543 = arith.select %eq3A_18, %get3A_537, %get3A_542 : vector<16xi1>, vector<16xf32>
    %select_n3A_544 = arith.select %eq3A_15, %get3A_532, %select_n3A_543 : vector<16xi1>, vector<16xf32>
    %get3A_545 = arith.constant 0 : i32
    %get3A_546 = arith.index_cast %get3A_545 : i32 to index
    %get3A_547 = arith.constant 496 : index
    %get3A_548 = tpu.vector_load %arg6[%get3A_546, %get3A_547] {strides = array<i32>} : memref<3x512xf32, #tpu.memory_space<vmem>>, vector<1x16xf32>,
    %get3A_549 = vector.shape_cast %get3A_548 : vector<1x16xf32> to vector<16xf32>
    %get3A_550 = arith.constant 1 : i32
    %get3A_551 = arith.index_cast %get3A_550 : i32 to index
    %get3A_552 = arith.constant 496 : index
    %get3A_553 = tpu.vector_load %arg6[%get3A_551, %get3A_552] {strides = array<i32>} : memref<3x512xf32, #tpu.memory_space<vmem>>, vector<1x16xf32>,
    %get3A_554 = vector.shape_cast %get3A_553 : vector<1x16xf32> to vector<16xf32>
    %get3A_555 = arith.constant 2 : i32
    %get3A_556 = arith.index_cast %get3A_555 : i32 to index
    %get3A_557 = arith.constant 496 : index
    %get3A_558 = tpu.vector_load %arg6[%get3A_556, %get3A_557] {strides = array<i32>} : memref<3x512xf32, #tpu.memory_space<vmem>>, vector<1x16xf32>,
    %get3A_559 = vector.shape_cast %get3A_558 : vector<1x16xf32> to vector<16xf32>
    %select_n3A_560 = arith.select %eq3A_18, %get3A_554, %get3A_559 : vector<16xi1>, vector<16xf32>
    %select_n3A_561 = arith.select %eq3A_15, %get3A_549, %select_n3A_560 : vector<16xi1>, vector<16xf32>
    %scan3A = arith.constant 0 : i32
    %scan3A_562 = arith.constant 14 : i32
    %scan3A_563 = arith.addi %scan3A, %scan3A_562 : i32
    %scan3A_564 = arith.constant 1 : i32
    scf.for %scan3A_589 = %scan3A to %scan3A_563 step %scan3A_564  : i32 {
      %mul3A_590 = arith.constant 3 : i32
      %mul3A_591 = arith.muli %scan3A_589, %mul3A_590 : i32
      %add3A_592 = arith.constant 0 : i32
      %add3A_593 = arith.addi %mul3A_591, %add3A_592 : i32
      %add3A_594 = arith.constant 2 : i32
      %add3A_595 = arith.addi %add3A_593, %add3A_594 : i32
      %mul3A_596 = arith.constant 32 : i32
      %mul3A_597 = arith.muli %add3A_595, %mul3A_596 : i32
      %add3A_598 = arith.addi %add3A, %mul3A_597 : i32
      %lt3A_599 = arith.constant 1250 : i32
      %lt3A_600 = arith.cmpi slt, %add3A_598, %lt3A_599 : i32
      %convert_element_type3A_601 = arith.extui %lt3A_600 : i1 to i32
      %cond3A_602 = arith.constant 0 : i32
      %cond3A_603 = arith.cmpi ne, %convert_element_type3A_601, %cond3A_602 : i32
      scf.if %cond3A_603 {
        %ge3A = arith.constant 1 : i32
        %ge3A_652 = arith.cmpi sge, %add3A_593, %ge3A : i32
        %convert_element_type3A_653 = arith.extui %ge3A_652 : i1 to i32
        %cond3A_654 = arith.constant 0 : i32
        %cond3A_655 = arith.cmpi ne, %convert_element_type3A_653, %cond3A_654 : i32
        scf.if %cond3A_655 {
          %sub3A = arith.constant 1 : i32
          %sub3A_666 = arith.subi %add3A_593, %sub3A : i32
          %mul3A_667 = arith.constant 32 : i32
          %mul3A_668 = arith.muli %sub3A_666, %mul3A_667 : i32
          %add3A_669 = arith.addi %add3A, %mul3A_668 : i32
          %mul3A_670 = arith.constant 80 : i32
          %mul3A_671 = arith.muli %add3A_669, %mul3A_670 : i32
          %dma_wait3A_672 = arith.constant 0 : i32
          %dma_wait3A_673 = tpu.memref_slice %arg5[%mul3A_671, %dma_wait3A_672] : memref<100000x512xf32, #tpu.memory_space<hbm>> -> memref<80x512xf32, #tpu.memory_space<hbm>>
          %dma_wait3A_674 = arith.constant 0 : i32
          %dma_wait3A_675 = tpu.memref_slice %arg5[%mul3A_671, %dma_wait3A_674] : memref<100000x512xf32, #tpu.memory_space<hbm>> -> memref<80x512xf32, #tpu.memory_space<hbm>>
          tpu.wait_dma2 semaphore(%arg16 : memref<!tpu.dma_semaphore, #tpu.memory_space<semaphore_mem>>) src(%arg10 : memref<80x512xf32, #tpu.memory_space<vmem>>) dst(%dma_wait3A_675 : memref<80x512xf32, #tpu.memory_space<hbm>>)
        } else {
        }
        %add3A_656 = arith.constant 2 : i32
        %add3A_657 = arith.addi %add3A_593, %add3A_656 : i32
        %mul3A_658 = arith.constant 32 : i32
        %mul3A_659 = arith.muli %add3A_657, %mul3A_658 : i32
        %add3A_660 = arith.addi %add3A, %mul3A_659 : i32
        %mul3A_661 = arith.constant 80 : i32
        %mul3A_662 = arith.muli %add3A_660, %mul3A_661 : i32
        %dma_start3A = arith.constant 0 : i32
        %dma_start3A_663 = tpu.memref_slice %arg2[%mul3A_662, %dma_start3A] : memref<100000x512xf32, #tpu.memory_space<hbm>> -> memref<80x512xf32, #tpu.memory_space<hbm>>
        %dma_start3A_664 = arith.constant 0 : i32
        %dma_start3A_665 = tpu.memref_slice %arg2[%mul3A_662, %dma_start3A_664] : memref<100000x512xf32, #tpu.memory_space<hbm>> -> memref<80x512xf32, #tpu.memory_space<hbm>>
        tpu.enqueue_dma source(%dma_start3A_665 : memref<80x512xf32, #tpu.memory_space<hbm>>) target(%arg10 : memref<80x512xf32, #tpu.memory_space<vmem>>) target_semaphore(%arg13 : memref<!tpu.dma_semaphore, #tpu.memory_space<semaphore_mem>>)
      } else {
      }
      %mul3A_604 = arith.constant 32 : i32
      %mul3A_605 = arith.muli %add3A_593, %mul3A_604 : i32
      %add3A_606 = arith.addi %add3A, %mul3A_605 : i32
      %lt3A_607 = arith.constant 1250 : i32
      %lt3A_608 = arith.cmpi slt, %add3A_606, %lt3A_607 : i32
      %convert_element_type3A_609 = arith.extui %lt3A_608 : i1 to i32
      %cond3A_610 = arith.constant 0 : i32
      %cond3A_611 = arith.cmpi ne, %convert_element_type3A_609, %cond3A_610 : i32
      scf.if %cond3A_611 {
        %mul3A_652 = arith.constant 32 : i32
        %mul3A_653 = arith.muli %add3A_593, %mul3A_652 : i32
        %add3A_654 = arith.addi %add3A, %mul3A_653 : i32
        %mul3A_655 = arith.constant 80 : i32
        %mul3A_656 = arith.muli %add3A_654, %mul3A_655 : i32
        %dma_wait3A_657 = arith.constant 0 : i32
        %dma_wait3A_658 = tpu.memref_slice %arg2[%mul3A_656, %dma_wait3A_657] : memref<100000x512xf32, #tpu.memory_space<hbm>> -> memref<80x512xf32, #tpu.memory_space<hbm>>
        %dma_wait3A_659 = arith.constant 0 : i32
        %dma_wait3A_660 = tpu.memref_slice %arg2[%mul3A_656, %dma_wait3A_659] : memref<100000x512xf32, #tpu.memory_space<hbm>> -> memref<80x512xf32, #tpu.memory_space<hbm>>
        tpu.wait_dma2 semaphore(%arg11 : memref<!tpu.dma_semaphore, #tpu.memory_space<semaphore_mem>>) src(%dma_wait3A_660 : memref<80x512xf32, #tpu.memory_space<hbm>>) dst(%arg8 : memref<80x512xf32, #tpu.memory_space<vmem>>)
        %scan3A_661 = arith.constant 0 : i32
        %scan3A_662 = arith.constant 80 : i32
        %scan3A_663 = arith.addi %scan3A_661, %scan3A_662 : i32
        %scan3A_664 = arith.constant 1 : i32
        scf.for %scan3A_674 = %scan3A_661 to %scan3A_663 step %scan3A_664  : i32 {
          %get3A_675 = arith.index_cast %scan3A_674 : i32 to index
          %get3A_676 = arith.constant 0 : index
          %get3A_677 = tpu.vector_load %arg8[%get3A_675, %get3A_676] {strides = array<i32>} : memref<80x512xf32, #tpu.memory_space<vmem>>, vector<1x16xf32>,
          %get3A_678 = vector.shape_cast %get3A_677 : vector<1x16xf32> to vector<16xf32>
          %add3A_679 = arith.addf %get3A_678, %select_n3A_34 : vector<16xf32>
          %swap3A = arith.index_cast %scan3A_674 : i32 to index
          %swap3A_680 = arith.constant 0 : index
          %swap3A_681 = tpu.vector_load %arg8[%swap3A, %swap3A_680] {strides = array<i32>} : memref<80x512xf32, #tpu.memory_space<vmem>>, vector<1x16xf32>,
          %swap3A_682 = vector.shape_cast %swap3A_681 : vector<1x16xf32> to vector<16xf32>
          %swap3A_683 = vector.shape_cast %add3A_679 : vector<16xf32> to vector<1x16xf32>
          tpu.vector_store %arg8[%swap3A, %swap3A_680], %swap3A_683 {strides = array<i32>} : memref<80x512xf32, #tpu.memory_space<vmem>>, vector<1x16xf32>,
          %get3A_684 = arith.index_cast %scan3A_674 : i32 to index
          %get3A_685 = arith.constant 16 : index
          %get3A_686 = tpu.vector_load %arg8[%get3A_684, %get3A_685] {strides = array<i32>} : memref<80x512xf32, #tpu.memory_space<vmem>>, vector<1x16xf32>,
          %get3A_687 = vector.shape_cast %get3A_686 : vector<1x16xf32> to vector<16xf32>
          %add3A_688 = arith.addf %get3A_687, %select_n3A_51 : vector<16xf32>
          %swap3A_689 = arith.index_cast %scan3A_674 : i32 to index
          %swap3A_690 = arith.constant 16 : index
          %swap3A_691 = tpu.vector_load %arg8[%swap3A_689, %swap3A_690] {strides = array<i32>} : memref<80x512xf32, #tpu.memory_space<vmem>>, vector<1x16xf32>,
          %swap3A_692 = vector.shape_cast %swap3A_691 : vector<1x16xf32> to vector<16xf32>
          %swap3A_693 = vector.shape_cast %add3A_688 : vector<16xf32> to vector<1x16xf32>
          tpu.vector_store %arg8[%swap3A_689, %swap3A_690], %swap3A_693 {strides = array<i32>} : memref<80x512xf32, #tpu.memory_space<vmem>>, vector<1x16xf32>,
          %get3A_694 = arith.index_cast %scan3A_674 : i32 to index
          %get3A_695 = arith.constant 32 : index
          %get3A_696 = tpu.vector_load %arg8[%get3A_694, %get3A_695] {strides = array<i32>} : memref<80x512xf32, #tpu.memory_space<vmem>>, vector<1x16xf32>,
          %get3A_697 = vector.shape_cast %get3A_696 : vector<1x16xf32> to vector<16xf32>
          %add3A_698 = arith.addf %get3A_697, %select_n3A_68 : vector<16xf32>
          %swap3A_699 = arith.index_cast %scan3A_674 : i32 to index
          %swap3A_700 = arith.constant 32 : index
          %swap3A_701 = tpu.vector_load %arg8[%swap3A_699, %swap3A_700] {strides = array<i32>} : memref<80x512xf32, #tpu.memory_space<vmem>>, vector<1x16xf32>,
          %swap3A_702 = vector.shape_cast %swap3A_701 : vector<1x16xf32> to vector<16xf32>
          %swap3A_703 = vector.shape_cast %add3A_698 : vector<16xf32> to vector<1x16xf32>
          tpu.vector_store %arg8[%swap3A_699, %swap3A_700], %swap3A_703 {strides = array<i32>} : memref<80x512xf32, #tpu.memory_space<vmem>>, vector<1x16xf32>,
          %get3A_704 = arith.index_cast %scan3A_674 : i32 to index
          %get3A_705 = arith.constant 48 : index
          %get3A_706 = tpu.vector_load %arg8[%get3A_704, %get3A_705] {strides = array<i32>} : memref<80x512xf32, #tpu.memory_space<vmem>>, vector<1x16xf32>,
          %get3A_707 = vector.shape_cast %get3A_706 : vector<1x16xf32> to vector<16xf32>
          %add3A_708 = arith.addf %get3A_707, %select_n3A_85 : vector<16xf32>
          %swap3A_709 = arith.index_cast %scan3A_674 : i32 to index
          %swap3A_710 = arith.constant 48 : index
          %swap3A_711 = tpu.vector_load %arg8[%swap3A_709, %swap3A_710] {strides = array<i32>} : memref<80x512xf32, #tpu.memory_space<vmem>>, vector<1x16xf32>,
          %swap3A_712 = vector.shape_cast %swap3A_711 : vector<1x16xf32> to vector<16xf32>
          %swap3A_713 = vector.shape_cast %add3A_708 : vector<16xf32> to vector<1x16xf32>
          tpu.vector_store %arg8[%swap3A_709, %swap3A_710], %swap3A_713 {strides = array<i32>} : memref<80x512xf32, #tpu.memory_space<vmem>>, vector<1x16xf32>,
          %get3A_714 = arith.index_cast %scan3A_674 : i32 to index
          %get3A_715 = arith.constant 64 : index
          %get3A_716 = tpu.vector_load %arg8[%get3A_714, %get3A_715] {strides = array<i32>} : memref<80x512xf32, #tpu.memory_space<vmem>>, vector<1x16xf32>,
          %get3A_717 = vector.shape_cast %get3A_716 : vector<1x16xf32> to vector<16xf32>
          %add3A_718 = arith.addf %get3A_717, %select_n3A_102 : vector<16xf32>
          %swap3A_719 = arith.index_cast %scan3A_674 : i32 to index
          %swap3A_720 = arith.constant 64 : index
          %swap3A_721 = tpu.vector_load %arg8[%swap3A_719, %swap3A_720] {strides = array<i32>} : memref<80x512xf32, #tpu.memory_space<vmem>>, vector<1x16xf32>,
          %swap3A_722 = vector.shape_cast %swap3A_721 : vector<1x16xf32> to vector<16xf32>
          %swap3A_723 = vector.shape_cast %add3A_718 : vector<16xf32> to vector<1x16xf32>
          tpu.vector_store %arg8[%swap3A_719, %swap3A_720], %swap3A_723 {strides = array<i32>} : memref<80x512xf32, #tpu.memory_space<vmem>>, vector<1x16xf32>,
          %get3A_724 = arith.index_cast %scan3A_674 : i32 to index
          %get3A_725 = arith.constant 80 : index
          %get3A_726 = tpu.vector_load %arg8[%get3A_724, %get3A_725] {strides = array<i32>} : memref<80x512xf32, #tpu.memory_space<vmem>>, vector<1x16xf32>,
          %get3A_727 = vector.shape_cast %get3A_726 : vector<1x16xf32> to vector<16xf32>
          %add3A_728 = arith.addf %get3A_727, %select_n3A_119 : vector<16xf32>
          %swap3A_729 = arith.index_cast %scan3A_674 : i32 to index
          %swap3A_730 = arith.constant 80 : index
          %swap3A_731 = tpu.vector_load %arg8[%swap3A_729, %swap3A_730] {strides = array<i32>} : memref<80x512xf32, #tpu.memory_space<vmem>>, vector<1x16xf32>,
          %swap3A_732 = vector.shape_cast %swap3A_731 : vector<1x16xf32> to vector<16xf32>
          %swap3A_733 = vector.shape_cast %add3A_728 : vector<16xf32> to vector<1x16xf32>
          tpu.vector_store %arg8[%swap3A_729, %swap3A_730], %swap3A_733 {strides = array<i32>} : memref<80x512xf32, #tpu.memory_space<vmem>>, vector<1x16xf32>,
          %get3A_734 = arith.index_cast %scan3A_674 : i32 to index
          %get3A_735 = arith.constant 96 : index
          %get3A_736 = tpu.vector_load %arg8[%get3A_734, %get3A_735] {strides = array<i32>} : memref<80x512xf32, #tpu.memory_space<vmem>>, vector<1x16xf32>,
          %get3A_737 = vector.shape_cast %get3A_736 : vector<1x16xf32> to vector<16xf32>
          %add3A_738 = arith.addf %get3A_737, %select_n3A_136 : vector<16xf32>
          %swap3A_739 = arith.index_cast %scan3A_674 : i32 to index
          %swap3A_740 = arith.constant 96 : index
          %swap3A_741 = tpu.vector_load %arg8[%swap3A_739, %swap3A_740] {strides = array<i32>} : memref<80x512xf32, #tpu.memory_space<vmem>>, vector<1x16xf32>,
          %swap3A_742 = vector.shape_cast %swap3A_741 : vector<1x16xf32> to vector<16xf32>
          %swap3A_743 = vector.shape_cast %add3A_738 : vector<16xf32> to vector<1x16xf32>
          tpu.vector_store %arg8[%swap3A_739, %swap3A_740], %swap3A_743 {strides = array<i32>} : memref<80x512xf32, #tpu.memory_space<vmem>>, vector<1x16xf32>,
          %get3A_744 = arith.index_cast %scan3A_674 : i32 to index
          %get3A_745 = arith.constant 112 : index
          %get3A_746 = tpu.vector_load %arg8[%get3A_744, %get3A_745] {strides = array<i32>} : memref<80x512xf32, #tpu.memory_space<vmem>>, vector<1x16xf32>,
          %get3A_747 = vector.shape_cast %get3A_746 : vector<1x16xf32> to vector<16xf32>
          %add3A_748 = arith.addf %get3A_747, %select_n3A_153 : vector<16xf32>
          %swap3A_749 = arith.index_cast %scan3A_674 : i32 to index
          %swap3A_750 = arith.constant 112 : index
          %swap3A_751 = tpu.vector_load %arg8[%swap3A_749, %swap3A_750] {strides = array<i32>} : memref<80x512xf32, #tpu.memory_space<vmem>>, vector<1x16xf32>,
          %swap3A_752 = vector.shape_cast %swap3A_751 : vector<1x16xf32> to vector<16xf32>
          %swap3A_753 = vector.shape_cast %add3A_748 : vector<16xf32> to vector<1x16xf32>
          tpu.vector_store %arg8[%swap3A_749, %swap3A_750], %swap3A_753 {strides = array<i32>} : memref<80x512xf32, #tpu.memory_space<vmem>>, vector<1x16xf32>,
          %get3A_754 = arith.index_cast %scan3A_674 : i32 to index
          %get3A_755 = arith.constant 128 : index
          %get3A_756 = tpu.vector_load %arg8[%get3A_754, %get3A_755] {strides = array<i32>} : memref<80x512xf32, #tpu.memory_space<vmem>>, vector<1x16xf32>,
          %get3A_757 = vector.shape_cast %get3A_756 : vector<1x16xf32> to vector<16xf32>
          %add3A_758 = arith.addf %get3A_757, %select_n3A_170 : vector<16xf32>
          %swap3A_759 = arith.index_cast %scan3A_674 : i32 to index
          %swap3A_760 = arith.constant 128 : index
          %swap3A_761 = tpu.vector_load %arg8[%swap3A_759, %swap3A_760] {strides = array<i32>} : memref<80x512xf32, #tpu.memory_space<vmem>>, vector<1x16xf32>,
          %swap3A_762 = vector.shape_cast %swap3A_761 : vector<1x16xf32> to vector<16xf32>
          %swap3A_763 = vector.shape_cast %add3A_758 : vector<16xf32> to vector<1x16xf32>
          tpu.vector_store %arg8[%swap3A_759, %swap3A_760], %swap3A_763 {strides = array<i32>} : memref<80x512xf32, #tpu.memory_space<vmem>>, vector<1x16xf32>,
          %get3A_764 = arith.index_cast %scan3A_674 : i32 to index
          %get3A_765 = arith.constant 144 : index
          %get3A_766 = tpu.vector_load %arg8[%get3A_764, %get3A_765] {strides = array<i32>} : memref<80x512xf32, #tpu.memory_space<vmem>>, vector<1x16xf32>,
          %get3A_767 = vector.shape_cast %get3A_766 : vector<1x16xf32> to vector<16xf32>
          %add3A_768 = arith.addf %get3A_767, %select_n3A_187 : vector<16xf32>
          %swap3A_769 = arith.index_cast %scan3A_674 : i32 to index
          %swap3A_770 = arith.constant 144 : index
          %swap3A_771 = tpu.vector_load %arg8[%swap3A_769, %swap3A_770] {strides = array<i32>} : memref<80x512xf32, #tpu.memory_space<vmem>>, vector<1x16xf32>,
          %swap3A_772 = vector.shape_cast %swap3A_771 : vector<1x16xf32> to vector<16xf32>
          %swap3A_773 = vector.shape_cast %add3A_768 : vector<16xf32> to vector<1x16xf32>
          tpu.vector_store %arg8[%swap3A_769, %swap3A_770], %swap3A_773 {strides = array<i32>} : memref<80x512xf32, #tpu.memory_space<vmem>>, vector<1x16xf32>,
          %get3A_774 = arith.index_cast %scan3A_674 : i32 to index
          %get3A_775 = arith.constant 160 : index
          %get3A_776 = tpu.vector_load %arg8[%get3A_774, %get3A_775] {strides = array<i32>} : memref<80x512xf32, #tpu.memory_space<vmem>>, vector<1x16xf32>,
          %get3A_777 = vector.shape_cast %get3A_776 : vector<1x16xf32> to vector<16xf32>
          %add3A_778 = arith.addf %get3A_777, %select_n3A_204 : vector<16xf32>
          %swap3A_779 = arith.index_cast %scan3A_674 : i32 to index
          %swap3A_780 = arith.constant 160 : index
          %swap3A_781 = tpu.vector_load %arg8[%swap3A_779, %swap3A_780] {strides = array<i32>} : memref<80x512xf32, #tpu.memory_space<vmem>>, vector<1x16xf32>,
          %swap3A_782 = vector.shape_cast %swap3A_781 : vector<1x16xf32> to vector<16xf32>
          %swap3A_783 = vector.shape_cast %add3A_778 : vector<16xf32> to vector<1x16xf32>
          tpu.vector_store %arg8[%swap3A_779, %swap3A_780], %swap3A_783 {strides = array<i32>} : memref<80x512xf32, #tpu.memory_space<vmem>>, vector<1x16xf32>,
          %get3A_784 = arith.index_cast %scan3A_674 : i32 to index
          %get3A_785 = arith.constant 176 : index
          %get3A_786 = tpu.vector_load %arg8[%get3A_784, %get3A_785] {strides = array<i32>} : memref<80x512xf32, #tpu.memory_space<vmem>>, vector<1x16xf32>,
          %get3A_787 = vector.shape_cast %get3A_786 : vector<1x16xf32> to vector<16xf32>
          %add3A_788 = arith.addf %get3A_787, %select_n3A_221 : vector<16xf32>
          %swap3A_789 = arith.index_cast %scan3A_674 : i32 to index
          %swap3A_790 = arith.constant 176 : index
          %swap3A_791 = tpu.vector_load %arg8[%swap3A_789, %swap3A_790] {strides = array<i32>} : memref<80x512xf32, #tpu.memory_space<vmem>>, vector<1x16xf32>,
          %swap3A_792 = vector.shape_cast %swap3A_791 : vector<1x16xf32> to vector<16xf32>
          %swap3A_793 = vector.shape_cast %add3A_788 : vector<16xf32> to vector<1x16xf32>
          tpu.vector_store %arg8[%swap3A_789, %swap3A_790], %swap3A_793 {strides = array<i32>} : memref<80x512xf32, #tpu.memory_space<vmem>>, vector<1x16xf32>,
          %get3A_794 = arith.index_cast %scan3A_674 : i32 to index
          %get3A_795 = arith.constant 192 : index
          %get3A_796 = tpu.vector_load %arg8[%get3A_794, %get3A_795] {strides = array<i32>} : memref<80x512xf32, #tpu.memory_space<vmem>>, vector<1x16xf32>,
          %get3A_797 = vector.shape_cast %get3A_796 : vector<1x16xf32> to vector<16xf32>
          %add3A_798 = arith.addf %get3A_797, %select_n3A_238 : vector<16xf32>
          %swap3A_799 = arith.index_cast %scan3A_674 : i32 to index
          %swap3A_800 = arith.constant 192 : index
          %swap3A_801 = tpu.vector_load %arg8[%swap3A_799, %swap3A_800] {strides = array<i32>} : memref<80x512xf32, #tpu.memory_space<vmem>>, vector<1x16xf32>,
          %swap3A_802 = vector.shape_cast %swap3A_801 : vector<1x16xf32> to vector<16xf32>
          %swap3A_803 = vector.shape_cast %add3A_798 : vector<16xf32> to vector<1x16xf32>
          tpu.vector_store %arg8[%swap3A_799, %swap3A_800], %swap3A_803 {strides = array<i32>} : memref<80x512xf32, #tpu.memory_space<vmem>>, vector<1x16xf32>,
          %get3A_804 = arith.index_cast %scan3A_674 : i32 to index
          %get3A_805 = arith.constant 208 : index
          %get3A_806 = tpu.vector_load %arg8[%get3A_804, %get3A_805] {strides = array<i32>} : memref<80x512xf32, #tpu.memory_space<vmem>>, vector<1x16xf32>,
          %get3A_807 = vector.shape_cast %get3A_806 : vector<1x16xf32> to vector<16xf32>
          %add3A_808 = arith.addf %get3A_807, %select_n3A_255 : vector<16xf32>
          %swap3A_809 = arith.index_cast %scan3A_674 : i32 to index
          %swap3A_810 = arith.constant 208 : index
          %swap3A_811 = tpu.vector_load %arg8[%swap3A_809, %swap3A_810] {strides = array<i32>} : memref<80x512xf32, #tpu.memory_space<vmem>>, vector<1x16xf32>,
          %swap3A_812 = vector.shape_cast %swap3A_811 : vector<1x16xf32> to vector<16xf32>
          %swap3A_813 = vector.shape_cast %add3A_808 : vector<16xf32> to vector<1x16xf32>
          tpu.vector_store %arg8[%swap3A_809, %swap3A_810], %swap3A_813 {strides = array<i32>} : memref<80x512xf32, #tpu.memory_space<vmem>>, vector<1x16xf32>,
          %get3A_814 = arith.index_cast %scan3A_674 : i32 to index
          %get3A_815 = arith.constant 224 : index
          %get3A_816 = tpu.vector_load %arg8[%get3A_814, %get3A_815] {strides = array<i32>} : memref<80x512xf32, #tpu.memory_space<vmem>>, vector<1x16xf32>,
          %get3A_817 = vector.shape_cast %get3A_816 : vector<1x16xf32> to vector<16xf32>
          %add3A_818 = arith.addf %get3A_817, %select_n3A_272 : vector<16xf32>
          %swap3A_819 = arith.index_cast %scan3A_674 : i32 to index
          %swap3A_820 = arith.constant 224 : index
          %swap3A_821 = tpu.vector_load %arg8[%swap3A_819, %swap3A_820] {strides = array<i32>} : memref<80x512xf32, #tpu.memory_space<vmem>>, vector<1x16xf32>,
          %swap3A_822 = vector.shape_cast %swap3A_821 : vector<1x16xf32> to vector<16xf32>
          %swap3A_823 = vector.shape_cast %add3A_818 : vector<16xf32> to vector<1x16xf32>
          tpu.vector_store %arg8[%swap3A_819, %swap3A_820], %swap3A_823 {strides = array<i32>} : memref<80x512xf32, #tpu.memory_space<vmem>>, vector<1x16xf32>,
          %get3A_824 = arith.index_cast %scan3A_674 : i32 to index
          %get3A_825 = arith.constant 240 : index
          %get3A_826 = tpu.vector_load %arg8[%get3A_824, %get3A_825] {strides = array<i32>} : memref<80x512xf32, #tpu.memory_space<vmem>>, vector<1x16xf32>,
          %get3A_827 = vector.shape_cast %get3A_826 : vector<1x16xf32> to vector<16xf32>
          %add3A_828 = arith.addf %get3A_827, %select_n3A_289 : vector<16xf32>
          %swap3A_829 = arith.index_cast %scan3A_674 : i32 to index
          %swap3A_830 = arith.constant 240 : index
          %swap3A_831 = tpu.vector_load %arg8[%swap3A_829, %swap3A_830] {strides = array<i32>} : memref<80x512xf32, #tpu.memory_space<vmem>>, vector<1x16xf32>,
          %swap3A_832 = vector.shape_cast %swap3A_831 : vector<1x16xf32> to vector<16xf32>
          %swap3A_833 = vector.shape_cast %add3A_828 : vector<16xf32> to vector<1x16xf32>
          tpu.vector_store %arg8[%swap3A_829, %swap3A_830], %swap3A_833 {strides = array<i32>} : memref<80x512xf32, #tpu.memory_space<vmem>>, vector<1x16xf32>,
          %get3A_834 = arith.index_cast %scan3A_674 : i32 to index
          %get3A_835 = arith.constant 256 : index
          %get3A_836 = tpu.vector_load %arg8[%get3A_834, %get3A_835] {strides = array<i32>} : memref<80x512xf32, #tpu.memory_space<vmem>>, vector<1x16xf32>,
          %get3A_837 = vector.shape_cast %get3A_836 : vector<1x16xf32> to vector<16xf32>
          %add3A_838 = arith.addf %get3A_837, %select_n3A_306 : vector<16xf32>
          %swap3A_839 = arith.index_cast %scan3A_674 : i32 to index
          %swap3A_840 = arith.constant 256 : index
          %swap3A_841 = tpu.vector_load %arg8[%swap3A_839, %swap3A_840] {strides = array<i32>} : memref<80x512xf32, #tpu.memory_space<vmem>>, vector<1x16xf32>,
          %swap3A_842 = vector.shape_cast %swap3A_841 : vector<1x16xf32> to vector<16xf32>
          %swap3A_843 = vector.shape_cast %add3A_838 : vector<16xf32> to vector<1x16xf32>
          tpu.vector_store %arg8[%swap3A_839, %swap3A_840], %swap3A_843 {strides = array<i32>} : memref<80x512xf32, #tpu.memory_space<vmem>>, vector<1x16xf32>,
          %get3A_844 = arith.index_cast %scan3A_674 : i32 to index
          %get3A_845 = arith.constant 272 : index
          %get3A_846 = tpu.vector_load %arg8[%get3A_844, %get3A_845] {strides = array<i32>} : memref<80x512xf32, #tpu.memory_space<vmem>>, vector<1x16xf32>,
          %get3A_847 = vector.shape_cast %get3A_846 : vector<1x16xf32> to vector<16xf32>
          %add3A_848 = arith.addf %get3A_847, %select_n3A_323 : vector<16xf32>
          %swap3A_849 = arith.index_cast %scan3A_674 : i32 to index
          %swap3A_850 = arith.constant 272 : index
          %swap3A_851 = tpu.vector_load %arg8[%swap3A_849, %swap3A_850] {strides = array<i32>} : memref<80x512xf32, #tpu.memory_space<vmem>>, vector<1x16xf32>,
          %swap3A_852 = vector.shape_cast %swap3A_851 : vector<1x16xf32> to vector<16xf32>
          %swap3A_853 = vector.shape_cast %add3A_848 : vector<16xf32> to vector<1x16xf32>
          tpu.vector_store %arg8[%swap3A_849, %swap3A_850], %swap3A_853 {strides = array<i32>} : memref<80x512xf32, #tpu.memory_space<vmem>>, vector<1x16xf32>,
          %get3A_854 = arith.index_cast %scan3A_674 : i32 to index
          %get3A_855 = arith.constant 288 : index
          %get3A_856 = tpu.vector_load %arg8[%get3A_854, %get3A_855] {strides = array<i32>} : memref<80x512xf32, #tpu.memory_space<vmem>>, vector<1x16xf32>,
          %get3A_857 = vector.shape_cast %get3A_856 : vector<1x16xf32> to vector<16xf32>
          %add3A_858 = arith.addf %get3A_857, %select_n3A_340 : vector<16xf32>
          %swap3A_859 = arith.index_cast %scan3A_674 : i32 to index
          %swap3A_860 = arith.constant 288 : index
          %swap3A_861 = tpu.vector_load %arg8[%swap3A_859, %swap3A_860] {strides = array<i32>} : memref<80x512xf32, #tpu.memory_space<vmem>>, vector<1x16xf32>,
          %swap3A_862 = vector.shape_cast %swap3A_861 : vector<1x16xf32> to vector<16xf32>
          %swap3A_863 = vector.shape_cast %add3A_858 : vector<16xf32> to vector<1x16xf32>
          tpu.vector_store %arg8[%swap3A_859, %swap3A_860], %swap3A_863 {strides = array<i32>} : memref<80x512xf32, #tpu.memory_space<vmem>>, vector<1x16xf32>,
          %get3A_864 = arith.index_cast %scan3A_674 : i32 to index
          %get3A_865 = arith.constant 304 : index
          %get3A_866 = tpu.vector_load %arg8[%get3A_864, %get3A_865] {strides = array<i32>} : memref<80x512xf32, #tpu.memory_space<vmem>>, vector<1x16xf32>,
          %get3A_867 = vector.shape_cast %get3A_866 : vector<1x16xf32> to vector<16xf32>
          %add3A_868 = arith.addf %get3A_867, %select_n3A_357 : vector<16xf32>
          %swap3A_869 = arith.index_cast %scan3A_674 : i32 to index
          %swap3A_870 = arith.constant 304 : index
          %swap3A_871 = tpu.vector_load %arg8[%swap3A_869, %swap3A_870] {strides = array<i32>} : memref<80x512xf32, #tpu.memory_space<vmem>>, vector<1x16xf32>,
          %swap3A_872 = vector.shape_cast %swap3A_871 : vector<1x16xf32> to vector<16xf32>
          %swap3A_873 = vector.shape_cast %add3A_868 : vector<16xf32> to vector<1x16xf32>
          tpu.vector_store %arg8[%swap3A_869, %swap3A_870], %swap3A_873 {strides = array<i32>} : memref<80x512xf32, #tpu.memory_space<vmem>>, vector<1x16xf32>,
          %get3A_874 = arith.index_cast %scan3A_674 : i32 to index
          %get3A_875 = arith.constant 320 : index
          %get3A_876 = tpu.vector_load %arg8[%get3A_874, %get3A_875] {strides = array<i32>} : memref<80x512xf32, #tpu.memory_space<vmem>>, vector<1x16xf32>,
          %get3A_877 = vector.shape_cast %get3A_876 : vector<1x16xf32> to vector<16xf32>
          %add3A_878 = arith.addf %get3A_877, %select_n3A_374 : vector<16xf32>
          %swap3A_879 = arith.index_cast %scan3A_674 : i32 to index
          %swap3A_880 = arith.constant 320 : index
          %swap3A_881 = tpu.vector_load %arg8[%swap3A_879, %swap3A_880] {strides = array<i32>} : memref<80x512xf32, #tpu.memory_space<vmem>>, vector<1x16xf32>,
          %swap3A_882 = vector.shape_cast %swap3A_881 : vector<1x16xf32> to vector<16xf32>
          %swap3A_883 = vector.shape_cast %add3A_878 : vector<16xf32> to vector<1x16xf32>
          tpu.vector_store %arg8[%swap3A_879, %swap3A_880], %swap3A_883 {strides = array<i32>} : memref<80x512xf32, #tpu.memory_space<vmem>>, vector<1x16xf32>,
          %get3A_884 = arith.index_cast %scan3A_674 : i32 to index
          %get3A_885 = arith.constant 336 : index
          %get3A_886 = tpu.vector_load %arg8[%get3A_884, %get3A_885] {strides = array<i32>} : memref<80x512xf32, #tpu.memory_space<vmem>>, vector<1x16xf32>,
          %get3A_887 = vector.shape_cast %get3A_886 : vector<1x16xf32> to vector<16xf32>
          %add3A_888 = arith.addf %get3A_887, %select_n3A_391 : vector<16xf32>
          %swap3A_889 = arith.index_cast %scan3A_674 : i32 to index
          %swap3A_890 = arith.constant 336 : index
          %swap3A_891 = tpu.vector_load %arg8[%swap3A_889, %swap3A_890] {strides = array<i32>} : memref<80x512xf32, #tpu.memory_space<vmem>>, vector<1x16xf32>,
          %swap3A_892 = vector.shape_cast %swap3A_891 : vector<1x16xf32> to vector<16xf32>
          %swap3A_893 = vector.shape_cast %add3A_888 : vector<16xf32> to vector<1x16xf32>
          tpu.vector_store %arg8[%swap3A_889, %swap3A_890], %swap3A_893 {strides = array<i32>} : memref<80x512xf32, #tpu.memory_space<vmem>>, vector<1x16xf32>,
          %get3A_894 = arith.index_cast %scan3A_674 : i32 to index
          %get3A_895 = arith.constant 352 : index
          %get3A_896 = tpu.vector_load %arg8[%get3A_894, %get3A_895] {strides = array<i32>} : memref<80x512xf32, #tpu.memory_space<vmem>>, vector<1x16xf32>,
          %get3A_897 = vector.shape_cast %get3A_896 : vector<1x16xf32> to vector<16xf32>
          %add3A_898 = arith.addf %get3A_897, %select_n3A_408 : vector<16xf32>
          %swap3A_899 = arith.index_cast %scan3A_674 : i32 to index
          %swap3A_900 = arith.constant 352 : index
          %swap3A_901 = tpu.vector_load %arg8[%swap3A_899, %swap3A_900] {strides = array<i32>} : memref<80x512xf32, #tpu.memory_space<vmem>>, vector<1x16xf32>,
          %swap3A_902 = vector.shape_cast %swap3A_901 : vector<1x16xf32> to vector<16xf32>
          %swap3A_903 = vector.shape_cast %add3A_898 : vector<16xf32> to vector<1x16xf32>
          tpu.vector_store %arg8[%swap3A_899, %swap3A_900], %swap3A_903 {strides = array<i32>} : memref<80x512xf32, #tpu.memory_space<vmem>>, vector<1x16xf32>,
          %get3A_904 = arith.index_cast %scan3A_674 : i32 to index
          %get3A_905 = arith.constant 368 : index
          %get3A_906 = tpu.vector_load %arg8[%get3A_904, %get3A_905] {strides = array<i32>} : memref<80x512xf32, #tpu.memory_space<vmem>>, vector<1x16xf32>,
          %get3A_907 = vector.shape_cast %get3A_906 : vector<1x16xf32> to vector<16xf32>
          %add3A_908 = arith.addf %get3A_907, %select_n3A_425 : vector<16xf32>
          %swap3A_909 = arith.index_cast %scan3A_674 : i32 to index
          %swap3A_910 = arith.constant 368 : index
          %swap3A_911 = tpu.vector_load %arg8[%swap3A_909, %swap3A_910] {strides = array<i32>} : memref<80x512xf32, #tpu.memory_space<vmem>>, vector<1x16xf32>,
          %swap3A_912 = vector.shape_cast %swap3A_911 : vector<1x16xf32> to vector<16xf32>
          %swap3A_913 = vector.shape_cast %add3A_908 : vector<16xf32> to vector<1x16xf32>
          tpu.vector_store %arg8[%swap3A_909, %swap3A_910], %swap3A_913 {strides = array<i32>} : memref<80x512xf32, #tpu.memory_space<vmem>>, vector<1x16xf32>,
          %get3A_914 = arith.index_cast %scan3A_674 : i32 to index
          %get3A_915 = arith.constant 384 : index
          %get3A_916 = tpu.vector_load %arg8[%get3A_914, %get3A_915] {strides = array<i32>} : memref<80x512xf32, #tpu.memory_space<vmem>>, vector<1x16xf32>,
          %get3A_917 = vector.shape_cast %get3A_916 : vector<1x16xf32> to vector<16xf32>
          %add3A_918 = arith.addf %get3A_917, %select_n3A_442 : vector<16xf32>
          %swap3A_919 = arith.index_cast %scan3A_674 : i32 to index
          %swap3A_920 = arith.constant 384 : index
          %swap3A_921 = tpu.vector_load %arg8[%swap3A_919, %swap3A_920] {strides = array<i32>} : memref<80x512xf32, #tpu.memory_space<vmem>>, vector<1x16xf32>,
          %swap3A_922 = vector.shape_cast %swap3A_921 : vector<1x16xf32> to vector<16xf32>
          %swap3A_923 = vector.shape_cast %add3A_918 : vector<16xf32> to vector<1x16xf32>
          tpu.vector_store %arg8[%swap3A_919, %swap3A_920], %swap3A_923 {strides = array<i32>} : memref<80x512xf32, #tpu.memory_space<vmem>>, vector<1x16xf32>,
          %get3A_924 = arith.index_cast %scan3A_674 : i32 to index
          %get3A_925 = arith.constant 400 : index
          %get3A_926 = tpu.vector_load %arg8[%get3A_924, %get3A_925] {strides = array<i32>} : memref<80x512xf32, #tpu.memory_space<vmem>>, vector<1x16xf32>,
          %get3A_927 = vector.shape_cast %get3A_926 : vector<1x16xf32> to vector<16xf32>
          %add3A_928 = arith.addf %get3A_927, %select_n3A_459 : vector<16xf32>
          %swap3A_929 = arith.index_cast %scan3A_674 : i32 to index
          %swap3A_930 = arith.constant 400 : index
          %swap3A_931 = tpu.vector_load %arg8[%swap3A_929, %swap3A_930] {strides = array<i32>} : memref<80x512xf32, #tpu.memory_space<vmem>>, vector<1x16xf32>,
          %swap3A_932 = vector.shape_cast %swap3A_931 : vector<1x16xf32> to vector<16xf32>
          %swap3A_933 = vector.shape_cast %add3A_928 : vector<16xf32> to vector<1x16xf32>
          tpu.vector_store %arg8[%swap3A_929, %swap3A_930], %swap3A_933 {strides = array<i32>} : memref<80x512xf32, #tpu.memory_space<vmem>>, vector<1x16xf32>,
          %get3A_934 = arith.index_cast %scan3A_674 : i32 to index
          %get3A_935 = arith.constant 416 : index
          %get3A_936 = tpu.vector_load %arg8[%get3A_934, %get3A_935] {strides = array<i32>} : memref<80x512xf32, #tpu.memory_space<vmem>>, vector<1x16xf32>,
          %get3A_937 = vector.shape_cast %get3A_936 : vector<1x16xf32> to vector<16xf32>
          %add3A_938 = arith.addf %get3A_937, %select_n3A_476 : vector<16xf32>
          %swap3A_939 = arith.index_cast %scan3A_674 : i32 to index
          %swap3A_940 = arith.constant 416 : index
          %swap3A_941 = tpu.vector_load %arg8[%swap3A_939, %swap3A_940] {strides = array<i32>} : memref<80x512xf32, #tpu.memory_space<vmem>>, vector<1x16xf32>,
          %swap3A_942 = vector.shape_cast %swap3A_941 : vector<1x16xf32> to vector<16xf32>
          %swap3A_943 = vector.shape_cast %add3A_938 : vector<16xf32> to vector<1x16xf32>
          tpu.vector_store %arg8[%swap3A_939, %swap3A_940], %swap3A_943 {strides = array<i32>} : memref<80x512xf32, #tpu.memory_space<vmem>>, vector<1x16xf32>,
          %get3A_944 = arith.index_cast %scan3A_674 : i32 to index
          %get3A_945 = arith.constant 432 : index
          %get3A_946 = tpu.vector_load %arg8[%get3A_944, %get3A_945] {strides = array<i32>} : memref<80x512xf32, #tpu.memory_space<vmem>>, vector<1x16xf32>,
          %get3A_947 = vector.shape_cast %get3A_946 : vector<1x16xf32> to vector<16xf32>
          %add3A_948 = arith.addf %get3A_947, %select_n3A_493 : vector<16xf32>
          %swap3A_949 = arith.index_cast %scan3A_674 : i32 to index
          %swap3A_950 = arith.constant 432 : index
          %swap3A_951 = tpu.vector_load %arg8[%swap3A_949, %swap3A_950] {strides = array<i32>} : memref<80x512xf32, #tpu.memory_space<vmem>>, vector<1x16xf32>,
          %swap3A_952 = vector.shape_cast %swap3A_951 : vector<1x16xf32> to vector<16xf32>
          %swap3A_953 = vector.shape_cast %add3A_948 : vector<16xf32> to vector<1x16xf32>
          tpu.vector_store %arg8[%swap3A_949, %swap3A_950], %swap3A_953 {strides = array<i32>} : memref<80x512xf32, #tpu.memory_space<vmem>>, vector<1x16xf32>,
          %get3A_954 = arith.index_cast %scan3A_674 : i32 to index
          %get3A_955 = arith.constant 448 : index
          %get3A_956 = tpu.vector_load %arg8[%get3A_954, %get3A_955] {strides = array<i32>} : memref<80x512xf32, #tpu.memory_space<vmem>>, vector<1x16xf32>,
          %get3A_957 = vector.shape_cast %get3A_956 : vector<1x16xf32> to vector<16xf32>
          %add3A_958 = arith.addf %get3A_957, %select_n3A_510 : vector<16xf32>
          %swap3A_959 = arith.index_cast %scan3A_674 : i32 to index
          %swap3A_960 = arith.constant 448 : index
          %swap3A_961 = tpu.vector_load %arg8[%swap3A_959, %swap3A_960] {strides = array<i32>} : memref<80x512xf32, #tpu.memory_space<vmem>>, vector<1x16xf32>,
          %swap3A_962 = vector.shape_cast %swap3A_961 : vector<1x16xf32> to vector<16xf32>
          %swap3A_963 = vector.shape_cast %add3A_958 : vector<16xf32> to vector<1x16xf32>
          tpu.vector_store %arg8[%swap3A_959, %swap3A_960], %swap3A_963 {strides = array<i32>} : memref<80x512xf32, #tpu.memory_space<vmem>>, vector<1x16xf32>,
          %get3A_964 = arith.index_cast %scan3A_674 : i32 to index
          %get3A_965 = arith.constant 464 : index
          %get3A_966 = tpu.vector_load %arg8[%get3A_964, %get3A_965] {strides = array<i32>} : memref<80x512xf32, #tpu.memory_space<vmem>>, vector<1x16xf32>,
          %get3A_967 = vector.shape_cast %get3A_966 : vector<1x16xf32> to vector<16xf32>
          %add3A_968 = arith.addf %get3A_967, %select_n3A_527 : vector<16xf32>
          %swap3A_969 = arith.index_cast %scan3A_674 : i32 to index
          %swap3A_970 = arith.constant 464 : index
          %swap3A_971 = tpu.vector_load %arg8[%swap3A_969, %swap3A_970] {strides = array<i32>} : memref<80x512xf32, #tpu.memory_space<vmem>>, vector<1x16xf32>,
          %swap3A_972 = vector.shape_cast %swap3A_971 : vector<1x16xf32> to vector<16xf32>
          %swap3A_973 = vector.shape_cast %add3A_968 : vector<16xf32> to vector<1x16xf32>
          tpu.vector_store %arg8[%swap3A_969, %swap3A_970], %swap3A_973 {strides = array<i32>} : memref<80x512xf32, #tpu.memory_space<vmem>>, vector<1x16xf32>,
          %get3A_974 = arith.index_cast %scan3A_674 : i32 to index
          %get3A_975 = arith.constant 480 : index
          %get3A_976 = tpu.vector_load %arg8[%get3A_974, %get3A_975] {strides = array<i32>} : memref<80x512xf32, #tpu.memory_space<vmem>>, vector<1x16xf32>,
          %get3A_977 = vector.shape_cast %get3A_976 : vector<1x16xf32> to vector<16xf32>
          %add3A_978 = arith.addf %get3A_977, %select_n3A_544 : vector<16xf32>
          %swap3A_979 = arith.index_cast %scan3A_674 : i32 to index
          %swap3A_980 = arith.constant 480 : index
          %swap3A_981 = tpu.vector_load %arg8[%swap3A_979, %swap3A_980] {strides = array<i32>} : memref<80x512xf32, #tpu.memory_space<vmem>>, vector<1x16xf32>,
          %swap3A_982 = vector.shape_cast %swap3A_981 : vector<1x16xf32> to vector<16xf32>
          %swap3A_983 = vector.shape_cast %add3A_978 : vector<16xf32> to vector<1x16xf32>
          tpu.vector_store %arg8[%swap3A_979, %swap3A_980], %swap3A_983 {strides = array<i32>} : memref<80x512xf32, #tpu.memory_space<vmem>>, vector<1x16xf32>,
          %get3A_984 = arith.index_cast %scan3A_674 : i32 to index
          %get3A_985 = arith.constant 496 : index
          %get3A_986 = tpu.vector_load %arg8[%get3A_984, %get3A_985] {strides = array<i32>} : memref<80x512xf32, #tpu.memory_space<vmem>>, vector<1x16xf32>,
          %get3A_987 = vector.shape_cast %get3A_986 : vector<1x16xf32> to vector<16xf32>
          %add3A_988 = arith.addf %get3A_987, %select_n3A_561 : vector<16xf32>
          %swap3A_989 = arith.index_cast %scan3A_674 : i32 to index
          %swap3A_990 = arith.constant 496 : index
          %swap3A_991 = tpu.vector_load %arg8[%swap3A_989, %swap3A_990] {strides = array<i32>} : memref<80x512xf32, #tpu.memory_space<vmem>>, vector<1x16xf32>,
          %swap3A_992 = vector.shape_cast %swap3A_991 : vector<1x16xf32> to vector<16xf32>
          %swap3A_993 = vector.shape_cast %add3A_988 : vector<16xf32> to vector<1x16xf32>
          tpu.vector_store %arg8[%swap3A_989, %swap3A_990], %swap3A_993 {strides = array<i32>} : memref<80x512xf32, #tpu.memory_space<vmem>>, vector<1x16xf32>,
        }
        %scan3A_665 = arith.constant 80 : i32
        %mul3A_666 = arith.constant 32 : i32
        %mul3A_667 = arith.muli %add3A_593, %mul3A_666 : i32
        %add3A_668 = arith.addi %add3A, %mul3A_667 : i32
        %mul3A_669 = arith.constant 80 : i32
        %mul3A_670 = arith.muli %add3A_668, %mul3A_669 : i32
        %dma_start3A = arith.constant 0 : i32
        %dma_start3A_671 = tpu.memref_slice %arg5[%mul3A_670, %dma_start3A] : memref<100000x512xf32, #tpu.memory_space<hbm>> -> memref<80x512xf32, #tpu.memory_space<hbm>>
        %dma_start3A_672 = arith.constant 0 : i32
        %dma_start3A_673 = tpu.memref_slice %arg5[%mul3A_670, %dma_start3A_672] : memref<100000x512xf32, #tpu.memory_space<hbm>> -> memref<80x512xf32, #tpu.memory_space<hbm>>
        tpu.enqueue_dma source(%arg8 : memref<80x512xf32, #tpu.memory_space<vmem>>) target(%dma_start3A_673 : memref<80x512xf32, #tpu.memory_space<hbm>>) target_semaphore(%arg14 : memref<!tpu.dma_semaphore, #tpu.memory_space<semaphore_mem>>)
      } else {
      }
      %add3A_612 = arith.constant 1 : i32
      %add3A_613 = arith.addi %mul3A_591, %add3A_612 : i32
      %add3A_614 = arith.constant 2 : i32
      %add3A_615 = arith.addi %add3A_613, %add3A_614 : i32
      %mul3A_616 = arith.constant 32 : i32
      %mul3A_617 = arith.muli %add3A_615, %mul3A_616 : i32
      %add3A_618 = arith.addi %add3A, %mul3A_617 : i32
      %lt3A_619 = arith.constant 1250 : i32
      %lt3A_620 = arith.cmpi slt, %add3A_618, %lt3A_619 : i32
      %convert_element_type3A_621 = arith.extui %lt3A_620 : i1 to i32
      %cond3A_622 = arith.constant 0 : i32
      %cond3A_623 = arith.cmpi ne, %convert_element_type3A_621, %cond3A_622 : i32
      scf.if %cond3A_623 {
        %ge3A = arith.constant 1 : i32
        %ge3A_652 = arith.cmpi sge, %add3A_613, %ge3A : i32
        %convert_element_type3A_653 = arith.extui %ge3A_652 : i1 to i32
        %cond3A_654 = arith.constant 0 : i32
        %cond3A_655 = arith.cmpi ne, %convert_element_type3A_653, %cond3A_654 : i32
        scf.if %cond3A_655 {
          %sub3A = arith.constant 1 : i32
          %sub3A_666 = arith.subi %add3A_613, %sub3A : i32
          %mul3A_667 = arith.constant 32 : i32
          %mul3A_668 = arith.muli %sub3A_666, %mul3A_667 : i32
          %add3A_669 = arith.addi %add3A, %mul3A_668 : i32
          %mul3A_670 = arith.constant 80 : i32
          %mul3A_671 = arith.muli %add3A_669, %mul3A_670 : i32
          %dma_wait3A_672 = arith.constant 0 : i32
          %dma_wait3A_673 = tpu.memref_slice %arg5[%mul3A_671, %dma_wait3A_672] : memref<100000x512xf32, #tpu.memory_space<hbm>> -> memref<80x512xf32, #tpu.memory_space<hbm>>
          %dma_wait3A_674 = arith.constant 0 : i32
          %dma_wait3A_675 = tpu.memref_slice %arg5[%mul3A_671, %dma_wait3A_674] : memref<100000x512xf32, #tpu.memory_space<hbm>> -> memref<80x512xf32, #tpu.memory_space<hbm>>
          tpu.wait_dma2 semaphore(%arg14 : memref<!tpu.dma_semaphore, #tpu.memory_space<semaphore_mem>>) src(%arg8 : memref<80x512xf32, #tpu.memory_space<vmem>>) dst(%dma_wait3A_675 : memref<80x512xf32, #tpu.memory_space<hbm>>)
        } else {
        }
        %add3A_656 = arith.constant 2 : i32
        %add3A_657 = arith.addi %add3A_613, %add3A_656 : i32
        %mul3A_658 = arith.constant 32 : i32
        %mul3A_659 = arith.muli %add3A_657, %mul3A_658 : i32
        %add3A_660 = arith.addi %add3A, %mul3A_659 : i32
        %mul3A_661 = arith.constant 80 : i32
        %mul3A_662 = arith.muli %add3A_660, %mul3A_661 : i32
        %dma_start3A = arith.constant 0 : i32
        %dma_start3A_663 = tpu.memref_slice %arg2[%mul3A_662, %dma_start3A] : memref<100000x512xf32, #tpu.memory_space<hbm>> -> memref<80x512xf32, #tpu.memory_space<hbm>>
        %dma_start3A_664 = arith.constant 0 : i32
        %dma_start3A_665 = tpu.memref_slice %arg2[%mul3A_662, %dma_start3A_664] : memref<100000x512xf32, #tpu.memory_space<hbm>> -> memref<80x512xf32, #tpu.memory_space<hbm>>
        tpu.enqueue_dma source(%dma_start3A_665 : memref<80x512xf32, #tpu.memory_space<hbm>>) target(%arg8 : memref<80x512xf32, #tpu.memory_space<vmem>>) target_semaphore(%arg11 : memref<!tpu.dma_semaphore, #tpu.memory_space<semaphore_mem>>)
      } else {
      }
      %mul3A_624 = arith.constant 32 : i32
      %mul3A_625 = arith.muli %add3A_613, %mul3A_624 : i32
      %add3A_626 = arith.addi %add3A, %mul3A_625 : i32
      %lt3A_627 = arith.constant 1250 : i32
      %lt3A_628 = arith.cmpi slt, %add3A_626, %lt3A_627 : i32
      %convert_element_type3A_629 = arith.extui %lt3A_628 : i1 to i32
      %cond3A_630 = arith.constant 0 : i32
      %cond3A_631 = arith.cmpi ne, %convert_element_type3A_629, %cond3A_630 : i32
      scf.if %cond3A_631 {
        %mul3A_652 = arith.constant 32 : i32
        %mul3A_653 = arith.muli %add3A_613, %mul3A_652 : i32
        %add3A_654 = arith.addi %add3A, %mul3A_653 : i32
        %mul3A_655 = arith.constant 80 : i32
        %mul3A_656 = arith.muli %add3A_654, %mul3A_655 : i32
        %dma_wait3A_657 = arith.constant 0 : i32
        %dma_wait3A_658 = tpu.memref_slice %arg2[%mul3A_656, %dma_wait3A_657] : memref<100000x512xf32, #tpu.memory_space<hbm>> -> memref<80x512xf32, #tpu.memory_space<hbm>>
        %dma_wait3A_659 = arith.constant 0 : i32
        %dma_wait3A_660 = tpu.memref_slice %arg2[%mul3A_656, %dma_wait3A_659] : memref<100000x512xf32, #tpu.memory_space<hbm>> -> memref<80x512xf32, #tpu.memory_space<hbm>>
        tpu.wait_dma2 semaphore(%arg12 : memref<!tpu.dma_semaphore, #tpu.memory_space<semaphore_mem>>) src(%dma_wait3A_660 : memref<80x512xf32, #tpu.memory_space<hbm>>) dst(%arg9 : memref<80x512xf32, #tpu.memory_space<vmem>>)
        %scan3A_661 = arith.constant 0 : i32
        %scan3A_662 = arith.constant 80 : i32
        %scan3A_663 = arith.addi %scan3A_661, %scan3A_662 : i32
        %scan3A_664 = arith.constant 1 : i32
        scf.for %scan3A_674 = %scan3A_661 to %scan3A_663 step %scan3A_664  : i32 {
          %get3A_675 = arith.index_cast %scan3A_674 : i32 to index
          %get3A_676 = arith.constant 0 : index
          %get3A_677 = tpu.vector_load %arg9[%get3A_675, %get3A_676] {strides = array<i32>} : memref<80x512xf32, #tpu.memory_space<vmem>>, vector<1x16xf32>,
          %get3A_678 = vector.shape_cast %get3A_677 : vector<1x16xf32> to vector<16xf32>
          %add3A_679 = arith.addf %get3A_678, %select_n3A_34 : vector<16xf32>
          %swap3A = arith.index_cast %scan3A_674 : i32 to index
          %swap3A_680 = arith.constant 0 : index
          %swap3A_681 = tpu.vector_load %arg9[%swap3A, %swap3A_680] {strides = array<i32>} : memref<80x512xf32, #tpu.memory_space<vmem>>, vector<1x16xf32>,
          %swap3A_682 = vector.shape_cast %swap3A_681 : vector<1x16xf32> to vector<16xf32>
          %swap3A_683 = vector.shape_cast %add3A_679 : vector<16xf32> to vector<1x16xf32>
          tpu.vector_store %arg9[%swap3A, %swap3A_680], %swap3A_683 {strides = array<i32>} : memref<80x512xf32, #tpu.memory_space<vmem>>, vector<1x16xf32>,
          %get3A_684 = arith.index_cast %scan3A_674 : i32 to index
          %get3A_685 = arith.constant 16 : index
          %get3A_686 = tpu.vector_load %arg9[%get3A_684, %get3A_685] {strides = array<i32>} : memref<80x512xf32, #tpu.memory_space<vmem>>, vector<1x16xf32>,
          %get3A_687 = vector.shape_cast %get3A_686 : vector<1x16xf32> to vector<16xf32>
          %add3A_688 = arith.addf %get3A_687, %select_n3A_51 : vector<16xf32>
          %swap3A_689 = arith.index_cast %scan3A_674 : i32 to index
          %swap3A_690 = arith.constant 16 : index
          %swap3A_691 = tpu.vector_load %arg9[%swap3A_689, %swap3A_690] {strides = array<i32>} : memref<80x512xf32, #tpu.memory_space<vmem>>, vector<1x16xf32>,
          %swap3A_692 = vector.shape_cast %swap3A_691 : vector<1x16xf32> to vector<16xf32>
          %swap3A_693 = vector.shape_cast %add3A_688 : vector<16xf32> to vector<1x16xf32>
          tpu.vector_store %arg9[%swap3A_689, %swap3A_690], %swap3A_693 {strides = array<i32>} : memref<80x512xf32, #tpu.memory_space<vmem>>, vector<1x16xf32>,
          %get3A_694 = arith.index_cast %scan3A_674 : i32 to index
          %get3A_695 = arith.constant 32 : index
          %get3A_696 = tpu.vector_load %arg9[%get3A_694, %get3A_695] {strides = array<i32>} : memref<80x512xf32, #tpu.memory_space<vmem>>, vector<1x16xf32>,
          %get3A_697 = vector.shape_cast %get3A_696 : vector<1x16xf32> to vector<16xf32>
          %add3A_698 = arith.addf %get3A_697, %select_n3A_68 : vector<16xf32>
          %swap3A_699 = arith.index_cast %scan3A_674 : i32 to index
          %swap3A_700 = arith.constant 32 : index
          %swap3A_701 = tpu.vector_load %arg9[%swap3A_699, %swap3A_700] {strides = array<i32>} : memref<80x512xf32, #tpu.memory_space<vmem>>, vector<1x16xf32>,
          %swap3A_702 = vector.shape_cast %swap3A_701 : vector<1x16xf32> to vector<16xf32>
          %swap3A_703 = vector.shape_cast %add3A_698 : vector<16xf32> to vector<1x16xf32>
          tpu.vector_store %arg9[%swap3A_699, %swap3A_700], %swap3A_703 {strides = array<i32>} : memref<80x512xf32, #tpu.memory_space<vmem>>, vector<1x16xf32>,
          %get3A_704 = arith.index_cast %scan3A_674 : i32 to index
          %get3A_705 = arith.constant 48 : index
          %get3A_706 = tpu.vector_load %arg9[%get3A_704, %get3A_705] {strides = array<i32>} : memref<80x512xf32, #tpu.memory_space<vmem>>, vector<1x16xf32>,
          %get3A_707 = vector.shape_cast %get3A_706 : vector<1x16xf32> to vector<16xf32>
          %add3A_708 = arith.addf %get3A_707, %select_n3A_85 : vector<16xf32>
          %swap3A_709 = arith.index_cast %scan3A_674 : i32 to index
          %swap3A_710 = arith.constant 48 : index
          %swap3A_711 = tpu.vector_load %arg9[%swap3A_709, %swap3A_710] {strides = array<i32>} : memref<80x512xf32, #tpu.memory_space<vmem>>, vector<1x16xf32>,
          %swap3A_712 = vector.shape_cast %swap3A_711 : vector<1x16xf32> to vector<16xf32>
          %swap3A_713 = vector.shape_cast %add3A_708 : vector<16xf32> to vector<1x16xf32>
          tpu.vector_store %arg9[%swap3A_709, %swap3A_710], %swap3A_713 {strides = array<i32>} : memref<80x512xf32, #tpu.memory_space<vmem>>, vector<1x16xf32>,
          %get3A_714 = arith.index_cast %scan3A_674 : i32 to index
          %get3A_715 = arith.constant 64 : index
          %get3A_716 = tpu.vector_load %arg9[%get3A_714, %get3A_715] {strides = array<i32>} : memref<80x512xf32, #tpu.memory_space<vmem>>, vector<1x16xf32>,
          %get3A_717 = vector.shape_cast %get3A_716 : vector<1x16xf32> to vector<16xf32>
          %add3A_718 = arith.addf %get3A_717, %select_n3A_102 : vector<16xf32>
          %swap3A_719 = arith.index_cast %scan3A_674 : i32 to index
          %swap3A_720 = arith.constant 64 : index
          %swap3A_721 = tpu.vector_load %arg9[%swap3A_719, %swap3A_720] {strides = array<i32>} : memref<80x512xf32, #tpu.memory_space<vmem>>, vector<1x16xf32>,
          %swap3A_722 = vector.shape_cast %swap3A_721 : vector<1x16xf32> to vector<16xf32>
          %swap3A_723 = vector.shape_cast %add3A_718 : vector<16xf32> to vector<1x16xf32>
          tpu.vector_store %arg9[%swap3A_719, %swap3A_720], %swap3A_723 {strides = array<i32>} : memref<80x512xf32, #tpu.memory_space<vmem>>, vector<1x16xf32>,
          %get3A_724 = arith.index_cast %scan3A_674 : i32 to index
          %get3A_725 = arith.constant 80 : index
          %get3A_726 = tpu.vector_load %arg9[%get3A_724, %get3A_725] {strides = array<i32>} : memref<80x512xf32, #tpu.memory_space<vmem>>, vector<1x16xf32>,
          %get3A_727 = vector.shape_cast %get3A_726 : vector<1x16xf32> to vector<16xf32>
          %add3A_728 = arith.addf %get3A_727, %select_n3A_119 : vector<16xf32>
          %swap3A_729 = arith.index_cast %scan3A_674 : i32 to index
          %swap3A_730 = arith.constant 80 : index
          %swap3A_731 = tpu.vector_load %arg9[%swap3A_729, %swap3A_730] {strides = array<i32>} : memref<80x512xf32, #tpu.memory_space<vmem>>, vector<1x16xf32>,
          %swap3A_732 = vector.shape_cast %swap3A_731 : vector<1x16xf32> to vector<16xf32>
          %swap3A_733 = vector.shape_cast %add3A_728 : vector<16xf32> to vector<1x16xf32>
          tpu.vector_store %arg9[%swap3A_729, %swap3A_730], %swap3A_733 {strides = array<i32>} : memref<80x512xf32, #tpu.memory_space<vmem>>, vector<1x16xf32>,
          %get3A_734 = arith.index_cast %scan3A_674 : i32 to index
          %get3A_735 = arith.constant 96 : index
          %get3A_736 = tpu.vector_load %arg9[%get3A_734, %get3A_735] {strides = array<i32>} : memref<80x512xf32, #tpu.memory_space<vmem>>, vector<1x16xf32>,
          %get3A_737 = vector.shape_cast %get3A_736 : vector<1x16xf32> to vector<16xf32>
          %add3A_738 = arith.addf %get3A_737, %select_n3A_136 : vector<16xf32>
          %swap3A_739 = arith.index_cast %scan3A_674 : i32 to index
          %swap3A_740 = arith.constant 96 : index
          %swap3A_741 = tpu.vector_load %arg9[%swap3A_739, %swap3A_740] {strides = array<i32>} : memref<80x512xf32, #tpu.memory_space<vmem>>, vector<1x16xf32>,
          %swap3A_742 = vector.shape_cast %swap3A_741 : vector<1x16xf32> to vector<16xf32>
          %swap3A_743 = vector.shape_cast %add3A_738 : vector<16xf32> to vector<1x16xf32>
          tpu.vector_store %arg9[%swap3A_739, %swap3A_740], %swap3A_743 {strides = array<i32>} : memref<80x512xf32, #tpu.memory_space<vmem>>, vector<1x16xf32>,
          %get3A_744 = arith.index_cast %scan3A_674 : i32 to index
          %get3A_745 = arith.constant 112 : index
          %get3A_746 = tpu.vector_load %arg9[%get3A_744, %get3A_745] {strides = array<i32>} : memref<80x512xf32, #tpu.memory_space<vmem>>, vector<1x16xf32>,
          %get3A_747 = vector.shape_cast %get3A_746 : vector<1x16xf32> to vector<16xf32>
          %add3A_748 = arith.addf %get3A_747, %select_n3A_153 : vector<16xf32>
          %swap3A_749 = arith.index_cast %scan3A_674 : i32 to index
          %swap3A_750 = arith.constant 112 : index
          %swap3A_751 = tpu.vector_load %arg9[%swap3A_749, %swap3A_750] {strides = array<i32>} : memref<80x512xf32, #tpu.memory_space<vmem>>, vector<1x16xf32>,
          %swap3A_752 = vector.shape_cast %swap3A_751 : vector<1x16xf32> to vector<16xf32>
          %swap3A_753 = vector.shape_cast %add3A_748 : vector<16xf32> to vector<1x16xf32>
          tpu.vector_store %arg9[%swap3A_749, %swap3A_750], %swap3A_753 {strides = array<i32>} : memref<80x512xf32, #tpu.memory_space<vmem>>, vector<1x16xf32>,
          %get3A_754 = arith.index_cast %scan3A_674 : i32 to index
          %get3A_755 = arith.constant 128 : index
          %get3A_756 = tpu.vector_load %arg9[%get3A_754, %get3A_755] {strides = array<i32>} : memref<80x512xf32, #tpu.memory_space<vmem>>, vector<1x16xf32>,
          %get3A_757 = vector.shape_cast %get3A_756 : vector<1x16xf32> to vector<16xf32>
          %add3A_758 = arith.addf %get3A_757, %select_n3A_170 : vector<16xf32>
          %swap3A_759 = arith.index_cast %scan3A_674 : i32 to index
          %swap3A_760 = arith.constant 128 : index
          %swap3A_761 = tpu.vector_load %arg9[%swap3A_759, %swap3A_760] {strides = array<i32>} : memref<80x512xf32, #tpu.memory_space<vmem>>, vector<1x16xf32>,
          %swap3A_762 = vector.shape_cast %swap3A_761 : vector<1x16xf32> to vector<16xf32>
          %swap3A_763 = vector.shape_cast %add3A_758 : vector<16xf32> to vector<1x16xf32>
          tpu.vector_store %arg9[%swap3A_759, %swap3A_760], %swap3A_763 {strides = array<i32>} : memref<80x512xf32, #tpu.memory_space<vmem>>, vector<1x16xf32>,
          %get3A_764 = arith.index_cast %scan3A_674 : i32 to index
          %get3A_765 = arith.constant 144 : index
          %get3A_766 = tpu.vector_load %arg9[%get3A_764, %get3A_765] {strides = array<i32>} : memref<80x512xf32, #tpu.memory_space<vmem>>, vector<1x16xf32>,
          %get3A_767 = vector.shape_cast %get3A_766 : vector<1x16xf32> to vector<16xf32>
          %add3A_768 = arith.addf %get3A_767, %select_n3A_187 : vector<16xf32>
          %swap3A_769 = arith.index_cast %scan3A_674 : i32 to index
          %swap3A_770 = arith.constant 144 : index
          %swap3A_771 = tpu.vector_load %arg9[%swap3A_769, %swap3A_770] {strides = array<i32>} : memref<80x512xf32, #tpu.memory_space<vmem>>, vector<1x16xf32>,
          %swap3A_772 = vector.shape_cast %swap3A_771 : vector<1x16xf32> to vector<16xf32>
          %swap3A_773 = vector.shape_cast %add3A_768 : vector<16xf32> to vector<1x16xf32>
          tpu.vector_store %arg9[%swap3A_769, %swap3A_770], %swap3A_773 {strides = array<i32>} : memref<80x512xf32, #tpu.memory_space<vmem>>, vector<1x16xf32>,
          %get3A_774 = arith.index_cast %scan3A_674 : i32 to index
          %get3A_775 = arith.constant 160 : index
          %get3A_776 = tpu.vector_load %arg9[%get3A_774, %get3A_775] {strides = array<i32>} : memref<80x512xf32, #tpu.memory_space<vmem>>, vector<1x16xf32>,
          %get3A_777 = vector.shape_cast %get3A_776 : vector<1x16xf32> to vector<16xf32>
          %add3A_778 = arith.addf %get3A_777, %select_n3A_204 : vector<16xf32>
          %swap3A_779 = arith.index_cast %scan3A_674 : i32 to index
          %swap3A_780 = arith.constant 160 : index
          %swap3A_781 = tpu.vector_load %arg9[%swap3A_779, %swap3A_780] {strides = array<i32>} : memref<80x512xf32, #tpu.memory_space<vmem>>, vector<1x16xf32>,
          %swap3A_782 = vector.shape_cast %swap3A_781 : vector<1x16xf32> to vector<16xf32>
          %swap3A_783 = vector.shape_cast %add3A_778 : vector<16xf32> to vector<1x16xf32>
          tpu.vector_store %arg9[%swap3A_779, %swap3A_780], %swap3A_783 {strides = array<i32>} : memref<80x512xf32, #tpu.memory_space<vmem>>, vector<1x16xf32>,
          %get3A_784 = arith.index_cast %scan3A_674 : i32 to index
          %get3A_785 = arith.constant 176 : index
          %get3A_786 = tpu.vector_load %arg9[%get3A_784, %get3A_785] {strides = array<i32>} : memref<80x512xf32, #tpu.memory_space<vmem>>, vector<1x16xf32>,
          %get3A_787 = vector.shape_cast %get3A_786 : vector<1x16xf32> to vector<16xf32>
          %add3A_788 = arith.addf %get3A_787, %select_n3A_221 : vector<16xf32>
          %swap3A_789 = arith.index_cast %scan3A_674 : i32 to index
          %swap3A_790 = arith.constant 176 : index
          %swap3A_791 = tpu.vector_load %arg9[%swap3A_789, %swap3A_790] {strides = array<i32>} : memref<80x512xf32, #tpu.memory_space<vmem>>, vector<1x16xf32>,
          %swap3A_792 = vector.shape_cast %swap3A_791 : vector<1x16xf32> to vector<16xf32>
          %swap3A_793 = vector.shape_cast %add3A_788 : vector<16xf32> to vector<1x16xf32>
          tpu.vector_store %arg9[%swap3A_789, %swap3A_790], %swap3A_793 {strides = array<i32>} : memref<80x512xf32, #tpu.memory_space<vmem>>, vector<1x16xf32>,
          %get3A_794 = arith.index_cast %scan3A_674 : i32 to index
          %get3A_795 = arith.constant 192 : index
          %get3A_796 = tpu.vector_load %arg9[%get3A_794, %get3A_795] {strides = array<i32>} : memref<80x512xf32, #tpu.memory_space<vmem>>, vector<1x16xf32>,
          %get3A_797 = vector.shape_cast %get3A_796 : vector<1x16xf32> to vector<16xf32>
          %add3A_798 = arith.addf %get3A_797, %select_n3A_238 : vector<16xf32>
          %swap3A_799 = arith.index_cast %scan3A_674 : i32 to index
          %swap3A_800 = arith.constant 192 : index
          %swap3A_801 = tpu.vector_load %arg9[%swap3A_799, %swap3A_800] {strides = array<i32>} : memref<80x512xf32, #tpu.memory_space<vmem>>, vector<1x16xf32>,
          %swap3A_802 = vector.shape_cast %swap3A_801 : vector<1x16xf32> to vector<16xf32>
          %swap3A_803 = vector.shape_cast %add3A_798 : vector<16xf32> to vector<1x16xf32>
          tpu.vector_store %arg9[%swap3A_799, %swap3A_800], %swap3A_803 {strides = array<i32>} : memref<80x512xf32, #tpu.memory_space<vmem>>, vector<1x16xf32>,
          %get3A_804 = arith.index_cast %scan3A_674 : i32 to index
          %get3A_805 = arith.constant 208 : index
          %get3A_806 = tpu.vector_load %arg9[%get3A_804, %get3A_805] {strides = array<i32>} : memref<80x512xf32, #tpu.memory_space<vmem>>, vector<1x16xf32>,
          %get3A_807 = vector.shape_cast %get3A_806 : vector<1x16xf32> to vector<16xf32>
          %add3A_808 = arith.addf %get3A_807, %select_n3A_255 : vector<16xf32>
          %swap3A_809 = arith.index_cast %scan3A_674 : i32 to index
          %swap3A_810 = arith.constant 208 : index
          %swap3A_811 = tpu.vector_load %arg9[%swap3A_809, %swap3A_810] {strides = array<i32>} : memref<80x512xf32, #tpu.memory_space<vmem>>, vector<1x16xf32>,
          %swap3A_812 = vector.shape_cast %swap3A_811 : vector<1x16xf32> to vector<16xf32>
          %swap3A_813 = vector.shape_cast %add3A_808 : vector<16xf32> to vector<1x16xf32>
          tpu.vector_store %arg9[%swap3A_809, %swap3A_810], %swap3A_813 {strides = array<i32>} : memref<80x512xf32, #tpu.memory_space<vmem>>, vector<1x16xf32>,
          %get3A_814 = arith.index_cast %scan3A_674 : i32 to index
          %get3A_815 = arith.constant 224 : index
          %get3A_816 = tpu.vector_load %arg9[%get3A_814, %get3A_815] {strides = array<i32>} : memref<80x512xf32, #tpu.memory_space<vmem>>, vector<1x16xf32>,
          %get3A_817 = vector.shape_cast %get3A_816 : vector<1x16xf32> to vector<16xf32>
          %add3A_818 = arith.addf %get3A_817, %select_n3A_272 : vector<16xf32>
          %swap3A_819 = arith.index_cast %scan3A_674 : i32 to index
          %swap3A_820 = arith.constant 224 : index
          %swap3A_821 = tpu.vector_load %arg9[%swap3A_819, %swap3A_820] {strides = array<i32>} : memref<80x512xf32, #tpu.memory_space<vmem>>, vector<1x16xf32>,
          %swap3A_822 = vector.shape_cast %swap3A_821 : vector<1x16xf32> to vector<16xf32>
          %swap3A_823 = vector.shape_cast %add3A_818 : vector<16xf32> to vector<1x16xf32>
          tpu.vector_store %arg9[%swap3A_819, %swap3A_820], %swap3A_823 {strides = array<i32>} : memref<80x512xf32, #tpu.memory_space<vmem>>, vector<1x16xf32>,
          %get3A_824 = arith.index_cast %scan3A_674 : i32 to index
          %get3A_825 = arith.constant 240 : index
          %get3A_826 = tpu.vector_load %arg9[%get3A_824, %get3A_825] {strides = array<i32>} : memref<80x512xf32, #tpu.memory_space<vmem>>, vector<1x16xf32>,
          %get3A_827 = vector.shape_cast %get3A_826 : vector<1x16xf32> to vector<16xf32>
          %add3A_828 = arith.addf %get3A_827, %select_n3A_289 : vector<16xf32>
          %swap3A_829 = arith.index_cast %scan3A_674 : i32 to index
          %swap3A_830 = arith.constant 240 : index
          %swap3A_831 = tpu.vector_load %arg9[%swap3A_829, %swap3A_830] {strides = array<i32>} : memref<80x512xf32, #tpu.memory_space<vmem>>, vector<1x16xf32>,
          %swap3A_832 = vector.shape_cast %swap3A_831 : vector<1x16xf32> to vector<16xf32>
          %swap3A_833 = vector.shape_cast %add3A_828 : vector<16xf32> to vector<1x16xf32>
          tpu.vector_store %arg9[%swap3A_829, %swap3A_830], %swap3A_833 {strides = array<i32>} : memref<80x512xf32, #tpu.memory_space<vmem>>, vector<1x16xf32>,
          %get3A_834 = arith.index_cast %scan3A_674 : i32 to index
          %get3A_835 = arith.constant 256 : index
          %get3A_836 = tpu.vector_load %arg9[%get3A_834, %get3A_835] {strides = array<i32>} : memref<80x512xf32, #tpu.memory_space<vmem>>, vector<1x16xf32>,
          %get3A_837 = vector.shape_cast %get3A_836 : vector<1x16xf32> to vector<16xf32>
          %add3A_838 = arith.addf %get3A_837, %select_n3A_306 : vector<16xf32>
          %swap3A_839 = arith.index_cast %scan3A_674 : i32 to index
          %swap3A_840 = arith.constant 256 : index
          %swap3A_841 = tpu.vector_load %arg9[%swap3A_839, %swap3A_840] {strides = array<i32>} : memref<80x512xf32, #tpu.memory_space<vmem>>, vector<1x16xf32>,
          %swap3A_842 = vector.shape_cast %swap3A_841 : vector<1x16xf32> to vector<16xf32>
          %swap3A_843 = vector.shape_cast %add3A_838 : vector<16xf32> to vector<1x16xf32>
          tpu.vector_store %arg9[%swap3A_839, %swap3A_840], %swap3A_843 {strides = array<i32>} : memref<80x512xf32, #tpu.memory_space<vmem>>, vector<1x16xf32>,
          %get3A_844 = arith.index_cast %scan3A_674 : i32 to index
          %get3A_845 = arith.constant 272 : index
          %get3A_846 = tpu.vector_load %arg9[%get3A_844, %get3A_845] {strides = array<i32>} : memref<80x512xf32, #tpu.memory_space<vmem>>, vector<1x16xf32>,
          %get3A_847 = vector.shape_cast %get3A_846 : vector<1x16xf32> to vector<16xf32>
          %add3A_848 = arith.addf %get3A_847, %select_n3A_323 : vector<16xf32>
          %swap3A_849 = arith.index_cast %scan3A_674 : i32 to index
          %swap3A_850 = arith.constant 272 : index
          %swap3A_851 = tpu.vector_load %arg9[%swap3A_849, %swap3A_850] {strides = array<i32>} : memref<80x512xf32, #tpu.memory_space<vmem>>, vector<1x16xf32>,
          %swap3A_852 = vector.shape_cast %swap3A_851 : vector<1x16xf32> to vector<16xf32>
          %swap3A_853 = vector.shape_cast %add3A_848 : vector<16xf32> to vector<1x16xf32>
          tpu.vector_store %arg9[%swap3A_849, %swap3A_850], %swap3A_853 {strides = array<i32>} : memref<80x512xf32, #tpu.memory_space<vmem>>, vector<1x16xf32>,
          %get3A_854 = arith.index_cast %scan3A_674 : i32 to index
          %get3A_855 = arith.constant 288 : index
          %get3A_856 = tpu.vector_load %arg9[%get3A_854, %get3A_855] {strides = array<i32>} : memref<80x512xf32, #tpu.memory_space<vmem>>, vector<1x16xf32>,
          %get3A_857 = vector.shape_cast %get3A_856 : vector<1x16xf32> to vector<16xf32>
          %add3A_858 = arith.addf %get3A_857, %select_n3A_340 : vector<16xf32>
          %swap3A_859 = arith.index_cast %scan3A_674 : i32 to index
          %swap3A_860 = arith.constant 288 : index
          %swap3A_861 = tpu.vector_load %arg9[%swap3A_859, %swap3A_860] {strides = array<i32>} : memref<80x512xf32, #tpu.memory_space<vmem>>, vector<1x16xf32>,
          %swap3A_862 = vector.shape_cast %swap3A_861 : vector<1x16xf32> to vector<16xf32>
          %swap3A_863 = vector.shape_cast %add3A_858 : vector<16xf32> to vector<1x16xf32>
          tpu.vector_store %arg9[%swap3A_859, %swap3A_860], %swap3A_863 {strides = array<i32>} : memref<80x512xf32, #tpu.memory_space<vmem>>, vector<1x16xf32>,
          %get3A_864 = arith.index_cast %scan3A_674 : i32 to index
          %get3A_865 = arith.constant 304 : index
          %get3A_866 = tpu.vector_load %arg9[%get3A_864, %get3A_865] {strides = array<i32>} : memref<80x512xf32, #tpu.memory_space<vmem>>, vector<1x16xf32>,
          %get3A_867 = vector.shape_cast %get3A_866 : vector<1x16xf32> to vector<16xf32>
          %add3A_868 = arith.addf %get3A_867, %select_n3A_357 : vector<16xf32>
          %swap3A_869 = arith.index_cast %scan3A_674 : i32 to index
          %swap3A_870 = arith.constant 304 : index
          %swap3A_871 = tpu.vector_load %arg9[%swap3A_869, %swap3A_870] {strides = array<i32>} : memref<80x512xf32, #tpu.memory_space<vmem>>, vector<1x16xf32>,
          %swap3A_872 = vector.shape_cast %swap3A_871 : vector<1x16xf32> to vector<16xf32>
          %swap3A_873 = vector.shape_cast %add3A_868 : vector<16xf32> to vector<1x16xf32>
          tpu.vector_store %arg9[%swap3A_869, %swap3A_870], %swap3A_873 {strides = array<i32>} : memref<80x512xf32, #tpu.memory_space<vmem>>, vector<1x16xf32>,
          %get3A_874 = arith.index_cast %scan3A_674 : i32 to index
          %get3A_875 = arith.constant 320 : index
          %get3A_876 = tpu.vector_load %arg9[%get3A_874, %get3A_875] {strides = array<i32>} : memref<80x512xf32, #tpu.memory_space<vmem>>, vector<1x16xf32>,
          %get3A_877 = vector.shape_cast %get3A_876 : vector<1x16xf32> to vector<16xf32>
          %add3A_878 = arith.addf %get3A_877, %select_n3A_374 : vector<16xf32>
          %swap3A_879 = arith.index_cast %scan3A_674 : i32 to index
          %swap3A_880 = arith.constant 320 : index
          %swap3A_881 = tpu.vector_load %arg9[%swap3A_879, %swap3A_880] {strides = array<i32>} : memref<80x512xf32, #tpu.memory_space<vmem>>, vector<1x16xf32>,
          %swap3A_882 = vector.shape_cast %swap3A_881 : vector<1x16xf32> to vector<16xf32>
          %swap3A_883 = vector.shape_cast %add3A_878 : vector<16xf32> to vector<1x16xf32>
          tpu.vector_store %arg9[%swap3A_879, %swap3A_880], %swap3A_883 {strides = array<i32>} : memref<80x512xf32, #tpu.memory_space<vmem>>, vector<1x16xf32>,
          %get3A_884 = arith.index_cast %scan3A_674 : i32 to index
          %get3A_885 = arith.constant 336 : index
          %get3A_886 = tpu.vector_load %arg9[%get3A_884, %get3A_885] {strides = array<i32>} : memref<80x512xf32, #tpu.memory_space<vmem>>, vector<1x16xf32>,
          %get3A_887 = vector.shape_cast %get3A_886 : vector<1x16xf32> to vector<16xf32>
          %add3A_888 = arith.addf %get3A_887, %select_n3A_391 : vector<16xf32>
          %swap3A_889 = arith.index_cast %scan3A_674 : i32 to index
          %swap3A_890 = arith.constant 336 : index
          %swap3A_891 = tpu.vector_load %arg9[%swap3A_889, %swap3A_890] {strides = array<i32>} : memref<80x512xf32, #tpu.memory_space<vmem>>, vector<1x16xf32>,
          %swap3A_892 = vector.shape_cast %swap3A_891 : vector<1x16xf32> to vector<16xf32>
          %swap3A_893 = vector.shape_cast %add3A_888 : vector<16xf32> to vector<1x16xf32>
          tpu.vector_store %arg9[%swap3A_889, %swap3A_890], %swap3A_893 {strides = array<i32>} : memref<80x512xf32, #tpu.memory_space<vmem>>, vector<1x16xf32>,
          %get3A_894 = arith.index_cast %scan3A_674 : i32 to index
          %get3A_895 = arith.constant 352 : index
          %get3A_896 = tpu.vector_load %arg9[%get3A_894, %get3A_895] {strides = array<i32>} : memref<80x512xf32, #tpu.memory_space<vmem>>, vector<1x16xf32>,
          %get3A_897 = vector.shape_cast %get3A_896 : vector<1x16xf32> to vector<16xf32>
          %add3A_898 = arith.addf %get3A_897, %select_n3A_408 : vector<16xf32>
          %swap3A_899 = arith.index_cast %scan3A_674 : i32 to index
          %swap3A_900 = arith.constant 352 : index
          %swap3A_901 = tpu.vector_load %arg9[%swap3A_899, %swap3A_900] {strides = array<i32>} : memref<80x512xf32, #tpu.memory_space<vmem>>, vector<1x16xf32>,
          %swap3A_902 = vector.shape_cast %swap3A_901 : vector<1x16xf32> to vector<16xf32>
          %swap3A_903 = vector.shape_cast %add3A_898 : vector<16xf32> to vector<1x16xf32>
          tpu.vector_store %arg9[%swap3A_899, %swap3A_900], %swap3A_903 {strides = array<i32>} : memref<80x512xf32, #tpu.memory_space<vmem>>, vector<1x16xf32>,
          %get3A_904 = arith.index_cast %scan3A_674 : i32 to index
          %get3A_905 = arith.constant 368 : index
          %get3A_906 = tpu.vector_load %arg9[%get3A_904, %get3A_905] {strides = array<i32>} : memref<80x512xf32, #tpu.memory_space<vmem>>, vector<1x16xf32>,
          %get3A_907 = vector.shape_cast %get3A_906 : vector<1x16xf32> to vector<16xf32>
          %add3A_908 = arith.addf %get3A_907, %select_n3A_425 : vector<16xf32>
          %swap3A_909 = arith.index_cast %scan3A_674 : i32 to index
          %swap3A_910 = arith.constant 368 : index
          %swap3A_911 = tpu.vector_load %arg9[%swap3A_909, %swap3A_910] {strides = array<i32>} : memref<80x512xf32, #tpu.memory_space<vmem>>, vector<1x16xf32>,
          %swap3A_912 = vector.shape_cast %swap3A_911 : vector<1x16xf32> to vector<16xf32>
          %swap3A_913 = vector.shape_cast %add3A_908 : vector<16xf32> to vector<1x16xf32>
          tpu.vector_store %arg9[%swap3A_909, %swap3A_910], %swap3A_913 {strides = array<i32>} : memref<80x512xf32, #tpu.memory_space<vmem>>, vector<1x16xf32>,
          %get3A_914 = arith.index_cast %scan3A_674 : i32 to index
          %get3A_915 = arith.constant 384 : index
          %get3A_916 = tpu.vector_load %arg9[%get3A_914, %get3A_915] {strides = array<i32>} : memref<80x512xf32, #tpu.memory_space<vmem>>, vector<1x16xf32>,
          %get3A_917 = vector.shape_cast %get3A_916 : vector<1x16xf32> to vector<16xf32>
          %add3A_918 = arith.addf %get3A_917, %select_n3A_442 : vector<16xf32>
          %swap3A_919 = arith.index_cast %scan3A_674 : i32 to index
          %swap3A_920 = arith.constant 384 : index
          %swap3A_921 = tpu.vector_load %arg9[%swap3A_919, %swap3A_920] {strides = array<i32>} : memref<80x512xf32, #tpu.memory_space<vmem>>, vector<1x16xf32>,
          %swap3A_922 = vector.shape_cast %swap3A_921 : vector<1x16xf32> to vector<16xf32>
          %swap3A_923 = vector.shape_cast %add3A_918 : vector<16xf32> to vector<1x16xf32>
          tpu.vector_store %arg9[%swap3A_919, %swap3A_920], %swap3A_923 {strides = array<i32>} : memref<80x512xf32, #tpu.memory_space<vmem>>, vector<1x16xf32>,
          %get3A_924 = arith.index_cast %scan3A_674 : i32 to index
          %get3A_925 = arith.constant 400 : index
          %get3A_926 = tpu.vector_load %arg9[%get3A_924, %get3A_925] {strides = array<i32>} : memref<80x512xf32, #tpu.memory_space<vmem>>, vector<1x16xf32>,
          %get3A_927 = vector.shape_cast %get3A_926 : vector<1x16xf32> to vector<16xf32>
          %add3A_928 = arith.addf %get3A_927, %select_n3A_459 : vector<16xf32>
          %swap3A_929 = arith.index_cast %scan3A_674 : i32 to index
          %swap3A_930 = arith.constant 400 : index
          %swap3A_931 = tpu.vector_load %arg9[%swap3A_929, %swap3A_930] {strides = array<i32>} : memref<80x512xf32, #tpu.memory_space<vmem>>, vector<1x16xf32>,
          %swap3A_932 = vector.shape_cast %swap3A_931 : vector<1x16xf32> to vector<16xf32>
          %swap3A_933 = vector.shape_cast %add3A_928 : vector<16xf32> to vector<1x16xf32>
          tpu.vector_store %arg9[%swap3A_929, %swap3A_930], %swap3A_933 {strides = array<i32>} : memref<80x512xf32, #tpu.memory_space<vmem>>, vector<1x16xf32>,
          %get3A_934 = arith.index_cast %scan3A_674 : i32 to index
          %get3A_935 = arith.constant 416 : index
          %get3A_936 = tpu.vector_load %arg9[%get3A_934, %get3A_935] {strides = array<i32>} : memref<80x512xf32, #tpu.memory_space<vmem>>, vector<1x16xf32>,
          %get3A_937 = vector.shape_cast %get3A_936 : vector<1x16xf32> to vector<16xf32>
          %add3A_938 = arith.addf %get3A_937, %select_n3A_476 : vector<16xf32>
          %swap3A_939 = arith.index_cast %scan3A_674 : i32 to index
          %swap3A_940 = arith.constant 416 : index
          %swap3A_941 = tpu.vector_load %arg9[%swap3A_939, %swap3A_940] {strides = array<i32>} : memref<80x512xf32, #tpu.memory_space<vmem>>, vector<1x16xf32>,
          %swap3A_942 = vector.shape_cast %swap3A_941 : vector<1x16xf32> to vector<16xf32>
          %swap3A_943 = vector.shape_cast %add3A_938 : vector<16xf32> to vector<1x16xf32>
          tpu.vector_store %arg9[%swap3A_939, %swap3A_940], %swap3A_943 {strides = array<i32>} : memref<80x512xf32, #tpu.memory_space<vmem>>, vector<1x16xf32>,
          %get3A_944 = arith.index_cast %scan3A_674 : i32 to index
          %get3A_945 = arith.constant 432 : index
          %get3A_946 = tpu.vector_load %arg9[%get3A_944, %get3A_945] {strides = array<i32>} : memref<80x512xf32, #tpu.memory_space<vmem>>, vector<1x16xf32>,
          %get3A_947 = vector.shape_cast %get3A_946 : vector<1x16xf32> to vector<16xf32>
          %add3A_948 = arith.addf %get3A_947, %select_n3A_493 : vector<16xf32>
          %swap3A_949 = arith.index_cast %scan3A_674 : i32 to index
          %swap3A_950 = arith.constant 432 : index
          %swap3A_951 = tpu.vector_load %arg9[%swap3A_949, %swap3A_950] {strides = array<i32>} : memref<80x512xf32, #tpu.memory_space<vmem>>, vector<1x16xf32>,
          %swap3A_952 = vector.shape_cast %swap3A_951 : vector<1x16xf32> to vector<16xf32>
          %swap3A_953 = vector.shape_cast %add3A_948 : vector<16xf32> to vector<1x16xf32>
          tpu.vector_store %arg9[%swap3A_949, %swap3A_950], %swap3A_953 {strides = array<i32>} : memref<80x512xf32, #tpu.memory_space<vmem>>, vector<1x16xf32>,
          %get3A_954 = arith.index_cast %scan3A_674 : i32 to index
          %get3A_955 = arith.constant 448 : index
          %get3A_956 = tpu.vector_load %arg9[%get3A_954, %get3A_955] {strides = array<i32>} : memref<80x512xf32, #tpu.memory_space<vmem>>, vector<1x16xf32>,
          %get3A_957 = vector.shape_cast %get3A_956 : vector<1x16xf32> to vector<16xf32>
          %add3A_958 = arith.addf %get3A_957, %select_n3A_510 : vector<16xf32>
          %swap3A_959 = arith.index_cast %scan3A_674 : i32 to index
          %swap3A_960 = arith.constant 448 : index
          %swap3A_961 = tpu.vector_load %arg9[%swap3A_959, %swap3A_960] {strides = array<i32>} : memref<80x512xf32, #tpu.memory_space<vmem>>, vector<1x16xf32>,
          %swap3A_962 = vector.shape_cast %swap3A_961 : vector<1x16xf32> to vector<16xf32>
          %swap3A_963 = vector.shape_cast %add3A_958 : vector<16xf32> to vector<1x16xf32>
          tpu.vector_store %arg9[%swap3A_959, %swap3A_960], %swap3A_963 {strides = array<i32>} : memref<80x512xf32, #tpu.memory_space<vmem>>, vector<1x16xf32>,
          %get3A_964 = arith.index_cast %scan3A_674 : i32 to index
          %get3A_965 = arith.constant 464 : index
          %get3A_966 = tpu.vector_load %arg9[%get3A_964, %get3A_965] {strides = array<i32>} : memref<80x512xf32, #tpu.memory_space<vmem>>, vector<1x16xf32>,
          %get3A_967 = vector.shape_cast %get3A_966 : vector<1x16xf32> to vector<16xf32>
          %add3A_968 = arith.addf %get3A_967, %select_n3A_527 : vector<16xf32>
          %swap3A_969 = arith.index_cast %scan3A_674 : i32 to index
          %swap3A_970 = arith.constant 464 : index
          %swap3A_971 = tpu.vector_load %arg9[%swap3A_969, %swap3A_970] {strides = array<i32>} : memref<80x512xf32, #tpu.memory_space<vmem>>, vector<1x16xf32>,
          %swap3A_972 = vector.shape_cast %swap3A_971 : vector<1x16xf32> to vector<16xf32>
          %swap3A_973 = vector.shape_cast %add3A_968 : vector<16xf32> to vector<1x16xf32>
          tpu.vector_store %arg9[%swap3A_969, %swap3A_970], %swap3A_973 {strides = array<i32>} : memref<80x512xf32, #tpu.memory_space<vmem>>, vector<1x16xf32>,
          %get3A_974 = arith.index_cast %scan3A_674 : i32 to index
          %get3A_975 = arith.constant 480 : index
          %get3A_976 = tpu.vector_load %arg9[%get3A_974, %get3A_975] {strides = array<i32>} : memref<80x512xf32, #tpu.memory_space<vmem>>, vector<1x16xf32>,
          %get3A_977 = vector.shape_cast %get3A_976 : vector<1x16xf32> to vector<16xf32>
          %add3A_978 = arith.addf %get3A_977, %select_n3A_544 : vector<16xf32>
          %swap3A_979 = arith.index_cast %scan3A_674 : i32 to index
          %swap3A_980 = arith.constant 480 : index
          %swap3A_981 = tpu.vector_load %arg9[%swap3A_979, %swap3A_980] {strides = array<i32>} : memref<80x512xf32, #tpu.memory_space<vmem>>, vector<1x16xf32>,
          %swap3A_982 = vector.shape_cast %swap3A_981 : vector<1x16xf32> to vector<16xf32>
          %swap3A_983 = vector.shape_cast %add3A_978 : vector<16xf32> to vector<1x16xf32>
          tpu.vector_store %arg9[%swap3A_979, %swap3A_980], %swap3A_983 {strides = array<i32>} : memref<80x512xf32, #tpu.memory_space<vmem>>, vector<1x16xf32>,
          %get3A_984 = arith.index_cast %scan3A_674 : i32 to index
          %get3A_985 = arith.constant 496 : index
          %get3A_986 = tpu.vector_load %arg9[%get3A_984, %get3A_985] {strides = array<i32>} : memref<80x512xf32, #tpu.memory_space<vmem>>, vector<1x16xf32>,
          %get3A_987 = vector.shape_cast %get3A_986 : vector<1x16xf32> to vector<16xf32>
          %add3A_988 = arith.addf %get3A_987, %select_n3A_561 : vector<16xf32>
          %swap3A_989 = arith.index_cast %scan3A_674 : i32 to index
          %swap3A_990 = arith.constant 496 : index
          %swap3A_991 = tpu.vector_load %arg9[%swap3A_989, %swap3A_990] {strides = array<i32>} : memref<80x512xf32, #tpu.memory_space<vmem>>, vector<1x16xf32>,
          %swap3A_992 = vector.shape_cast %swap3A_991 : vector<1x16xf32> to vector<16xf32>
          %swap3A_993 = vector.shape_cast %add3A_988 : vector<16xf32> to vector<1x16xf32>
          tpu.vector_store %arg9[%swap3A_989, %swap3A_990], %swap3A_993 {strides = array<i32>} : memref<80x512xf32, #tpu.memory_space<vmem>>, vector<1x16xf32>,
        }
        %scan3A_665 = arith.constant 80 : i32
        %mul3A_666 = arith.constant 32 : i32
        %mul3A_667 = arith.muli %add3A_613, %mul3A_666 : i32
        %add3A_668 = arith.addi %add3A, %mul3A_667 : i32
        %mul3A_669 = arith.constant 80 : i32
        %mul3A_670 = arith.muli %add3A_668, %mul3A_669 : i32
        %dma_start3A = arith.constant 0 : i32
        %dma_start3A_671 = tpu.memref_slice %arg5[%mul3A_670, %dma_start3A] : memref<100000x512xf32, #tpu.memory_space<hbm>> -> memref<80x512xf32, #tpu.memory_space<hbm>>
        %dma_start3A_672 = arith.constant 0 : i32
        %dma_start3A_673 = tpu.memref_slice %arg5[%mul3A_670, %dma_start3A_672] : memref<100000x512xf32, #tpu.memory_space<hbm>> -> memref<80x512xf32, #tpu.memory_space<hbm>>
        tpu.enqueue_dma source(%arg9 : memref<80x512xf32, #tpu.memory_space<vmem>>) target(%dma_start3A_673 : memref<80x512xf32, #tpu.memory_space<hbm>>) target_semaphore(%arg15 : memref<!tpu.dma_semaphore, #tpu.memory_space<semaphore_mem>>)
      } else {
      }
      %add3A_632 = arith.constant 2 : i32
      %add3A_633 = arith.addi %mul3A_591, %add3A_632 : i32
      %add3A_634 = arith.constant 2 : i32
      %add3A_635 = arith.addi %add3A_633, %add3A_634 : i32
      %mul3A_636 = arith.constant 32 : i32
      %mul3A_637 = arith.muli %add3A_635, %mul3A_636 : i32
      %add3A_638 = arith.addi %add3A, %mul3A_637 : i32
      %lt3A_639 = arith.constant 1250 : i32
      %lt3A_640 = arith.cmpi slt, %add3A_638, %lt3A_639 : i32
      %convert_element_type3A_641 = arith.extui %lt3A_640 : i1 to i32
      %cond3A_642 = arith.constant 0 : i32
      %cond3A_643 = arith.cmpi ne, %convert_element_type3A_641, %cond3A_642 : i32
      scf.if %cond3A_643 {
        %ge3A = arith.constant 1 : i32
        %ge3A_652 = arith.cmpi sge, %add3A_633, %ge3A : i32
        %convert_element_type3A_653 = arith.extui %ge3A_652 : i1 to i32
        %cond3A_654 = arith.constant 0 : i32
        %cond3A_655 = arith.cmpi ne, %convert_element_type3A_653, %cond3A_654 : i32
        scf.if %cond3A_655 {
          %sub3A = arith.constant 1 : i32
          %sub3A_666 = arith.subi %add3A_633, %sub3A : i32
          %mul3A_667 = arith.constant 32 : i32
          %mul3A_668 = arith.muli %sub3A_666, %mul3A_667 : i32
          %add3A_669 = arith.addi %add3A, %mul3A_668 : i32
          %mul3A_670 = arith.constant 80 : i32
          %mul3A_671 = arith.muli %add3A_669, %mul3A_670 : i32
          %dma_wait3A_672 = arith.constant 0 : i32
          %dma_wait3A_673 = tpu.memref_slice %arg5[%mul3A_671, %dma_wait3A_672] : memref<100000x512xf32, #tpu.memory_space<hbm>> -> memref<80x512xf32, #tpu.memory_space<hbm>>
          %dma_wait3A_674 = arith.constant 0 : i32
          %dma_wait3A_675 = tpu.memref_slice %arg5[%mul3A_671, %dma_wait3A_674] : memref<100000x512xf32, #tpu.memory_space<hbm>> -> memref<80x512xf32, #tpu.memory_space<hbm>>
          tpu.wait_dma2 semaphore(%arg15 : memref<!tpu.dma_semaphore, #tpu.memory_space<semaphore_mem>>) src(%arg9 : memref<80x512xf32, #tpu.memory_space<vmem>>) dst(%dma_wait3A_675 : memref<80x512xf32, #tpu.memory_space<hbm>>)
        } else {
        }
        %add3A_656 = arith.constant 2 : i32
        %add3A_657 = arith.addi %add3A_633, %add3A_656 : i32
        %mul3A_658 = arith.constant 32 : i32
        %mul3A_659 = arith.muli %add3A_657, %mul3A_658 : i32
        %add3A_660 = arith.addi %add3A, %mul3A_659 : i32
        %mul3A_661 = arith.constant 80 : i32
        %mul3A_662 = arith.muli %add3A_660, %mul3A_661 : i32
        %dma_start3A = arith.constant 0 : i32
        %dma_start3A_663 = tpu.memref_slice %arg2[%mul3A_662, %dma_start3A] : memref<100000x512xf32, #tpu.memory_space<hbm>> -> memref<80x512xf32, #tpu.memory_space<hbm>>
        %dma_start3A_664 = arith.constant 0 : i32
        %dma_start3A_665 = tpu.memref_slice %arg2[%mul3A_662, %dma_start3A_664] : memref<100000x512xf32, #tpu.memory_space<hbm>> -> memref<80x512xf32, #tpu.memory_space<hbm>>
        tpu.enqueue_dma source(%dma_start3A_665 : memref<80x512xf32, #tpu.memory_space<hbm>>) target(%arg9 : memref<80x512xf32, #tpu.memory_space<vmem>>) target_semaphore(%arg12 : memref<!tpu.dma_semaphore, #tpu.memory_space<semaphore_mem>>)
      } else {
      }
      %mul3A_644 = arith.constant 32 : i32
      %mul3A_645 = arith.muli %add3A_633, %mul3A_644 : i32
      %add3A_646 = arith.addi %add3A, %mul3A_645 : i32
      %lt3A_647 = arith.constant 1250 : i32
      %lt3A_648 = arith.cmpi slt, %add3A_646, %lt3A_647 : i32
      %convert_element_type3A_649 = arith.extui %lt3A_648 : i1 to i32
      %cond3A_650 = arith.constant 0 : i32
      %cond3A_651 = arith.cmpi ne, %convert_element_type3A_649, %cond3A_650 : i32
      scf.if %cond3A_651 {
        %mul3A_652 = arith.constant 32 : i32
        %mul3A_653 = arith.muli %add3A_633, %mul3A_652 : i32
        %add3A_654 = arith.addi %add3A, %mul3A_653 : i32
        %mul3A_655 = arith.constant 80 : i32
        %mul3A_656 = arith.muli %add3A_654, %mul3A_655 : i32
        %dma_wait3A_657 = arith.constant 0 : i32
        %dma_wait3A_658 = tpu.memref_slice %arg2[%mul3A_656, %dma_wait3A_657] : memref<100000x512xf32, #tpu.memory_space<hbm>> -> memref<80x512xf32, #tpu.memory_space<hbm>>
        %dma_wait3A_659 = arith.constant 0 : i32
        %dma_wait3A_660 = tpu.memref_slice %arg2[%mul3A_656, %dma_wait3A_659] : memref<100000x512xf32, #tpu.memory_space<hbm>> -> memref<80x512xf32, #tpu.memory_space<hbm>>
        tpu.wait_dma2 semaphore(%arg13 : memref<!tpu.dma_semaphore, #tpu.memory_space<semaphore_mem>>) src(%dma_wait3A_660 : memref<80x512xf32, #tpu.memory_space<hbm>>) dst(%arg10 : memref<80x512xf32, #tpu.memory_space<vmem>>)
        %scan3A_661 = arith.constant 0 : i32
        %scan3A_662 = arith.constant 80 : i32
        %scan3A_663 = arith.addi %scan3A_661, %scan3A_662 : i32
        %scan3A_664 = arith.constant 1 : i32
        scf.for %scan3A_674 = %scan3A_661 to %scan3A_663 step %scan3A_664  : i32 {
          %get3A_675 = arith.index_cast %scan3A_674 : i32 to index
          %get3A_676 = arith.constant 0 : index
          %get3A_677 = tpu.vector_load %arg10[%get3A_675, %get3A_676] {strides = array<i32>} : memref<80x512xf32, #tpu.memory_space<vmem>>, vector<1x16xf32>,
          %get3A_678 = vector.shape_cast %get3A_677 : vector<1x16xf32> to vector<16xf32>
          %add3A_679 = arith.addf %get3A_678, %select_n3A_34 : vector<16xf32>
          %swap3A = arith.index_cast %scan3A_674 : i32 to index
          %swap3A_680 = arith.constant 0 : index
          %swap3A_681 = tpu.vector_load %arg10[%swap3A, %swap3A_680] {strides = array<i32>} : memref<80x512xf32, #tpu.memory_space<vmem>>, vector<1x16xf32>,
          %swap3A_682 = vector.shape_cast %swap3A_681 : vector<1x16xf32> to vector<16xf32>
          %swap3A_683 = vector.shape_cast %add3A_679 : vector<16xf32> to vector<1x16xf32>
          tpu.vector_store %arg10[%swap3A, %swap3A_680], %swap3A_683 {strides = array<i32>} : memref<80x512xf32, #tpu.memory_space<vmem>>, vector<1x16xf32>,
          %get3A_684 = arith.index_cast %scan3A_674 : i32 to index
          %get3A_685 = arith.constant 16 : index
          %get3A_686 = tpu.vector_load %arg10[%get3A_684, %get3A_685] {strides = array<i32>} : memref<80x512xf32, #tpu.memory_space<vmem>>, vector<1x16xf32>,
          %get3A_687 = vector.shape_cast %get3A_686 : vector<1x16xf32> to vector<16xf32>
          %add3A_688 = arith.addf %get3A_687, %select_n3A_51 : vector<16xf32>
          %swap3A_689 = arith.index_cast %scan3A_674 : i32 to index
          %swap3A_690 = arith.constant 16 : index
          %swap3A_691 = tpu.vector_load %arg10[%swap3A_689, %swap3A_690] {strides = array<i32>} : memref<80x512xf32, #tpu.memory_space<vmem>>, vector<1x16xf32>,
          %swap3A_692 = vector.shape_cast %swap3A_691 : vector<1x16xf32> to vector<16xf32>
          %swap3A_693 = vector.shape_cast %add3A_688 : vector<16xf32> to vector<1x16xf32>
          tpu.vector_store %arg10[%swap3A_689, %swap3A_690], %swap3A_693 {strides = array<i32>} : memref<80x512xf32, #tpu.memory_space<vmem>>, vector<1x16xf32>,
          %get3A_694 = arith.index_cast %scan3A_674 : i32 to index
          %get3A_695 = arith.constant 32 : index
          %get3A_696 = tpu.vector_load %arg10[%get3A_694, %get3A_695] {strides = array<i32>} : memref<80x512xf32, #tpu.memory_space<vmem>>, vector<1x16xf32>,
          %get3A_697 = vector.shape_cast %get3A_696 : vector<1x16xf32> to vector<16xf32>
          %add3A_698 = arith.addf %get3A_697, %select_n3A_68 : vector<16xf32>
          %swap3A_699 = arith.index_cast %scan3A_674 : i32 to index
          %swap3A_700 = arith.constant 32 : index
          %swap3A_701 = tpu.vector_load %arg10[%swap3A_699, %swap3A_700] {strides = array<i32>} : memref<80x512xf32, #tpu.memory_space<vmem>>, vector<1x16xf32>,
          %swap3A_702 = vector.shape_cast %swap3A_701 : vector<1x16xf32> to vector<16xf32>
          %swap3A_703 = vector.shape_cast %add3A_698 : vector<16xf32> to vector<1x16xf32>
          tpu.vector_store %arg10[%swap3A_699, %swap3A_700], %swap3A_703 {strides = array<i32>} : memref<80x512xf32, #tpu.memory_space<vmem>>, vector<1x16xf32>,
          %get3A_704 = arith.index_cast %scan3A_674 : i32 to index
          %get3A_705 = arith.constant 48 : index
          %get3A_706 = tpu.vector_load %arg10[%get3A_704, %get3A_705] {strides = array<i32>} : memref<80x512xf32, #tpu.memory_space<vmem>>, vector<1x16xf32>,
          %get3A_707 = vector.shape_cast %get3A_706 : vector<1x16xf32> to vector<16xf32>
          %add3A_708 = arith.addf %get3A_707, %select_n3A_85 : vector<16xf32>
          %swap3A_709 = arith.index_cast %scan3A_674 : i32 to index
          %swap3A_710 = arith.constant 48 : index
          %swap3A_711 = tpu.vector_load %arg10[%swap3A_709, %swap3A_710] {strides = array<i32>} : memref<80x512xf32, #tpu.memory_space<vmem>>, vector<1x16xf32>,
          %swap3A_712 = vector.shape_cast %swap3A_711 : vector<1x16xf32> to vector<16xf32>
          %swap3A_713 = vector.shape_cast %add3A_708 : vector<16xf32> to vector<1x16xf32>
          tpu.vector_store %arg10[%swap3A_709, %swap3A_710], %swap3A_713 {strides = array<i32>} : memref<80x512xf32, #tpu.memory_space<vmem>>, vector<1x16xf32>,
          %get3A_714 = arith.index_cast %scan3A_674 : i32 to index
          %get3A_715 = arith.constant 64 : index
          %get3A_716 = tpu.vector_load %arg10[%get3A_714, %get3A_715] {strides = array<i32>} : memref<80x512xf32, #tpu.memory_space<vmem>>, vector<1x16xf32>,
          %get3A_717 = vector.shape_cast %get3A_716 : vector<1x16xf32> to vector<16xf32>
          %add3A_718 = arith.addf %get3A_717, %select_n3A_102 : vector<16xf32>
          %swap3A_719 = arith.index_cast %scan3A_674 : i32 to index
          %swap3A_720 = arith.constant 64 : index
          %swap3A_721 = tpu.vector_load %arg10[%swap3A_719, %swap3A_720] {strides = array<i32>} : memref<80x512xf32, #tpu.memory_space<vmem>>, vector<1x16xf32>,
          %swap3A_722 = vector.shape_cast %swap3A_721 : vector<1x16xf32> to vector<16xf32>
          %swap3A_723 = vector.shape_cast %add3A_718 : vector<16xf32> to vector<1x16xf32>
          tpu.vector_store %arg10[%swap3A_719, %swap3A_720], %swap3A_723 {strides = array<i32>} : memref<80x512xf32, #tpu.memory_space<vmem>>, vector<1x16xf32>,
          %get3A_724 = arith.index_cast %scan3A_674 : i32 to index
          %get3A_725 = arith.constant 80 : index
          %get3A_726 = tpu.vector_load %arg10[%get3A_724, %get3A_725] {strides = array<i32>} : memref<80x512xf32, #tpu.memory_space<vmem>>, vector<1x16xf32>,
          %get3A_727 = vector.shape_cast %get3A_726 : vector<1x16xf32> to vector<16xf32>
          %add3A_728 = arith.addf %get3A_727, %select_n3A_119 : vector<16xf32>
          %swap3A_729 = arith.index_cast %scan3A_674 : i32 to index
          %swap3A_730 = arith.constant 80 : index
          %swap3A_731 = tpu.vector_load %arg10[%swap3A_729, %swap3A_730] {strides = array<i32>} : memref<80x512xf32, #tpu.memory_space<vmem>>, vector<1x16xf32>,
          %swap3A_732 = vector.shape_cast %swap3A_731 : vector<1x16xf32> to vector<16xf32>
          %swap3A_733 = vector.shape_cast %add3A_728 : vector<16xf32> to vector<1x16xf32>
          tpu.vector_store %arg10[%swap3A_729, %swap3A_730], %swap3A_733 {strides = array<i32>} : memref<80x512xf32, #tpu.memory_space<vmem>>, vector<1x16xf32>,
          %get3A_734 = arith.index_cast %scan3A_674 : i32 to index
          %get3A_735 = arith.constant 96 : index
          %get3A_736 = tpu.vector_load %arg10[%get3A_734, %get3A_735] {strides = array<i32>} : memref<80x512xf32, #tpu.memory_space<vmem>>, vector<1x16xf32>,
          %get3A_737 = vector.shape_cast %get3A_736 : vector<1x16xf32> to vector<16xf32>
          %add3A_738 = arith.addf %get3A_737, %select_n3A_136 : vector<16xf32>
          %swap3A_739 = arith.index_cast %scan3A_674 : i32 to index
          %swap3A_740 = arith.constant 96 : index
          %swap3A_741 = tpu.vector_load %arg10[%swap3A_739, %swap3A_740] {strides = array<i32>} : memref<80x512xf32, #tpu.memory_space<vmem>>, vector<1x16xf32>,
          %swap3A_742 = vector.shape_cast %swap3A_741 : vector<1x16xf32> to vector<16xf32>
          %swap3A_743 = vector.shape_cast %add3A_738 : vector<16xf32> to vector<1x16xf32>
          tpu.vector_store %arg10[%swap3A_739, %swap3A_740], %swap3A_743 {strides = array<i32>} : memref<80x512xf32, #tpu.memory_space<vmem>>, vector<1x16xf32>,
          %get3A_744 = arith.index_cast %scan3A_674 : i32 to index
          %get3A_745 = arith.constant 112 : index
          %get3A_746 = tpu.vector_load %arg10[%get3A_744, %get3A_745] {strides = array<i32>} : memref<80x512xf32, #tpu.memory_space<vmem>>, vector<1x16xf32>,
          %get3A_747 = vector.shape_cast %get3A_746 : vector<1x16xf32> to vector<16xf32>
          %add3A_748 = arith.addf %get3A_747, %select_n3A_153 : vector<16xf32>
          %swap3A_749 = arith.index_cast %scan3A_674 : i32 to index
          %swap3A_750 = arith.constant 112 : index
          %swap3A_751 = tpu.vector_load %arg10[%swap3A_749, %swap3A_750] {strides = array<i32>} : memref<80x512xf32, #tpu.memory_space<vmem>>, vector<1x16xf32>,
          %swap3A_752 = vector.shape_cast %swap3A_751 : vector<1x16xf32> to vector<16xf32>
          %swap3A_753 = vector.shape_cast %add3A_748 : vector<16xf32> to vector<1x16xf32>
          tpu.vector_store %arg10[%swap3A_749, %swap3A_750], %swap3A_753 {strides = array<i32>} : memref<80x512xf32, #tpu.memory_space<vmem>>, vector<1x16xf32>,
          %get3A_754 = arith.index_cast %scan3A_674 : i32 to index
          %get3A_755 = arith.constant 128 : index
          %get3A_756 = tpu.vector_load %arg10[%get3A_754, %get3A_755] {strides = array<i32>} : memref<80x512xf32, #tpu.memory_space<vmem>>, vector<1x16xf32>,
          %get3A_757 = vector.shape_cast %get3A_756 : vector<1x16xf32> to vector<16xf32>
          %add3A_758 = arith.addf %get3A_757, %select_n3A_170 : vector<16xf32>
          %swap3A_759 = arith.index_cast %scan3A_674 : i32 to index
          %swap3A_760 = arith.constant 128 : index
          %swap3A_761 = tpu.vector_load %arg10[%swap3A_759, %swap3A_760] {strides = array<i32>} : memref<80x512xf32, #tpu.memory_space<vmem>>, vector<1x16xf32>,
          %swap3A_762 = vector.shape_cast %swap3A_761 : vector<1x16xf32> to vector<16xf32>
          %swap3A_763 = vector.shape_cast %add3A_758 : vector<16xf32> to vector<1x16xf32>
          tpu.vector_store %arg10[%swap3A_759, %swap3A_760], %swap3A_763 {strides = array<i32>} : memref<80x512xf32, #tpu.memory_space<vmem>>, vector<1x16xf32>,
          %get3A_764 = arith.index_cast %scan3A_674 : i32 to index
          %get3A_765 = arith.constant 144 : index
          %get3A_766 = tpu.vector_load %arg10[%get3A_764, %get3A_765] {strides = array<i32>} : memref<80x512xf32, #tpu.memory_space<vmem>>, vector<1x16xf32>,
          %get3A_767 = vector.shape_cast %get3A_766 : vector<1x16xf32> to vector<16xf32>
          %add3A_768 = arith.addf %get3A_767, %select_n3A_187 : vector<16xf32>
          %swap3A_769 = arith.index_cast %scan3A_674 : i32 to index
          %swap3A_770 = arith.constant 144 : index
          %swap3A_771 = tpu.vector_load %arg10[%swap3A_769, %swap3A_770] {strides = array<i32>} : memref<80x512xf32, #tpu.memory_space<vmem>>, vector<1x16xf32>,
          %swap3A_772 = vector.shape_cast %swap3A_771 : vector<1x16xf32> to vector<16xf32>
          %swap3A_773 = vector.shape_cast %add3A_768 : vector<16xf32> to vector<1x16xf32>
          tpu.vector_store %arg10[%swap3A_769, %swap3A_770], %swap3A_773 {strides = array<i32>} : memref<80x512xf32, #tpu.memory_space<vmem>>, vector<1x16xf32>,
          %get3A_774 = arith.index_cast %scan3A_674 : i32 to index
          %get3A_775 = arith.constant 160 : index
          %get3A_776 = tpu.vector_load %arg10[%get3A_774, %get3A_775] {strides = array<i32>} : memref<80x512xf32, #tpu.memory_space<vmem>>, vector<1x16xf32>,
          %get3A_777 = vector.shape_cast %get3A_776 : vector<1x16xf32> to vector<16xf32>
          %add3A_778 = arith.addf %get3A_777, %select_n3A_204 : vector<16xf32>
          %swap3A_779 = arith.index_cast %scan3A_674 : i32 to index
          %swap3A_780 = arith.constant 160 : index
          %swap3A_781 = tpu.vector_load %arg10[%swap3A_779, %swap3A_780] {strides = array<i32>} : memref<80x512xf32, #tpu.memory_space<vmem>>, vector<1x16xf32>,
          %swap3A_782 = vector.shape_cast %swap3A_781 : vector<1x16xf32> to vector<16xf32>
          %swap3A_783 = vector.shape_cast %add3A_778 : vector<16xf32> to vector<1x16xf32>
          tpu.vector_store %arg10[%swap3A_779, %swap3A_780], %swap3A_783 {strides = array<i32>} : memref<80x512xf32, #tpu.memory_space<vmem>>, vector<1x16xf32>,
          %get3A_784 = arith.index_cast %scan3A_674 : i32 to index
          %get3A_785 = arith.constant 176 : index
          %get3A_786 = tpu.vector_load %arg10[%get3A_784, %get3A_785] {strides = array<i32>} : memref<80x512xf32, #tpu.memory_space<vmem>>, vector<1x16xf32>,
          %get3A_787 = vector.shape_cast %get3A_786 : vector<1x16xf32> to vector<16xf32>
          %add3A_788 = arith.addf %get3A_787, %select_n3A_221 : vector<16xf32>
          %swap3A_789 = arith.index_cast %scan3A_674 : i32 to index
          %swap3A_790 = arith.constant 176 : index
          %swap3A_791 = tpu.vector_load %arg10[%swap3A_789, %swap3A_790] {strides = array<i32>} : memref<80x512xf32, #tpu.memory_space<vmem>>, vector<1x16xf32>,
          %swap3A_792 = vector.shape_cast %swap3A_791 : vector<1x16xf32> to vector<16xf32>
          %swap3A_793 = vector.shape_cast %add3A_788 : vector<16xf32> to vector<1x16xf32>
          tpu.vector_store %arg10[%swap3A_789, %swap3A_790], %swap3A_793 {strides = array<i32>} : memref<80x512xf32, #tpu.memory_space<vmem>>, vector<1x16xf32>,
          %get3A_794 = arith.index_cast %scan3A_674 : i32 to index
          %get3A_795 = arith.constant 192 : index
          %get3A_796 = tpu.vector_load %arg10[%get3A_794, %get3A_795] {strides = array<i32>} : memref<80x512xf32, #tpu.memory_space<vmem>>, vector<1x16xf32>,
          %get3A_797 = vector.shape_cast %get3A_796 : vector<1x16xf32> to vector<16xf32>
          %add3A_798 = arith.addf %get3A_797, %select_n3A_238 : vector<16xf32>
          %swap3A_799 = arith.index_cast %scan3A_674 : i32 to index
          %swap3A_800 = arith.constant 192 : index
          %swap3A_801 = tpu.vector_load %arg10[%swap3A_799, %swap3A_800] {strides = array<i32>} : memref<80x512xf32, #tpu.memory_space<vmem>>, vector<1x16xf32>,
          %swap3A_802 = vector.shape_cast %swap3A_801 : vector<1x16xf32> to vector<16xf32>
          %swap3A_803 = vector.shape_cast %add3A_798 : vector<16xf32> to vector<1x16xf32>
          tpu.vector_store %arg10[%swap3A_799, %swap3A_800], %swap3A_803 {strides = array<i32>} : memref<80x512xf32, #tpu.memory_space<vmem>>, vector<1x16xf32>,
          %get3A_804 = arith.index_cast %scan3A_674 : i32 to index
          %get3A_805 = arith.constant 208 : index
          %get3A_806 = tpu.vector_load %arg10[%get3A_804, %get3A_805] {strides = array<i32>} : memref<80x512xf32, #tpu.memory_space<vmem>>, vector<1x16xf32>,
          %get3A_807 = vector.shape_cast %get3A_806 : vector<1x16xf32> to vector<16xf32>
          %add3A_808 = arith.addf %get3A_807, %select_n3A_255 : vector<16xf32>
          %swap3A_809 = arith.index_cast %scan3A_674 : i32 to index
          %swap3A_810 = arith.constant 208 : index
          %swap3A_811 = tpu.vector_load %arg10[%swap3A_809, %swap3A_810] {strides = array<i32>} : memref<80x512xf32, #tpu.memory_space<vmem>>, vector<1x16xf32>,
          %swap3A_812 = vector.shape_cast %swap3A_811 : vector<1x16xf32> to vector<16xf32>
          %swap3A_813 = vector.shape_cast %add3A_808 : vector<16xf32> to vector<1x16xf32>
          tpu.vector_store %arg10[%swap3A_809, %swap3A_810], %swap3A_813 {strides = array<i32>} : memref<80x512xf32, #tpu.memory_space<vmem>>, vector<1x16xf32>,
          %get3A_814 = arith.index_cast %scan3A_674 : i32 to index
          %get3A_815 = arith.constant 224 : index
          %get3A_816 = tpu.vector_load %arg10[%get3A_814, %get3A_815] {strides = array<i32>} : memref<80x512xf32, #tpu.memory_space<vmem>>, vector<1x16xf32>,
          %get3A_817 = vector.shape_cast %get3A_816 : vector<1x16xf32> to vector<16xf32>
          %add3A_818 = arith.addf %get3A_817, %select_n3A_272 : vector<16xf32>
          %swap3A_819 = arith.index_cast %scan3A_674 : i32 to index
          %swap3A_820 = arith.constant 224 : index
          %swap3A_821 = tpu.vector_load %arg10[%swap3A_819, %swap3A_820] {strides = array<i32>} : memref<80x512xf32, #tpu.memory_space<vmem>>, vector<1x16xf32>,
          %swap3A_822 = vector.shape_cast %swap3A_821 : vector<1x16xf32> to vector<16xf32>
          %swap3A_823 = vector.shape_cast %add3A_818 : vector<16xf32> to vector<1x16xf32>
          tpu.vector_store %arg10[%swap3A_819, %swap3A_820], %swap3A_823 {strides = array<i32>} : memref<80x512xf32, #tpu.memory_space<vmem>>, vector<1x16xf32>,
          %get3A_824 = arith.index_cast %scan3A_674 : i32 to index
          %get3A_825 = arith.constant 240 : index
          %get3A_826 = tpu.vector_load %arg10[%get3A_824, %get3A_825] {strides = array<i32>} : memref<80x512xf32, #tpu.memory_space<vmem>>, vector<1x16xf32>,
          %get3A_827 = vector.shape_cast %get3A_826 : vector<1x16xf32> to vector<16xf32>
          %add3A_828 = arith.addf %get3A_827, %select_n3A_289 : vector<16xf32>
          %swap3A_829 = arith.index_cast %scan3A_674 : i32 to index
          %swap3A_830 = arith.constant 240 : index
          %swap3A_831 = tpu.vector_load %arg10[%swap3A_829, %swap3A_830] {strides = array<i32>} : memref<80x512xf32, #tpu.memory_space<vmem>>, vector<1x16xf32>,
          %swap3A_832 = vector.shape_cast %swap3A_831 : vector<1x16xf32> to vector<16xf32>
          %swap3A_833 = vector.shape_cast %add3A_828 : vector<16xf32> to vector<1x16xf32>
          tpu.vector_store %arg10[%swap3A_829, %swap3A_830], %swap3A_833 {strides = array<i32>} : memref<80x512xf32, #tpu.memory_space<vmem>>, vector<1x16xf32>,
          %get3A_834 = arith.index_cast %scan3A_674 : i32 to index
          %get3A_835 = arith.constant 256 : index
          %get3A_836 = tpu.vector_load %arg10[%get3A_834, %get3A_835] {strides = array<i32>} : memref<80x512xf32, #tpu.memory_space<vmem>>, vector<1x16xf32>,
          %get3A_837 = vector.shape_cast %get3A_836 : vector<1x16xf32> to vector<16xf32>
          %add3A_838 = arith.addf %get3A_837, %select_n3A_306 : vector<16xf32>
          %swap3A_839 = arith.index_cast %scan3A_674 : i32 to index
          %swap3A_840 = arith.constant 256 : index
          %swap3A_841 = tpu.vector_load %arg10[%swap3A_839, %swap3A_840] {strides = array<i32>} : memref<80x512xf32, #tpu.memory_space<vmem>>, vector<1x16xf32>,
          %swap3A_842 = vector.shape_cast %swap3A_841 : vector<1x16xf32> to vector<16xf32>
          %swap3A_843 = vector.shape_cast %add3A_838 : vector<16xf32> to vector<1x16xf32>
          tpu.vector_store %arg10[%swap3A_839, %swap3A_840], %swap3A_843 {strides = array<i32>} : memref<80x512xf32, #tpu.memory_space<vmem>>, vector<1x16xf32>,
          %get3A_844 = arith.index_cast %scan3A_674 : i32 to index
          %get3A_845 = arith.constant 272 : index
          %get3A_846 = tpu.vector_load %arg10[%get3A_844, %get3A_845] {strides = array<i32>} : memref<80x512xf32, #tpu.memory_space<vmem>>, vector<1x16xf32>,
          %get3A_847 = vector.shape_cast %get3A_846 : vector<1x16xf32> to vector<16xf32>
          %add3A_848 = arith.addf %get3A_847, %select_n3A_323 : vector<16xf32>
          %swap3A_849 = arith.index_cast %scan3A_674 : i32 to index
          %swap3A_850 = arith.constant 272 : index
          %swap3A_851 = tpu.vector_load %arg10[%swap3A_849, %swap3A_850] {strides = array<i32>} : memref<80x512xf32, #tpu.memory_space<vmem>>, vector<1x16xf32>,
          %swap3A_852 = vector.shape_cast %swap3A_851 : vector<1x16xf32> to vector<16xf32>
          %swap3A_853 = vector.shape_cast %add3A_848 : vector<16xf32> to vector<1x16xf32>
          tpu.vector_store %arg10[%swap3A_849, %swap3A_850], %swap3A_853 {strides = array<i32>} : memref<80x512xf32, #tpu.memory_space<vmem>>, vector<1x16xf32>,
          %get3A_854 = arith.index_cast %scan3A_674 : i32 to index
          %get3A_855 = arith.constant 288 : index
          %get3A_856 = tpu.vector_load %arg10[%get3A_854, %get3A_855] {strides = array<i32>} : memref<80x512xf32, #tpu.memory_space<vmem>>, vector<1x16xf32>,
          %get3A_857 = vector.shape_cast %get3A_856 : vector<1x16xf32> to vector<16xf32>
          %add3A_858 = arith.addf %get3A_857, %select_n3A_340 : vector<16xf32>
          %swap3A_859 = arith.index_cast %scan3A_674 : i32 to index
          %swap3A_860 = arith.constant 288 : index
          %swap3A_861 = tpu.vector_load %arg10[%swap3A_859, %swap3A_860] {strides = array<i32>} : memref<80x512xf32, #tpu.memory_space<vmem>>, vector<1x16xf32>,
          %swap3A_862 = vector.shape_cast %swap3A_861 : vector<1x16xf32> to vector<16xf32>
          %swap3A_863 = vector.shape_cast %add3A_858 : vector<16xf32> to vector<1x16xf32>
          tpu.vector_store %arg10[%swap3A_859, %swap3A_860], %swap3A_863 {strides = array<i32>} : memref<80x512xf32, #tpu.memory_space<vmem>>, vector<1x16xf32>,
          %get3A_864 = arith.index_cast %scan3A_674 : i32 to index
          %get3A_865 = arith.constant 304 : index
          %get3A_866 = tpu.vector_load %arg10[%get3A_864, %get3A_865] {strides = array<i32>} : memref<80x512xf32, #tpu.memory_space<vmem>>, vector<1x16xf32>,
          %get3A_867 = vector.shape_cast %get3A_866 : vector<1x16xf32> to vector<16xf32>
          %add3A_868 = arith.addf %get3A_867, %select_n3A_357 : vector<16xf32>
          %swap3A_869 = arith.index_cast %scan3A_674 : i32 to index
          %swap3A_870 = arith.constant 304 : index
          %swap3A_871 = tpu.vector_load %arg10[%swap3A_869, %swap3A_870] {strides = array<i32>} : memref<80x512xf32, #tpu.memory_space<vmem>>, vector<1x16xf32>,
          %swap3A_872 = vector.shape_cast %swap3A_871 : vector<1x16xf32> to vector<16xf32>
          %swap3A_873 = vector.shape_cast %add3A_868 : vector<16xf32> to vector<1x16xf32>
          tpu.vector_store %arg10[%swap3A_869, %swap3A_870], %swap3A_873 {strides = array<i32>} : memref<80x512xf32, #tpu.memory_space<vmem>>, vector<1x16xf32>,
          %get3A_874 = arith.index_cast %scan3A_674 : i32 to index
          %get3A_875 = arith.constant 320 : index
          %get3A_876 = tpu.vector_load %arg10[%get3A_874, %get3A_875] {strides = array<i32>} : memref<80x512xf32, #tpu.memory_space<vmem>>, vector<1x16xf32>,
          %get3A_877 = vector.shape_cast %get3A_876 : vector<1x16xf32> to vector<16xf32>
          %add3A_878 = arith.addf %get3A_877, %select_n3A_374 : vector<16xf32>
          %swap3A_879 = arith.index_cast %scan3A_674 : i32 to index
          %swap3A_880 = arith.constant 320 : index
          %swap3A_881 = tpu.vector_load %arg10[%swap3A_879, %swap3A_880] {strides = array<i32>} : memref<80x512xf32, #tpu.memory_space<vmem>>, vector<1x16xf32>,
          %swap3A_882 = vector.shape_cast %swap3A_881 : vector<1x16xf32> to vector<16xf32>
          %swap3A_883 = vector.shape_cast %add3A_878 : vector<16xf32> to vector<1x16xf32>
          tpu.vector_store %arg10[%swap3A_879, %swap3A_880], %swap3A_883 {strides = array<i32>} : memref<80x512xf32, #tpu.memory_space<vmem>>, vector<1x16xf32>,
          %get3A_884 = arith.index_cast %scan3A_674 : i32 to index
          %get3A_885 = arith.constant 336 : index
          %get3A_886 = tpu.vector_load %arg10[%get3A_884, %get3A_885] {strides = array<i32>} : memref<80x512xf32, #tpu.memory_space<vmem>>, vector<1x16xf32>,
          %get3A_887 = vector.shape_cast %get3A_886 : vector<1x16xf32> to vector<16xf32>
          %add3A_888 = arith.addf %get3A_887, %select_n3A_391 : vector<16xf32>
          %swap3A_889 = arith.index_cast %scan3A_674 : i32 to index
          %swap3A_890 = arith.constant 336 : index
          %swap3A_891 = tpu.vector_load %arg10[%swap3A_889, %swap3A_890] {strides = array<i32>} : memref<80x512xf32, #tpu.memory_space<vmem>>, vector<1x16xf32>,
          %swap3A_892 = vector.shape_cast %swap3A_891 : vector<1x16xf32> to vector<16xf32>
          %swap3A_893 = vector.shape_cast %add3A_888 : vector<16xf32> to vector<1x16xf32>
          tpu.vector_store %arg10[%swap3A_889, %swap3A_890], %swap3A_893 {strides = array<i32>} : memref<80x512xf32, #tpu.memory_space<vmem>>, vector<1x16xf32>,
          %get3A_894 = arith.index_cast %scan3A_674 : i32 to index
          %get3A_895 = arith.constant 352 : index
          %get3A_896 = tpu.vector_load %arg10[%get3A_894, %get3A_895] {strides = array<i32>} : memref<80x512xf32, #tpu.memory_space<vmem>>, vector<1x16xf32>,
          %get3A_897 = vector.shape_cast %get3A_896 : vector<1x16xf32> to vector<16xf32>
          %add3A_898 = arith.addf %get3A_897, %select_n3A_408 : vector<16xf32>
          %swap3A_899 = arith.index_cast %scan3A_674 : i32 to index
          %swap3A_900 = arith.constant 352 : index
          %swap3A_901 = tpu.vector_load %arg10[%swap3A_899, %swap3A_900] {strides = array<i32>} : memref<80x512xf32, #tpu.memory_space<vmem>>, vector<1x16xf32>,
          %swap3A_902 = vector.shape_cast %swap3A_901 : vector<1x16xf32> to vector<16xf32>
          %swap3A_903 = vector.shape_cast %add3A_898 : vector<16xf32> to vector<1x16xf32>
          tpu.vector_store %arg10[%swap3A_899, %swap3A_900], %swap3A_903 {strides = array<i32>} : memref<80x512xf32, #tpu.memory_space<vmem>>, vector<1x16xf32>,
          %get3A_904 = arith.index_cast %scan3A_674 : i32 to index
          %get3A_905 = arith.constant 368 : index
          %get3A_906 = tpu.vector_load %arg10[%get3A_904, %get3A_905] {strides = array<i32>} : memref<80x512xf32, #tpu.memory_space<vmem>>, vector<1x16xf32>,
          %get3A_907 = vector.shape_cast %get3A_906 : vector<1x16xf32> to vector<16xf32>
          %add3A_908 = arith.addf %get3A_907, %select_n3A_425 : vector<16xf32>
          %swap3A_909 = arith.index_cast %scan3A_674 : i32 to index
          %swap3A_910 = arith.constant 368 : index
          %swap3A_911 = tpu.vector_load %arg10[%swap3A_909, %swap3A_910] {strides = array<i32>} : memref<80x512xf32, #tpu.memory_space<vmem>>, vector<1x16xf32>,
          %swap3A_912 = vector.shape_cast %swap3A_911 : vector<1x16xf32> to vector<16xf32>
          %swap3A_913 = vector.shape_cast %add3A_908 : vector<16xf32> to vector<1x16xf32>
          tpu.vector_store %arg10[%swap3A_909, %swap3A_910], %swap3A_913 {strides = array<i32>} : memref<80x512xf32, #tpu.memory_space<vmem>>, vector<1x16xf32>,
          %get3A_914 = arith.index_cast %scan3A_674 : i32 to index
          %get3A_915 = arith.constant 384 : index
          %get3A_916 = tpu.vector_load %arg10[%get3A_914, %get3A_915] {strides = array<i32>} : memref<80x512xf32, #tpu.memory_space<vmem>>, vector<1x16xf32>,
          %get3A_917 = vector.shape_cast %get3A_916 : vector<1x16xf32> to vector<16xf32>
          %add3A_918 = arith.addf %get3A_917, %select_n3A_442 : vector<16xf32>
          %swap3A_919 = arith.index_cast %scan3A_674 : i32 to index
          %swap3A_920 = arith.constant 384 : index
          %swap3A_921 = tpu.vector_load %arg10[%swap3A_919, %swap3A_920] {strides = array<i32>} : memref<80x512xf32, #tpu.memory_space<vmem>>, vector<1x16xf32>,
          %swap3A_922 = vector.shape_cast %swap3A_921 : vector<1x16xf32> to vector<16xf32>
          %swap3A_923 = vector.shape_cast %add3A_918 : vector<16xf32> to vector<1x16xf32>
          tpu.vector_store %arg10[%swap3A_919, %swap3A_920], %swap3A_923 {strides = array<i32>} : memref<80x512xf32, #tpu.memory_space<vmem>>, vector<1x16xf32>,
          %get3A_924 = arith.index_cast %scan3A_674 : i32 to index
          %get3A_925 = arith.constant 400 : index
          %get3A_926 = tpu.vector_load %arg10[%get3A_924, %get3A_925] {strides = array<i32>} : memref<80x512xf32, #tpu.memory_space<vmem>>, vector<1x16xf32>,
          %get3A_927 = vector.shape_cast %get3A_926 : vector<1x16xf32> to vector<16xf32>
          %add3A_928 = arith.addf %get3A_927, %select_n3A_459 : vector<16xf32>
          %swap3A_929 = arith.index_cast %scan3A_674 : i32 to index
          %swap3A_930 = arith.constant 400 : index
          %swap3A_931 = tpu.vector_load %arg10[%swap3A_929, %swap3A_930] {strides = array<i32>} : memref<80x512xf32, #tpu.memory_space<vmem>>, vector<1x16xf32>,
          %swap3A_932 = vector.shape_cast %swap3A_931 : vector<1x16xf32> to vector<16xf32>
          %swap3A_933 = vector.shape_cast %add3A_928 : vector<16xf32> to vector<1x16xf32>
          tpu.vector_store %arg10[%swap3A_929, %swap3A_930], %swap3A_933 {strides = array<i32>} : memref<80x512xf32, #tpu.memory_space<vmem>>, vector<1x16xf32>,
          %get3A_934 = arith.index_cast %scan3A_674 : i32 to index
          %get3A_935 = arith.constant 416 : index
          %get3A_936 = tpu.vector_load %arg10[%get3A_934, %get3A_935] {strides = array<i32>} : memref<80x512xf32, #tpu.memory_space<vmem>>, vector<1x16xf32>,
          %get3A_937 = vector.shape_cast %get3A_936 : vector<1x16xf32> to vector<16xf32>
          %add3A_938 = arith.addf %get3A_937, %select_n3A_476 : vector<16xf32>
          %swap3A_939 = arith.index_cast %scan3A_674 : i32 to index
          %swap3A_940 = arith.constant 416 : index
          %swap3A_941 = tpu.vector_load %arg10[%swap3A_939, %swap3A_940] {strides = array<i32>} : memref<80x512xf32, #tpu.memory_space<vmem>>, vector<1x16xf32>,
          %swap3A_942 = vector.shape_cast %swap3A_941 : vector<1x16xf32> to vector<16xf32>
          %swap3A_943 = vector.shape_cast %add3A_938 : vector<16xf32> to vector<1x16xf32>
          tpu.vector_store %arg10[%swap3A_939, %swap3A_940], %swap3A_943 {strides = array<i32>} : memref<80x512xf32, #tpu.memory_space<vmem>>, vector<1x16xf32>,
          %get3A_944 = arith.index_cast %scan3A_674 : i32 to index
          %get3A_945 = arith.constant 432 : index
          %get3A_946 = tpu.vector_load %arg10[%get3A_944, %get3A_945] {strides = array<i32>} : memref<80x512xf32, #tpu.memory_space<vmem>>, vector<1x16xf32>,
          %get3A_947 = vector.shape_cast %get3A_946 : vector<1x16xf32> to vector<16xf32>
          %add3A_948 = arith.addf %get3A_947, %select_n3A_493 : vector<16xf32>
          %swap3A_949 = arith.index_cast %scan3A_674 : i32 to index
          %swap3A_950 = arith.constant 432 : index
          %swap3A_951 = tpu.vector_load %arg10[%swap3A_949, %swap3A_950] {strides = array<i32>} : memref<80x512xf32, #tpu.memory_space<vmem>>, vector<1x16xf32>,
          %swap3A_952 = vector.shape_cast %swap3A_951 : vector<1x16xf32> to vector<16xf32>
          %swap3A_953 = vector.shape_cast %add3A_948 : vector<16xf32> to vector<1x16xf32>
          tpu.vector_store %arg10[%swap3A_949, %swap3A_950], %swap3A_953 {strides = array<i32>} : memref<80x512xf32, #tpu.memory_space<vmem>>, vector<1x16xf32>,
          %get3A_954 = arith.index_cast %scan3A_674 : i32 to index
          %get3A_955 = arith.constant 448 : index
          %get3A_956 = tpu.vector_load %arg10[%get3A_954, %get3A_955] {strides = array<i32>} : memref<80x512xf32, #tpu.memory_space<vmem>>, vector<1x16xf32>,
          %get3A_957 = vector.shape_cast %get3A_956 : vector<1x16xf32> to vector<16xf32>
          %add3A_958 = arith.addf %get3A_957, %select_n3A_510 : vector<16xf32>
          %swap3A_959 = arith.index_cast %scan3A_674 : i32 to index
          %swap3A_960 = arith.constant 448 : index
          %swap3A_961 = tpu.vector_load %arg10[%swap3A_959, %swap3A_960] {strides = array<i32>} : memref<80x512xf32, #tpu.memory_space<vmem>>, vector<1x16xf32>,
          %swap3A_962 = vector.shape_cast %swap3A_961 : vector<1x16xf32> to vector<16xf32>
          %swap3A_963 = vector.shape_cast %add3A_958 : vector<16xf32> to vector<1x16xf32>
          tpu.vector_store %arg10[%swap3A_959, %swap3A_960], %swap3A_963 {strides = array<i32>} : memref<80x512xf32, #tpu.memory_space<vmem>>, vector<1x16xf32>,
          %get3A_964 = arith.index_cast %scan3A_674 : i32 to index
          %get3A_965 = arith.constant 464 : index
          %get3A_966 = tpu.vector_load %arg10[%get3A_964, %get3A_965] {strides = array<i32>} : memref<80x512xf32, #tpu.memory_space<vmem>>, vector<1x16xf32>,
          %get3A_967 = vector.shape_cast %get3A_966 : vector<1x16xf32> to vector<16xf32>
          %add3A_968 = arith.addf %get3A_967, %select_n3A_527 : vector<16xf32>
          %swap3A_969 = arith.index_cast %scan3A_674 : i32 to index
          %swap3A_970 = arith.constant 464 : index
          %swap3A_971 = tpu.vector_load %arg10[%swap3A_969, %swap3A_970] {strides = array<i32>} : memref<80x512xf32, #tpu.memory_space<vmem>>, vector<1x16xf32>,
          %swap3A_972 = vector.shape_cast %swap3A_971 : vector<1x16xf32> to vector<16xf32>
          %swap3A_973 = vector.shape_cast %add3A_968 : vector<16xf32> to vector<1x16xf32>
          tpu.vector_store %arg10[%swap3A_969, %swap3A_970], %swap3A_973 {strides = array<i32>} : memref<80x512xf32, #tpu.memory_space<vmem>>, vector<1x16xf32>,
          %get3A_974 = arith.index_cast %scan3A_674 : i32 to index
          %get3A_975 = arith.constant 480 : index
          %get3A_976 = tpu.vector_load %arg10[%get3A_974, %get3A_975] {strides = array<i32>} : memref<80x512xf32, #tpu.memory_space<vmem>>, vector<1x16xf32>,
          %get3A_977 = vector.shape_cast %get3A_976 : vector<1x16xf32> to vector<16xf32>
          %add3A_978 = arith.addf %get3A_977, %select_n3A_544 : vector<16xf32>
          %swap3A_979 = arith.index_cast %scan3A_674 : i32 to index
          %swap3A_980 = arith.constant 480 : index
          %swap3A_981 = tpu.vector_load %arg10[%swap3A_979, %swap3A_980] {strides = array<i32>} : memref<80x512xf32, #tpu.memory_space<vmem>>, vector<1x16xf32>,
          %swap3A_982 = vector.shape_cast %swap3A_981 : vector<1x16xf32> to vector<16xf32>
          %swap3A_983 = vector.shape_cast %add3A_978 : vector<16xf32> to vector<1x16xf32>
          tpu.vector_store %arg10[%swap3A_979, %swap3A_980], %swap3A_983 {strides = array<i32>} : memref<80x512xf32, #tpu.memory_space<vmem>>, vector<1x16xf32>,
          %get3A_984 = arith.index_cast %scan3A_674 : i32 to index
          %get3A_985 = arith.constant 496 : index
          %get3A_986 = tpu.vector_load %arg10[%get3A_984, %get3A_985] {strides = array<i32>} : memref<80x512xf32, #tpu.memory_space<vmem>>, vector<1x16xf32>,
          %get3A_987 = vector.shape_cast %get3A_986 : vector<1x16xf32> to vector<16xf32>
          %add3A_988 = arith.addf %get3A_987, %select_n3A_561 : vector<16xf32>
          %swap3A_989 = arith.index_cast %scan3A_674 : i32 to index
          %swap3A_990 = arith.constant 496 : index
          %swap3A_991 = tpu.vector_load %arg10[%swap3A_989, %swap3A_990] {strides = array<i32>} : memref<80x512xf32, #tpu.memory_space<vmem>>, vector<1x16xf32>,
          %swap3A_992 = vector.shape_cast %swap3A_991 : vector<1x16xf32> to vector<16xf32>
          %swap3A_993 = vector.shape_cast %add3A_988 : vector<16xf32> to vector<1x16xf32>
          tpu.vector_store %arg10[%swap3A_989, %swap3A_990], %swap3A_993 {strides = array<i32>} : memref<80x512xf32, #tpu.memory_space<vmem>>, vector<1x16xf32>,
        }
        %scan3A_665 = arith.constant 80 : i32
        %mul3A_666 = arith.constant 32 : i32
        %mul3A_667 = arith.muli %add3A_633, %mul3A_666 : i32
        %add3A_668 = arith.addi %add3A, %mul3A_667 : i32
        %mul3A_669 = arith.constant 80 : i32
        %mul3A_670 = arith.muli %add3A_668, %mul3A_669 : i32
        %dma_start3A = arith.constant 0 : i32
        %dma_start3A_671 = tpu.memref_slice %arg5[%mul3A_670, %dma_start3A] : memref<100000x512xf32, #tpu.memory_space<hbm>> -> memref<80x512xf32, #tpu.memory_space<hbm>>
        %dma_start3A_672 = arith.constant 0 : i32
        %dma_start3A_673 = tpu.memref_slice %arg5[%mul3A_670, %dma_start3A_672] : memref<100000x512xf32, #tpu.memory_space<hbm>> -> memref<80x512xf32, #tpu.memory_space<hbm>>
        tpu.enqueue_dma source(%arg10 : memref<80x512xf32, #tpu.memory_space<vmem>>) target(%dma_start3A_673 : memref<80x512xf32, #tpu.memory_space<hbm>>) target_semaphore(%arg16 : memref<!tpu.dma_semaphore, #tpu.memory_space<semaphore_mem>>)
      } else {
      }
    }
    %scan3A_565 = arith.constant 14 : i32
    %add3A_566 = arith.constant 1184 : i32
    %add3A_567 = arith.addi %add3A, %add3A_566 : i32
    %mul3A_568 = arith.constant 80 : i32
    %mul3A_569 = arith.muli %add3A_567, %mul3A_568 : i32
    %dma_wait3A = arith.constant 0 : i32
    %dma_wait3A_570 = tpu.memref_slice %arg5[%mul3A_569, %dma_wait3A] : memref<100000x512xf32, #tpu.memory_space<hbm>> -> memref<80x512xf32, #tpu.memory_space<hbm>>
    %dma_wait3A_571 = arith.constant 0 : i32
    %dma_wait3A_572 = tpu.memref_slice %arg5[%mul3A_569, %dma_wait3A_571] : memref<100000x512xf32, #tpu.memory_space<hbm>> -> memref<80x512xf32, #tpu.memory_space<hbm>>
    tpu.wait_dma2 semaphore(%arg15 : memref<!tpu.dma_semaphore, #tpu.memory_space<semaphore_mem>>) src(%arg9 : memref<80x512xf32, #tpu.memory_space<vmem>>) dst(%dma_wait3A_572 : memref<80x512xf32, #tpu.memory_space<hbm>>)
    %add3A_573 = arith.constant 1216 : i32
    %add3A_574 = arith.addi %add3A, %add3A_573 : i32
    %mul3A_575 = arith.constant 80 : i32
    %mul3A_576 = arith.muli %add3A_574, %mul3A_575 : i32
    %dma_wait3A_577 = arith.constant 0 : i32
    %dma_wait3A_578 = tpu.memref_slice %arg5[%mul3A_576, %dma_wait3A_577] : memref<100000x512xf32, #tpu.memory_space<hbm>> -> memref<80x512xf32, #tpu.memory_space<hbm>>
    %dma_wait3A_579 = arith.constant 0 : i32
    %dma_wait3A_580 = tpu.memref_slice %arg5[%mul3A_576, %dma_wait3A_579] : memref<100000x512xf32, #tpu.memory_space<hbm>> -> memref<80x512xf32, #tpu.memory_space<hbm>>
    tpu.wait_dma2 semaphore(%arg16 : memref<!tpu.dma_semaphore, #tpu.memory_space<semaphore_mem>>) src(%arg10 : memref<80x512xf32, #tpu.memory_space<vmem>>) dst(%dma_wait3A_580 : memref<80x512xf32, #tpu.memory_space<hbm>>)
    %add3A_581 = arith.constant 1248 : i32
    %add3A_582 = arith.addi %add3A, %add3A_581 : i32
    %mul3A_583 = arith.constant 80 : i32
    %mul3A_584 = arith.muli %add3A_582, %mul3A_583 : i32
    %dma_wait3A_585 = arith.constant 0 : i32
    %dma_wait3A_586 = tpu.memref_slice %arg5[%mul3A_584, %dma_wait3A_585] : memref<100000x512xf32, #tpu.memory_space<hbm>> -> memref<80x512xf32, #tpu.memory_space<hbm>>
    %dma_wait3A_587 = arith.constant 0 : i32
    %dma_wait3A_588 = tpu.memref_slice %arg5[%mul3A_584, %dma_wait3A_587] : memref<100000x512xf32, #tpu.memory_space<hbm>> -> memref<80x512xf32, #tpu.memory_space<hbm>>
    tpu.wait_dma2 semaphore(%arg14 : memref<!tpu.dma_semaphore, #tpu.memory_space<semaphore_mem>>) src(%arg8 : memref<80x512xf32, #tpu.memory_space<vmem>>) dst(%dma_wait3A_588 : memref<80x512xf32, #tpu.memory_space<hbm>>)
    return
  }
}

</mosaic_0001>

<sc_bundles>
// kernel: kernel.3.cloned.1.call-start
scs
__scs_entry_jumppad:
0x0: {  	(pc) =	sbr.rel $0x88, $3  }
0x1: {  	(tag) =	ssettag $0x0;
	lr =	simm.s32 $0x1  }
0x2: {  	[smem:$0x3F9E] =	sst lr;
	_ =	strace $0xD0000000  }
0x3: {  	_ = 	snop  }
0x4: {  	_ = 	snop  }
0x5: {  	_ = 	snop  }
0x6: {  	_ = 	snop  }
0x7: {  	_ = 	snop  }
__scs_overlays_trampoline_lowered:
0x8: {  	[smem:$0x3FAD] =	sst s0  }
0x9: {  	[smem:$0x3FAE] =	sst s1  }
0xa: {  	[smem:$0x3FAF] =	sst s2  }
0xb: {  	[smem:$0x3FB0] =	sst s3  }
0xc: {  	[smem:$0x3FB1] =	sst s4  }
0xd: {  	[smem:$0x3FB2] =	sst s5  }
0xe: {  	[smem:$0x3FB3] =	sst s6  }
0xf: {  	[smem:$0x3FB4] =	sst s7  }
0x10: {  	[smem:$0x3FB5] =	sst s8  }
0x11: {  	[smem:$0x3FB6] =	sst s9;
	s0 =	simm.s32 @!p0 $0x0  }
0x12: {  	s1 =	sld [smem:$0x3F9C];
	s0 =	simm.s32 @p0 $0x1  }
0x13: {  	[smem:$0x3FB7] =	sst s0;
	s0 =	simm.s32 @!p1 $0x0  }
0x14: {  	s2 =	sld [smem:$0x3F9B];
	s0 =	simm.s32 @p1 $0x1  }
0x15: {  	[smem:$0x3FB8] =	sst s0;
	s0 =	simm.s32 @!p2 $0x0  }
0x16: {  	s3 =	sld [smem:$0x3FDB];
	s0 =	simm.s32 @p2 $0x1  }
0x17: {  	s4 =	simm.s32 $0x1BF5;
	[smem:$0x3FBA] =	sst s0  }
0x18: {  	s0 =	sld [smem:$0x3F9D];
	_ =	swait.ge [sflag:s4], $0x0  }
0x19: {  	s7 =	sld [smem:$0x3F9E]  }
0x1a: {  	s8 =	sadd.s32 $0xFFFFE003, lr  }
0x1b: {  	s9 =	sadd.s32 $0xFFFFFEF7, lr;
	s5 =	simm.s32 $0xFFFFFFFF;
	p2 =	slt.u32 s8, $0xFFFFF086  }
0x1c: {  	p1 =	slt.u32 s9, $0xF7A;
	s5 =	simm.s32 @!p2 $0x0  }
0x1d: {  	s5 =	simm.s32 @p1 $0x1;
	p0 =	seq.s32 s7, s2  }
0x1e: {  	s7 =	smul.u32 @!p0 $0xF7A, s2;
	p2 =	seq.s32 @!p0 s5, $0x0  }
0x1f: {  	s9 =	smul.u32 $0xF7A, s1;
	s8 =	simm.s32 @!p0 $0x1BF5;
	p2 =	por !p2, p0  }
0x20: {  	[sflag:s8] =	ssyncset.s32 @!p0 $0xFFFFF086;
	s6 =	sadd.s32 @!p0 s3, s7;
	s7 =	simm.s32 @!p0 $0x108  }
0x21: {  	s3 =	sadd.s32 s3, s9;
	s6 =	sadd.s32 @!p0 $0x88, s6;
	s7 =	simm.s32 @p2 $0x1082  }
0x22: {  	[simem:s7], [sflag:s8] =	dma.local @!p0 [hbm:s6], $0xF7A  }
0x23: {  	s9 =	sor.u32 $0xD0000000, s2;
	s6 =	simm.s32 $0x108;
	_ =	swait.ge @!p0 [sflag:s8], $0x0  }
0x24: {  	s3 =	sadd.s32 $0x88, s3;
	s6 =	simm.s32 @!p1 $0x1082;
	[sflag:s4] =	ssyncset.s32 $0xFFFFF086  }
0x25: {  	[simem:s6], [sflag:s4] =	dma.local [hbm:s3], $0xF7A  }
0x26: {  	[smem:$0x3F9E] =	sst s1;
	(tag) =	ssettag s2;
	_ =	strace s9  }
0x27: {  	s1 =	sld [smem:$0x3FAE]  }
0x28: {  	s2 =	sld [smem:$0x3FAF]  }
0x29: {  	s4 =	sld [smem:$0x3FB1]  }
0x2a: {  	p0 =	seq.s32 s5, $0x0;
	s5 =	sld [smem:$0x3FB2]  }
0x2b: {  	s6 =	sld [smem:$0x3FB3]  }
0x2c: {  	s7 =	sld [smem:$0x3FB4]  }
0x2d: {  	s3 =	simm.s32 $0x108;
	s8 =	sld [smem:$0x3FB5]  }
0x2e: {  	s3 =	simm.s32 @!p0 $0x1082;
	s9 =	sld [smem:$0x3FB6]  }
0x2f: {  	lr =	sadd.s32 s0, s3;
	s0 =	sld [smem:$0x3FAD]  }
0x30: {  	s3 =	sld [smem:$0x3FB0]  }
0x31: {  	[smem:$0x3FB9] =	sst s10  }
0x32: {  	s10 =	sld [smem:$0x3FB7];
	_ =	sdelay $0x3  }
0x33: {  	p0 =	seq.s32 s10, $0x1;
	s10 =	sld [smem:$0x3FB9];
	_ =	sdelay $0x3  }
0x34: {  	[smem:$0x3FB9] =	sst s10  }
0x35: {  	s10 =	sld [smem:$0x3FB8];
	_ =	sdelay $0x3  }
0x36: {  	p1 =	seq.s32 s10, $0x1;
	s10 =	sld [smem:$0x3FB9];
	_ =	sdelay $0x3  }
0x37: {  	[smem:$0x3FB9] =	sst s10  }
0x38: {  	s10 =	sld [smem:$0x3FBA]  }
0x39: {  	_ = 	snop;
	(pc) =	sbr.ind lr, $3  }
0x3a: {  	_ = 	snop  }
0x3b: {  	_ = 	snop  }
0x3c: {  	p2 =	seq.s32 s10, $0x1;
	s10 =	sld [smem:$0x3FB9]  }
0x3d: {  	_ =	shalt  }
0x3e: {  	_ =	shalt  }
0x3f: {  	_ =	shalt  }
0x40: {  	_ =	shalt  }
0x41: {  	_ =	shalt  }
0x42: {  	_ =	shalt  }
0x43: {  	_ =	shalt  }
0x44: {  	_ =	shalt  }
0x45: {  	_ =	shalt  }
0x46: {  	_ =	shalt  }
0x47: {  	_ =	shalt  }
0x48: {  	_ =	shalt  }
0x49: {  	_ =	shalt  }
0x4a: {  	_ =	shalt  }
0x4b: {  	_ =	shalt  }
0x4c: {  	_ =	shalt  }
0x4d: {  	_ =	shalt  }
0x4e: {  	_ =	shalt  }
0x4f: {  	_ =	shalt  }
0x50: {  	_ =	shalt  }
0x51: {  	_ =	shalt  }
0x52: {  	_ =	shalt  }
0x53: {  	_ =	shalt  }
0x54: {  	_ =	shalt  }
0x55: {  	_ =	shalt  }
0x56: {  	_ =	shalt  }
0x57: {  	_ =	shalt  }
0x58: {  	_ =	shalt  }
0x59: {  	_ =	shalt  }
0x5a: {  	_ =	shalt  }
0x5b: {  	_ =	shalt  }
0x5c: {  	_ =	shalt  }
0x5d: {  	_ =	shalt  }
0x5e: {  	_ =	shalt  }
0x5f: {  	_ =	shalt  }
0x60: {  	_ =	shalt  }
0x61: {  	_ =	shalt  }
0x62: {  	_ =	shalt  }
0x63: {  	_ =	shalt  }
0x64: {  	_ =	shalt  }
0x65: {  	_ =	shalt  }
0x66: {  	_ =	shalt  }
0x67: {  	_ =	shalt  }
0x68: {  	_ =	shalt  }
0x69: {  	_ =	shalt  }
0x6a: {  	_ =	shalt  }
0x6b: {  	_ =	shalt  }
0x6c: {  	_ =	shalt  }
0x6d: {  	_ =	shalt  }
0x6e: {  	_ =	shalt  }
0x6f: {  	_ =	shalt  }
0x70: {  	_ =	shalt  }
0x71: {  	_ =	shalt  }
0x72: {  	_ =	shalt  }
0x73: {  	_ =	shalt  }
0x74: {  	_ =	shalt  }
0x75: {  	_ =	shalt  }
0x76: {  	_ =	shalt  }
0x77: {  	_ =	shalt  }
0x78: {  	_ =	shalt  }
0x79: {  	_ =	shalt  }
0x7a: {  	_ =	shalt  }
0x7b: {  	_ =	shalt  }
0x7c: {  	_ =	shalt  }
0x7d: {  	_ =	shalt  }
0x7e: {  	_ =	shalt  }
0x7f: {  	_ =	shalt  }
0x80: {  	_ =	shalt  }
0x81: {  	_ =	shalt  }
0x82: {  	_ =	shalt  }
0x83: {  	_ =	shalt  }
0x84: {  	_ =	shalt  }
0x85: {  	_ =	shalt  }
0x86: {  	_ =	shalt  }
0x87: {  	_ =	shalt  }
.Lfunc_end0:
.L_simem_size_0:
called_computation_lowered:
.L_overlay_start_0:
0x88: {  	s2 =	sld [smem:$0x3FD9]  }
0x89: {  	s3 =	sld [smem:$0x3FFE];
	_ =	sdelay $0x1  }
0x8a: {  	s1 =	srdreg.scid  }
0x8b: {  	s0 =	sand.u32 $0x1, s1  }
0x8c: {  	s17 =	sshll.u32 s0, $0xA;
	s2 =	sadd.s32 s3, s2  }
0x8d: {  	s2 =	sadd.s32 s2, s17  }
0x8e: {  	[smem:$0x3FC5] =	sst s2  }
0x8f: {  	_ = 	snop  }
0x90: {  	s2 =	sld [smem:$0x3FC9]  }
0x91: {  	s18 =	sld [smem:$0x3FC8]  }
0x92: {  	s4 =	sld [smem:$0x3FD0];
	(tm) =	ssettm $0x1  }
0x93: {  	s5 =	sld [smem:$0x3FFB];
	_ =	sdelay $0x3  }
0x94: {  	_ =	strace s5  }
0x95: {  	s5 =	sld [smem:$0x3FFC];
	_ =	sdelay $0x3  }
0x96: {  	_ =	strace s5  }
0x97: {  	s5 =	sld [smem:$0x3FFD];
	_ =	sdelay $0x3  }
0x98: {  	_ =	strace s5  }
0x99: {  	_ =	strace $0x8FFFFFFF  }
0x9a: {  	s19 =	sld [smem:$0x3FDB];
	_ =	sdelay $0x1  }
0x9b: {  	s6 =	simm.s32 $_scs_section_size  }
0x9c: {  	s7 =	simm.s32 $_size__tile_overlayer_lowered;
	s8 =	simm.s32 $_tile_overlayer_lowered  }
0x9d: {  	s22 =	simm.s32 $0x1BFF;
	s21 =	sshll.u32 s8, $0x1;
	s5 =	sadd.s32 s6, s19  }
0x9e: {  	s9 =	simm.s32 $0x0;
	s20 =	sshll.u32 s7, $0x1;
	s7 =	sadd.s32 s21, s5  }
0x9f: {  	[timem:s9], [sflag:s22] =	dma.local [hbm:s7], s20  }
0xa0: {  	_ =	swait.ge [sflag:s22], s20  }
0xa1: {  	s6 =	ssub.s32 $0x0, s20;
	[sflag:s22] =	ssyncset.done $0x0  }
0xa2: {  	[sflag:s22] =	ssyncadd.s32 s6;
	_ =	sdelay $0x1  }
0xa3: {  	s23 =	simm.s32 $0x1B8B  }
0xa4: {  	_ =	swait.ge [sflag:s23], $0x1  }
0xa5: {  	[sflag:s23] =	ssyncset.done $0x0  }
0xa6: {  	s25 =	simm.s32 $0x1B8E;
	s24 =	sld [smem:$0x3FFE];
	[sflag:s23] =	ssyncadd.s32 $0xFFFFFFFF  }
0xa7: {  	s26 =	simm.s32 $execute0_lowered;
	[smem:$0x3FD2] =	sst s25  }
0xa8: {  	s7 =	sshll.u32 s26, $0x1;
	_ =	strace $0x80000046;
	[dreg:$0x1] =	wrdreg $0xFFFFFFFF  }
0xa9: {  	s28 =	simm.s32 $_size_execute0_lowered;
	s5 =	sadd.s32 s5, s7;
	[dreg:$0x0] =	wrdreg $0x0  }
0xaa: {  	s7 =	sshll.u32 s28, $0x1;
	[dreg:$0x2] =	wrdreg s5  }
0xab: {  	[dreg:$0x3] =	wrdreg s7  }
0xac: {  	[dreg:$0x4] =	wrdreg $0xC0  }
0xad: {  	_ =	task [dreg:s9], $0x5FFFF  }
0xae: {  	[dreg:$0x1] =	wrdreg $0xFFFFFFFF  }
0xaf: {  	[dreg:$0x0] =	wrdreg $0x60  }
0xb0: {  	[dreg:$0x2] =	wrdreg s2  }
0xb1: {  	[dreg:$0x3] =	wrdreg s18  }
0xb2: {  	[dreg:$0x4] =	wrdreg s24  }
0xb3: {  	[dreg:$0x5] =	wrdreg s4  }
0xb4: {  	[dreg:$0x6] =	wrdreg $0x9  }
0xb5: {  	_ =	task.clear_ibuf [dreg:s9], $0x7FFFF;
	_ =	strace $0x90000046  }
0xb6: {  	s29 =	simm.s32 $0x9;
	_ =	strace $0x80000048  }
0xb7: {  	_ =	swait.ge [sflag:s29], $0x1  }
0xb8: {  	[sflag:s29] =	ssyncadd.s32 $0xFFFFFFFF  }
0xb9: {  	_ =	strace $0x90000048  }
0xba: {  	_ =	sfence  }
0xbb: {  	s30 =	sld [smem:$0x0];
	_ =	sdelay $0x2  }
0xbc: {  	s31 =	sshll.u32 s1, $0xD;
	s1 =	sshrl.u32 s1, $0x2  }
0xbd: {  	s3 =	sand.u32 $0x4000, s31;
	s1 =	sadd.s32 s1, s30  }
0xbe: {  	s0 =	sor.u32 s3, s0;
	s1 =	sshll.u32 s1, $0x11  }
0xbf: {  	s0 =	sor.u32 s1, s0  }
0xc0: {  	s0 =	sadd.s32 $0x8F2B, s0  }
0xc1: {  	[sflag:s0] =	ssyncadd.remote.s32 $0x1  }
0xc2: {  	_ =	sfence.sel $0xFFFF  }
0xc3: {  	[dreg:$0x0] =	wrdreg $0xFFFFFFFF;
	(pc) =	sbr.abs _section_cstart, $3  }
0xc4: {  	[dreg:$0x1] =	wrdreg $0xFFFFFFFF  }
0xc5: {  	_ =	task.clear_ibuf [dreg:s9], $0x2FFFF;
	_ =	strace $0x9FFFFFFF  }
0xc6: {  	(tm) =	ssettm $0x7FFFFFFF  }
0xc7: {  	_ =	shalt  }
tec
execute0_lowered:
.L_overlay_start_1:
0x0: {  	(tag) =	ssettag $0x1  }
0x1: {  	s1 =	rddreg [dreg:$0x0]  }
0x2: {  	s0 =	rddreg [dreg:$0x2];
	s2 =	srdreg.scid  }
0x3: {  	s3 =	stileid.u32;
	s4 =	rddreg [dreg:$0x3];
	s5 =	simm.s32 $0x0  }
0x4: {  	s15 =	simm.s32 $0x880;
	s16 =	simm.s32 $0xA880;
	s17 =	simm.s32 $0x7  }
0x5: {  	s19 =	simm.s32 $0x1;
	s20 =	simm.s32 $0x2;
	s21 =	simm.s32 $0x3  }
0x6: {  	s22 =	simm.s32 $0x14880;
	s23 =	simm.s32 $0x5;
	s24 =	simm.s32 $0x6  }
0x7: {  	s25 =	simm.s32 $0x4;
	s2 =	sand.u32 $0x1, s2;
	s3 =	sshll.u32 s3, $0x1  }
0x8: {  	s26 =	simm.s32 $0x0;
	[smem:$0x7FF] =	sst s5;
	s6 =	sor.u32 s2, s3  }
0x9: {  	s0 =	sadd.s32 $0x400, s0;
	_ =	strace $0x80000047;
	s3 =	smul.u32 $0xA000, s6  }
.Ltmp0:
0xa: {  	s2 =	ssub.s32 $0x2, s2;
	[dreg:$0x5] =	wrdreg s0;
	(pc) =	sbr.rel .LBB2_1-.Ltmp0, $4  }
0xb: {  	s8 =	smul.u32 $0x1400, s6;
	s30 =	sshrl.u32 s2, $0x1;
	s10 =	sor.u32 $0x40, s6  }
0xc: {  	s11 =	sor.u32 $0x60, s6;
	s12 =	sor.u32 $0x20, s6;
	s3 =	sshrl.u32 s3, $0x3  }
0xd: {  	s13 =	sor.u32 $0x80, s6;
	s0 =	ssub.s32 s2, s30;
	s31 =	sadd.s32 s1, s3  }
0xe: {  	s8 =	sadd.s32 s1, s8;
	s14 =	smax.u32 s0, $0x1;
	s9 =	sadd.s32 $0x28000, s31  }
.LBB2_15:
0xf: {  	_ =	swait.ge [sflag:s23], $0xA000  }
0x10: {  	[sflag:s23] =	ssyncset.done $0x0  }
0x11: {  	s26 =	sadd.s32 $0x1, s26;
	[sflag:s23] =	ssyncadd.s32 $0xFFFF6000  }
0x12: {  	p0 =	sne.s32 s26, s14;
	_ =	swait.ge [sflag:s24], $0xA000  }
.Ltmp1:
0x13: {  	[sflag:s24] =	ssyncset.done $0x0;
	(pc) =	sbr.rel @!p0 .LBB2_16-.Ltmp1, $4  }
0x14: {  	[sflag:s24] =	ssyncadd.s32 $0xFFFF6000  }
0x15: {  	_ =	swait.ge [sflag:s25], $0xA000  }
0x16: {  	[sflag:s25] =	ssyncset.done $0x0  }
0x17: {  	[sflag:s25] =	ssyncadd.s32 $0xFFFF6000  }
.LBB2_1:
0x18: {  	[tilespmem:s15], [sflag:$0x1] =	stream.linear.gather [hbm4b:s8+s5], $0xA000, $0x38;
	[tilespmem:$0x1E880] =	vst v63  }
0x19: {  	_ = 	snop  }
0x1a: {  	[tilespmem:s16], [sflag:$0x2] =	stream.linear.gather [hbm4b:s9+s5], $0xA000, $0x38;
	[tilespmem:$0x1E880] =	vst v63  }
0x1b: {  	s0 =	rddreg [dreg:$0x1]  }
0x1c: {  	[tilespmem:s5], [sflag:$0x7] =	stream.linear.gather [hbm4b:s0+s5], $0x800, $0x38;
	[tilespmem:$0x1E880] =	vst v63  }
0x1d: {  	_ =	swait.ge [sflag:s17], $0x800  }
0x1e: {  	[sflag:s17] =	ssyncset.done $0x0  }
0x1f: {  	s2 =	simm.s32 $0x800;
	s31 =	rddreg [dreg:$0x5];
	[sflag:s17] =	ssyncadd.s32 $0xFFFFF800  }
0x20: {  	[tilespmem:s2], [sflag:$0x7] =	stream.linear.gather [hbm4b:s31+s5], $0x80, $0x38;
	[tilespmem:$0x1E880] =	vst v63  }
0x21: {  	_ =	swait.ge [sflag:s17], $0x80  }
0x22: {  	[sflag:s17] =	ssyncset.done $0x0  }
0x23: {  	[sflag:s17] =	ssyncadd.s32 $0xFFFFFF80  }
0x24: {  	v0 =	vld [tilespmem:$0x800]  }
0x25: {  	v30 =	vld [tilespmem:$0x0]  }
0x26: {  	v32 =	vld [tilespmem:$0x80]  }
0x27: {  	v26 =	vld [tilespmem:$0x100]  }
0x28: {  	v31 =	vld [tilespmem:$0x10]  }
0x29: {  	v2 =	vld [tilespmem:$0x90]  }
0x2a: {  	v1 =	vld [tilespmem:$0x110]  }
0x2b: {  	v29 =	vld [tilespmem:$0x20]  }
0x2c: {  	v3 =	vld [tilespmem:$0xA0]  }
0x2d: {  	v4 =	vld [tilespmem:$0x120]  }
0x2e: {  	v27 =	vld [tilespmem:$0x130]  }
0x2f: {  	v5 =	vld [tilespmem:$0x40]  }
0x30: {  	v14 =	vld [tilespmem:$0xC0]  }
0x31: {  	v15 =	vld [tilespmem:$0x140]  }
0x32: {  	v28 =	vld [tilespmem:$0x150]  }
0x33: {  	v10 =	vld [tilespmem:$0xE0]  }
0x34: {  	v7 =	vld [tilespmem:$0x160]  }
0x35: {  	v6 =	vld [tilespmem:$0xF0]  }
0x36: {  	v8 =	vld [tilespmem:$0x200]  }
0x37: {  	v52 =	vld [tilespmem:$0x280]  }
0x38: {  	v16 =	vld [tilespmem:$0x300]  }
0x39: {  	v11 =	vld [tilespmem:$0x290]  }
0x3a: {  	v9 =	vld [tilespmem:$0x310]  }
0x3b: {  	v12 =	vld [tilespmem:$0x2A0]  }
0x3c: {  	v13 =	vld [tilespmem:$0x230]  }
0x3d: {  	v19 =	vld [tilespmem:$0x330]  }
0x3e: {  	v17 =	vld [tilespmem:$0x240]  }
0x3f: {  	v18 =	vld [tilespmem:$0x2C0]  }
0x40: {  	v39 =	vld [tilespmem:$0x340]  }
0x41: {  	v41 =	vld [tilespmem:$0x2D0]  }
0x42: {  	v42 =	vld [tilespmem:$0x350]  }
0x43: {  	v20 =	vld [tilespmem:$0x260]  }
0x44: {  	v44 =	vld [tilespmem:$0x2E0]  }
0x45: {  	v45 =	vld [tilespmem:$0x360]  }
0x46: {  	v47 =	vld [tilespmem:$0x2F0]  }
0x47: {  	v48 =	vld [tilespmem:$0x370]  }
0x48: {  	v49 =	vld [tilespmem:$0x400]  }
0x49: {  	v50 =	vld [tilespmem:$0x480]  }
0x4a: {  	v51 =	vld [tilespmem:$0x500]  }
0x4b: {  	v53 =	vld [tilespmem:$0x490]  }
0x4c: {  	v54 =	vld [tilespmem:$0x510]  }
0x4d: {  	v55 =	vld [tilespmem:$0x420]  }
0x4e: {  	v56 =	vld [tilespmem:$0x4A0]  }
0x4f: {  	v57 =	vld [tilespmem:$0x520]  }
0x50: {  	v58 =	vld [tilespmem:$0x430]  }
0x51: {  	v59 =	vld [tilespmem:$0x4B0]  }
0x52: {  	v60 =	vld [tilespmem:$0x530]  }
0x53: {  	v62 =	vld [tilespmem:$0x4C0]  }
0x54: {  	v63 =	vld [tilespmem:$0x540]  }
0x55: {  	v46 =	vld [tilespmem:$0x450]  }
0x56: {  	v35 =	vld [tilespmem:$0x4D0]  }
0x57: {  	v22 =	vld [tilespmem:$0x550]  }
0x58: {  	v40 =	vld [tilespmem:$0x460]  }
0x59: {  	[tilespmem:$0x1FF20] =	vst v5;
	v5 =	vld [tilespmem:$0x50]  }
0x5a: {  	v21 =	vld [tilespmem:$0x4E0]  }
0x5b: {  	v61 =	vld [tilespmem:$0x470]  }
0x5c: {  	v36 =	vld [tilespmem:$0x4F0]  }
0x5d: {  	v34 =	vld [tilespmem:$0x570]  }
0x5e: {  	[tilespmem:$0x1FF40] =	vst v5;
	v5 =	vld [tilespmem:$0xD0]  }
0x5f: {  	v43 =	vld [tilespmem:$0x600]  }
0x60: {  	v33 =	vld [tilespmem:$0x680]  }
0x61: {  	v25 =	vld [tilespmem:$0x700]  }
0x62: {  	v38 =	vld [tilespmem:$0x610]  }
0x63: {  	[tilespmem:$0x1FF30] =	vst v5;
	v5 =	vld [tilespmem:$0x60]  }
0x64: {  	v24 =	vld [tilespmem:$0x690]  }
0x65: {  	v23 =	vld [tilespmem:$0x710]  }
0x66: {  	v37 =	vld [tilespmem:$0x620]  }
0x67: {  	[tilespmem:$0x1FF00] =	vst v3;
	v3 =	vld [tilespmem:$0x30]  }
0x68: {  	[tilespmem:$0x1FF50] =	vst v5;
	v5 =	vld [tilespmem:$0x70]  }
0x69: {  	[tilespmem:$0x1FF70] =	vst v8;
	v8 =	vld [tilespmem:$0x210]  }
0x6a: {  	[tilespmem:$0x1FFA0] =	vst v13;
	v13 =	vld [tilespmem:$0x2B0]  }
0x6b: {  	[tilespmem:$0x1FFB0] =	vst v17;
	v17 =	vld [tilespmem:$0x250];
	vm1 =	veq.s32 v0, $0x1  }
0x6c: {  	v1 =	vsel vm1, v2, v1;
	v2 =	vld [tilespmem:$0x1FF00]  }
0x6d: {  	[tilespmem:$0x1FF60] =	vst v5;
	v5 =	vld [tilespmem:$0x170]  }
0x6e: {  	[tilespmem:$0x1FF80] =	vst v8;
	v8 =	vld [tilespmem:$0x220]  }
0x6f: {  	[tilespmem:$0x1FFC0] =	vst v20;
	v20 =	vld [tilespmem:$0x270]  }
0x70: {  	[tilespmem:$0x1FF10] =	vst v3;
	v3 =	vld [tilespmem:$0xB0]  }
0x71: {  	v2 =	vsel vm1, v2, v4;
	v4 =	vsel vm1, v14, v15;
	v14 =	vld [tilespmem:$0x1FF10]  }
0x72: {  	v7 =	vsel vm1, v10, v7;
	v10 =	vsel vm1, v6, v5;
	v6 =	vld [tilespmem:$0x1FF50]  }
0x73: {  	[tilespmem:$0x1FF90] =	vst v8;
	v8 =	vld [tilespmem:$0x320]  }
0x74: {  	vm0 =	veq.s32 v0, $0x0;
	v0 =	vsel vm1, v32, v26;
	v32 =	vld [tilespmem:$0x6A0]  }
0x75: {  	v26 =	vld [tilespmem:$0x740];
	v3 =	vsel vm1, v3, v27  }
0x76: {  	v3 =	vsel vm0, v14, v3;
	v14 =	vld [tilespmem:$0x1FF20]  }
0x77: {  	v6 =	vsel vm0, v6, v7;
	v7 =	vld [tilespmem:$0x1FF60]  }
0x78: {  	v9 =	vsel vm1, v11, v9;
	v11 =	vsel vm1, v12, v8;
	v8 =	vld [tilespmem:$0x1FF70]  }
0x79: {  	v0 =	vsel vm0, v30, v0;
	v30 =	vld [tilespmem:$0x720]  }
0x7a: {  	[tilespmem:$0x1FFD0] =	vst v20;
	v20 =	vld [tilespmem:$0x410]  }
0x7b: {  	v1 =	vsel vm0, v31, v1;
	v31 =	vld [tilespmem:$0x630]  }
0x7c: {  	v4 =	vsel vm0, v14, v4;
	v14 =	vld [tilespmem:$0x1FF30];
	v7 =	vsel vm0, v7, v10;
	v10 =	vsel vm1, v52, v16  }
0x7d: {  	v8 =	vsel vm0, v8, v10;
	v10 =	vld [tilespmem:$0x1FF80]  }
0x7e: {  	v5 =	vld [tilespmem:$0x1FF40]  }
0x7f: {  	[tilespmem:$0x1FFE0] =	vst v20;
	v20 =	vld [tilespmem:$0x440]  }
0x80: {  	v2 =	vsel vm0, v29, v2;
	v29 =	vld [tilespmem:$0x6B0]  }
0x81: {  	v27 =	vld [tilespmem:$0x730]  }
0x82: {  	v14 =	vsel vm1, v14, v28;
	v9 =	vsel vm0, v10, v9;
	v10 =	vld [tilespmem:$0x1FF90]  }
0x83: {  	v5 =	vsel vm0, v5, v14;
	v14 =	vld [tilespmem:$0x1FFA0]  }
0x84: {  	[tilespmem:$0x1FFF0] =	vst v20;
	v20 =	vld [tilespmem:$0x560]  }
0x85: {  	v12 =	vsel vm1, v18, v39;
	v39 =	vld [tilespmem:$0x650]  }
0x86: {  	v18 =	vsel vm1, v56, v57;
	v56 =	vld [tilespmem:$0x760]  }
0x87: {  	v57 =	vsel vm1, v62, v63;
	v63 =	vld [tilespmem:$0x670];
	v10 =	vsel vm0, v10, v11;
	v11 =	vsel vm1, v13, v19  }
0x88: {  	v13 =	vsel vm1, v41, v42;
	v11 =	vsel vm0, v14, v11;
	v14 =	vld [tilespmem:$0x1FFB0]  }
0x89: {  	v13 =	vsel vm0, v17, v13;
	v17 =	vld [tilespmem:$0x1FFC0]  }
0x8a: {  	v28 =	vld [tilespmem:$0x640]  }
0x8b: {  	v52 =	vld [tilespmem:$0x6C0]  }
0x8c: {  	v41 =	vld [tilespmem:$0x6D0]  }
0x8d: {  	v42 =	vld [tilespmem:$0x750];
	v12 =	vsel vm0, v14, v12;
	v14 =	vsel vm1, v44, v45  }
0x8e: {  	v14 =	vsel vm0, v17, v14;
	v17 =	vld [tilespmem:$0x1FFD0]  }
0x8f: {  	v22 =	vsel vm1, v35, v22;
	v19 =	vsel vm1, v59, v60;
	v59 =	vld [tilespmem:$0x6F0]  }
0x90: {  	v34 =	vsel vm1, v36, v34;
	v25 =	vsel vm1, v33, v25;
	v15 =	vsel vm1, v47, v48;
	v60 =	vld [tilespmem:$0x770]  }
0x91: {  	v30 =	vsel vm1, v32, v30;
	v19 =	vsel vm0, v58, v19;
	v58 =	vsel vm1, v21, v20;
	v20 =	vld [tilespmem:$0x1FFF0]  }
0x92: {  	v62 =	vsel vm1, v24, v23;
	v23 =	vsel vm0, v61, v34;
	v24 =	vsel vm0, v43, v25;
	v44 =	vld [tilespmem:$0x660]  }
0x93: {  	v27 =	vsel vm1, v29, v27;
	v15 =	vsel vm0, v17, v15;
	v17 =	vsel vm1, v53, v54;
	v53 =	vld [tilespmem:$0x6E0]  }
0x94: {  	v18 =	vsel vm0, v55, v18;
	v25 =	vsel vm0, v38, v62;
	v16 =	vsel vm1, v50, v51;
	v54 =	vld [tilespmem:$0x1FFE0]  }
.Ltmp2:
0x95: {  	v27 =	vsel vm0, v31, v27;
	v16 =	vsel vm0, v49, v16;
	v29 =	vsel vm1, v52, v26;
	(pc) =	sbr.rel .LBB2_2-.Ltmp2, $4  }
0x96: {  	v26 =	vsel vm0, v37, v30;
	v28 =	vsel vm0, v28, v29;
	v21 =	vsel vm0, v46, v22  }
0x97: {  	v22 =	vsel vm0, v40, v58;
	v29 =	vsel vm1, v41, v42;
	v31 =	vsel vm1, v59, v60  }
0x98: {  	v20 =	vsel vm0, v20, v57;
	v29 =	vsel vm0, v39, v29;
	v30 =	vsel vm1, v53, v56  }
0x99: {  	s28 =	simm.s32 $0x0;
	v31 =	vsel vm0, v63, v31;
	v17 =	vsel vm0, v54, v17;
	v30 =	vsel vm0, v44, v30  }
.LBB2_14:
0x9a: {  	s28 =	sadd.s32 $0x1, s28  }
0x9b: {  	p0 =	sne.s32 s28, $0xE  }
.Ltmp3:
0x9c: {  	_ = 	snop;
	(pc) =	sbr.rel @!p0 .LBB2_15-.Ltmp3, $1  }
0x9d: {  	_ =	sdelay $0x3  }
.LBB2_2:
0x9e: {  	s30 =	smul.u32 $0x60, s28;
	_ =	sdelay $0x1  }
0x9f: {  	s29 =	sadd.s32 s10, s30  }
0xa0: {  	p0 =	sgt.u32 s29, $0x4E1  }
0xa1: {  	p1 =	seq.s32 @!p0 s28, $0x0  }
0xa2: {  	p1 =	por p1, p0  }
0xa3: {  	s0 =	simm.s32 @!p1 $0x6  }
0xa4: {  	_ =	swait.ge @!p1 [sflag:s0], $0xA000  }
0xa5: {  	s31 =	sor.u32 s6, s30;
	[sflag:s0] =	ssyncset.done @!p1 $0x0  }
0xa6: {  	[sflag:s0] =	ssyncadd.s32 @!p1 $0xFFFF6000;
	p1 =	sgt.u32 s31, $0x4E1  }
.Ltmp4:
0xa7: {  	_ = 	snop;
	(pc) =	sbr.rel @p1 .LBB2_6-.Ltmp4, $3  }
0xa8: {  	s2 =	smul.u32 @!p0 $0x1400, s29;
	_ =	sdelay $0x1  }
0xa9: {  	s3 =	simm.s32 @!p0 $0x14880;
	s0 =	sadd.s32 @!p0 s1, s2;
	s2 =	simm.s32 @!p0 $0x0  }
0xaa: {  	[tilespmem:s3], [sflag:$0x3] =	stream.linear.gather @!p0 [hbm4b:s0+s2], $0xA000, $0x38;
	[tilespmem:$0x1E880] =	vst v63  }
0xab: {  	_ =	swait.ge [sflag:s19], $0xA000;
	s0 =	simm.s32 $0x0  }
0xac: {  	[sflag:s19] =	ssyncset.done $0x0;
	s2 =	sand.u32 $0xF000, s0;
	s0 =	sand.u32 $0x380, s0  }
0xad: {  	[sflag:s19] =	ssyncadd.s32 $0xFFFF6000;
	s3 =	sor.u32 s0, s2  }
0xae: {  	v32 =	vld [tilespmem:s3+$0x880]  }
0xaf: {  	v33 =	vld [tilespmem:s3+$0x890]  }
0xb0: {  	v34 =	vld [tilespmem:s3+$0x8A0]  }
0xb1: {  	v35 =	vld [tilespmem:s3+$0x8B0]  }
0xb2: {  	v36 =	vld [tilespmem:s3+$0x8C0]  }
0xb3: {  	v37 =	vld [tilespmem:s3+$0x8D0];
	v32 =	vadd.f32 v32, v0  }
0xb4: {  	v38 =	vld [tilespmem:s3+$0x8E0];
	v33 =	vadd.f32 v33, v1  }
0xb5: {  	v52 =	vld [tilespmem:s3+$0x8F0];
	v51 =	vadd.f32 v34, v2;
	[tilespmem:s3+$0x880] =	vst v32  }
0xb6: {  	v54 =	vld [tilespmem:s3+$0xC80];
	v53 =	vadd.f32 v35, v3;
	[tilespmem:s3+$0x890] =	vst v33  }
0xb7: {  	v56 =	vld [tilespmem:s3+$0xC90];
	v55 =	vadd.f32 v36, v4;
	[tilespmem:s3+$0x8A0] =	vst v51  }
0xb8: {  	v58 =	vld [tilespmem:s3+$0xCA0];
	v57 =	vadd.f32 v37, v5;
	[tilespmem:s3+$0x8B0] =	vst v53  }
0xb9: {  	v60 =	vld [tilespmem:s3+$0xCB0];
	v59 =	vadd.f32 v38, v6;
	[tilespmem:s3+$0x8C0] =	vst v55  }
0xba: {  	v62 =	vld [tilespmem:s3+$0xCC0];
	v61 =	vadd.f32 v52, v7;
	[tilespmem:s3+$0x8D0] =	vst v57  }
0xbb: {  	v40 =	vld [tilespmem:s3+$0xCD0];
	v63 =	vadd.f32 v54, v8;
	[tilespmem:s3+$0x8E0] =	vst v59  }
0xbc: {  	v50 =	vld [tilespmem:s3+$0x10A0];
	v41 =	vadd.f32 v56, v9;
	[tilespmem:s3+$0x8F0] =	vst v61  }
0xbd: {  	v42 =	vld [tilespmem:s3+$0xCE0];
	v43 =	vadd.f32 v58, v10;
	[tilespmem:s3+$0xC80] =	vst v63  }
0xbe: {  	v44 =	vld [tilespmem:s3+$0xCF0];
	v45 =	vadd.f32 v60, v11;
	[tilespmem:s3+$0xC90] =	vst v41  }
0xbf: {  	v46 =	vld [tilespmem:s3+$0x1080];
	v47 =	vadd.f32 v62, v12;
	[tilespmem:s3+$0xCA0] =	vst v43  }
0xc0: {  	v48 =	vld [tilespmem:s3+$0x1090];
	v49 =	vadd.f32 v40, v13;
	[tilespmem:s3+$0xCB0] =	vst v45  }
0xc1: {  	v39 =	vld [tilespmem:s3+$0x10E0];
	v58 =	vadd.f32 v50, v18;
	[tilespmem:s3+$0xCC0] =	vst v47  }
0xc2: {  	v52 =	vld [tilespmem:s3+$0x10B0];
	v51 =	vadd.f32 v42, v14;
	[tilespmem:s3+$0xCD0] =	vst v49  }
0xc3: {  	v54 =	vld [tilespmem:s3+$0x10C0];
	v53 =	vadd.f32 v44, v15;
	[tilespmem:s3+$0x10A0] =	vst v58  }
0xc4: {  	v56 =	vld [tilespmem:s3+$0x10D0];
	v55 =	vadd.f32 v46, v16;
	[tilespmem:s3+$0xCE0] =	vst v51  }
0xc5: {  	v40 =	vld [tilespmem:s3+$0x10F0];
	v57 =	vadd.f32 v48, v17;
	[tilespmem:s3+$0xCF0] =	vst v53  }
0xc6: {  	v60 =	vld [tilespmem:s3+$0x1480];
	v63 =	vadd.f32 v39, v22;
	[tilespmem:s3+$0x1080] =	vst v55  }
0xc7: {  	v35 =	vld [tilespmem:s3+$0x1490];
	[tilespmem:s3+$0x1090] =	vst v57;
	v59 =	vadd.f32 v52, v19  }
0xc8: {  	v34 =	vld [tilespmem:s3+$0x14A0];
	[tilespmem:s3+$0x10E0] =	vst v63;
	v61 =	vadd.f32 v54, v20  }
0xc9: {  	v32 =	vld [tilespmem:s3+$0x14B0];
	v62 =	vadd.f32 v56, v21;
	[tilespmem:s3+$0x10B0] =	vst v59  }
0xca: {  	v33 =	vld [tilespmem:s3+$0x14C0];
	v38 =	vadd.f32 v40, v23;
	[tilespmem:s3+$0x10C0] =	vst v61  }
0xcb: {  	s0 =	simm.s32 $0x80;
	s2 =	simm.s32 $0x200;
	v36 =	vld [tilespmem:s3+$0x14D0];
	v37 =	vadd.f32 v60, v24;
	[tilespmem:s3+$0x10D0] =	vst v62  }
.LBB2_4:
0xcc: {  	s18 =	sand.u32 $0xF000, s2;
	s7 =	sand.u32 $0x380, s0;
	p1 =	sne.s32 s2, $0x9E00;
	[tilespmem:s3+$0x10F0] =	vst v38;
	v35 =	vadd.f32 v35, v25;
	v38 =	vld [tilespmem:s3+$0x14E0]  }
0xcd: {  	s7 =	sor.u32 s7, s18;
	[tilespmem:s3+$0x1480] =	vst v37;
	v34 =	vadd.f32 v34, v26;
	v37 =	vld [tilespmem:s3+$0x14F0]  }
0xce: {  	v39 =	vld [tilespmem:s7+$0x880];
	[tilespmem:s3+$0x1490] =	vst v35;
	v32 =	vadd.f32 v32, v27  }
0xcf: {  	v35 =	vld [tilespmem:s7+$0x890];
	[tilespmem:s3+$0x14A0] =	vst v34;
	v33 =	vadd.f32 v33, v28  }
0xd0: {  	v34 =	vld [tilespmem:s7+$0x8A0];
	[tilespmem:s3+$0x14B0] =	vst v32;
	v32 =	vadd.f32 v36, v29  }
0xd1: {  	v36 =	vld [tilespmem:s7+$0x8B0];
	[tilespmem:s3+$0x14C0] =	vst v33;
	v33 =	vadd.f32 v38, v30  }
0xd2: {  	v38 =	vld [tilespmem:s7+$0x8C0];
	[tilespmem:s3+$0x14D0] =	vst v32;
	v32 =	vadd.f32 v37, v31  }
0xd3: {  	v37 =	vadd.f32 v39, v0;
	v39 =	vld [tilespmem:s7+$0x8D0];
	[tilespmem:s3+$0x14E0] =	vst v33  }
0xd4: {  	v33 =	vadd.f32 v35, v1;
	v35 =	vld [tilespmem:s7+$0x8E0];
	[tilespmem:s3+$0x14F0] =	vst v32;
	s3 =	smov.u32 s7  }
0xd5: {  	[tilespmem:s3+$0x880] =	vst v37;
	v32 =	vadd.f32 v34, v2;
	v34 =	vld [tilespmem:s3+$0x8F0]  }
0xd6: {  	[tilespmem:s3+$0x890] =	vst v33;
	v33 =	vadd.f32 v36, v3;
	v36 =	vld [tilespmem:s3+$0xC80]  }
0xd7: {  	[tilespmem:s3+$0x8A0] =	vst v32;
	v32 =	vadd.f32 v38, v4;
	v37 =	vld [tilespmem:s3+$0xC90]  }
0xd8: {  	[tilespmem:s3+$0x8B0] =	vst v33;
	v33 =	vadd.f32 v39, v5;
	v38 =	vld [tilespmem:s3+$0xCA0]  }
0xd9: {  	[tilespmem:s3+$0x8C0] =	vst v32;
	v32 =	vadd.f32 v35, v6;
	v35 =	vld [tilespmem:s3+$0xCB0]  }
0xda: {  	[tilespmem:s3+$0x8D0] =	vst v33;
	v33 =	vadd.f32 v34, v7;
	v34 =	vld [tilespmem:s3+$0xCC0]  }
0xdb: {  	[tilespmem:s3+$0x8E0] =	vst v32;
	v32 =	vadd.f32 v36, v8;
	v36 =	vld [tilespmem:s3+$0xCD0]  }
0xdc: {  	[tilespmem:s3+$0x8F0] =	vst v33;
	v33 =	vadd.f32 v37, v9;
	v37 =	vld [tilespmem:s3+$0xCE0]  }
0xdd: {  	[tilespmem:s3+$0xC80] =	vst v32;
	v32 =	vadd.f32 v38, v10;
	v38 =	vld [tilespmem:s3+$0xCF0]  }
0xde: {  	[tilespmem:s3+$0xC90] =	vst v33;
	v33 =	vadd.f32 v35, v11;
	v35 =	vld [tilespmem:s3+$0x1080]  }
0xdf: {  	[tilespmem:s3+$0xCA0] =	vst v32;
	v32 =	vadd.f32 v34, v12;
	v34 =	vld [tilespmem:s3+$0x1090]  }
0xe0: {  	[tilespmem:s3+$0xCB0] =	vst v33;
	v33 =	vadd.f32 v36, v13;
	v36 =	vld [tilespmem:s3+$0x10A0]  }
0xe1: {  	[tilespmem:s3+$0xCC0] =	vst v32;
	v32 =	vadd.f32 v37, v14;
	v37 =	vld [tilespmem:s3+$0x10B0]  }
0xe2: {  	[tilespmem:s3+$0xCD0] =	vst v33;
	v33 =	vadd.f32 v38, v15;
	v38 =	vld [tilespmem:s3+$0x10C0]  }
0xe3: {  	[tilespmem:s3+$0xCE0] =	vst v32;
	v32 =	vadd.f32 v35, v16;
	v39 =	vld [tilespmem:s3+$0x10D0]  }
0xe4: {  	[tilespmem:s3+$0xCF0] =	vst v33;
	v33 =	vadd.f32 v34, v17;
	v40 =	vld [tilespmem:s3+$0x10E0]  }
0xe5: {  	[tilespmem:s3+$0x1080] =	vst v32;
	v32 =	vadd.f32 v36, v18;
	v36 =	vld [tilespmem:s3+$0x10F0]  }
0xe6: {  	[tilespmem:s3+$0x1090] =	vst v33;
	v33 =	vadd.f32 v37, v19;
	v37 =	vld [tilespmem:s3+$0x1480]  }
.Ltmp5:
0xe7: {  	[tilespmem:s3+$0x10A0] =	vst v32;
	v32 =	vadd.f32 v38, v20;
	v35 =	vld [tilespmem:s3+$0x1490];
	(pc) =	sbr.rel @p1 .LBB2_4-.Ltmp5, $4  }
0xe8: {  	[tilespmem:s3+$0x10B0] =	vst v33;
	v33 =	vadd.f32 v39, v21;
	v34 =	vld [tilespmem:s3+$0x14A0]  }
0xe9: {  	[tilespmem:s3+$0x10C0] =	vst v32;
	v39 =	vadd.f32 v40, v22;
	v32 =	vld [tilespmem:s3+$0x14B0]  }
0xea: {  	[tilespmem:s3+$0x10D0] =	vst v33;
	v38 =	vadd.f32 v36, v23;
	v33 =	vld [tilespmem:s3+$0x14C0]  }
0xeb: {  	s0 =	sadd.s32 $0x80, s0;
	s2 =	sadd.s32 $0x200, s2;
	[tilespmem:s3+$0x10E0] =	vst v39;
	v37 =	vadd.f32 v37, v24;
	v36 =	vld [tilespmem:s3+$0x14D0]  }
0xec: {  	[tilespmem:s3+$0x10F0] =	vst v38;
	v35 =	vadd.f32 v35, v25;
	v59 =	vld [tilespmem:s3+$0x14E0]  }
0xed: {  	v60 =	vld [tilespmem:s3+$0x14F0];
	[tilespmem:s3+$0x1480] =	vst v37;
	v34 =	vadd.f32 v34, v26  }
0xee: {  	[tilespmem:s3+$0x1490] =	vst v35;
	v32 =	vadd.f32 v32, v27  }
0xef: {  	[tilespmem:s3+$0x14A0] =	vst v34;
	v33 =	vadd.f32 v33, v28  }
0xf0: {  	[tilespmem:s3+$0x14B0] =	vst v32;
	v61 =	vadd.f32 v36, v29  }
0xf1: {  	[tilespmem:s3+$0x14C0] =	vst v33;
	v62 =	vadd.f32 v59, v30  }
0xf2: {  	s0 =	smul.u32 $0x1400, s31;
	v63 =	vadd.f32 v60, v31;
	[tilespmem:s3+$0x14D0] =	vst v61  }
0xf3: {  	[tilespmem:s3+$0x14E0] =	vst v62  }
0xf4: {  	s0 =	sadd.s32 s4, s0;
	[tilespmem:s3+$0x14F0] =	vst v63  }
0xf5: {  	[hbm4b:s0+s5] =	stream.linear.scatter [tilespmem:s15], [sflag:$0x4], $0xA000, $0x38;
	[tilespmem:$0x1E880] =	vst v63  }
.LBB2_6:
0xf6: {  	s0 =	sadd.s32 s11, s30  }
0xf7: {  	p1 =	sgt.u32 s0, $0x4E1  }
0xf8: {  	s2 =	simm.s32 @!p1 $0x4  }
0xf9: {  	s0 =	smul.u32 @!p1 $0x1400, s0;
	_ =	swait.ge @!p1 [sflag:s2], $0xA000  }
0xfa: {  	s31 =	sadd.s32 s12, s30;
	s3 =	simm.s32 @!p1 $0x880;
	[sflag:s2] =	ssyncset.done @!p1 $0x0  }
0xfb: {  	s0 =	sadd.s32 @!p1 s1, s0;
	[sflag:s2] =	ssyncadd.s32 @!p1 $0xFFFF6000;
	s2 =	simm.s32 @!p1 $0x0  }
0xfc: {  	[tilespmem:s3], [sflag:$0x1] =	stream.linear.gather @!p1 [hbm4b:s0+s2], $0xA000, $0x38;
	[tilespmem:$0x1E880] =	vst v63  }
0xfd: {  	p1 =	sgt.u32 s31, $0x4E1  }
.Ltmp6:
0xfe: {  	_ = 	snop;
	(pc) =	sbr.rel @p1 .LBB2_10-.Ltmp6, $1  }
0xff: {  	_ =	sdelay $0x3  }
0x100: {  	_ =	swait.ge [sflag:s20], $0xA000;
	s0 =	simm.s32 $0x0  }
0x101: {  	[sflag:s20] =	ssyncset.done $0x0;
	s2 =	sand.u32 $0xF000, s0;
	s0 =	sand.u32 $0x380, s0  }
0x102: {  	[sflag:s20] =	ssyncadd.s32 $0xFFFF6000;
	s3 =	sor.u32 s0, s2  }
0x103: {  	v32 =	vld [tilespmem:s3+$0xA880]  }
0x104: {  	v33 =	vld [tilespmem:s3+$0xA890]  }
0x105: {  	v34 =	vld [tilespmem:s3+$0xA8A0]  }
0x106: {  	v35 =	vld [tilespmem:s3+$0xA8B0]  }
0x107: {  	v36 =	vld [tilespmem:s3+$0xA8C0]  }
0x108: {  	v37 =	vld [tilespmem:s3+$0xA8D0];
	v32 =	vadd.f32 v32, v0  }
0x109: {  	v38 =	vld [tilespmem:s3+$0xA8E0];
	v33 =	vadd.f32 v33, v1  }
0x10a: {  	v52 =	vld [tilespmem:s3+$0xA8F0];
	v51 =	vadd.f32 v34, v2;
	[tilespmem:s3+$0xA880] =	vst v32  }
0x10b: {  	v54 =	vld [tilespmem:s3+$0xAC80];
	v53 =	vadd.f32 v35, v3;
	[tilespmem:s3+$0xA890] =	vst v33  }
0x10c: {  	v56 =	vld [tilespmem:s3+$0xAC90];
	v55 =	vadd.f32 v36, v4;
	[tilespmem:s3+$0xA8A0] =	vst v51  }
0x10d: {  	v58 =	vld [tilespmem:s3+$0xACA0];
	v57 =	vadd.f32 v37, v5;
	[tilespmem:s3+$0xA8B0] =	vst v53  }
0x10e: {  	v60 =	vld [tilespmem:s3+$0xACB0];
	v59 =	vadd.f32 v38, v6;
	[tilespmem:s3+$0xA8C0] =	vst v55  }
0x10f: {  	v62 =	vld [tilespmem:s3+$0xACC0];
	v61 =	vadd.f32 v52, v7;
	[tilespmem:s3+$0xA8D0] =	vst v57  }
0x110: {  	v40 =	vld [tilespmem:s3+$0xACD0];
	v63 =	vadd.f32 v54, v8;
	[tilespmem:s3+$0xA8E0] =	vst v59  }
0x111: {  	v50 =	vld [tilespmem:s3+$0xB0A0];
	v41 =	vadd.f32 v56, v9;
	[tilespmem:s3+$0xA8F0] =	vst v61  }
0x112: {  	v42 =	vld [tilespmem:s3+$0xACE0];
	v43 =	vadd.f32 v58, v10;
	[tilespmem:s3+$0xAC80] =	vst v63  }
0x113: {  	v44 =	vld [tilespmem:s3+$0xACF0];
	v45 =	vadd.f32 v60, v11;
	[tilespmem:s3+$0xAC90] =	vst v41  }
0x114: {  	v46 =	vld [tilespmem:s3+$0xB080];
	v47 =	vadd.f32 v62, v12;
	[tilespmem:s3+$0xACA0] =	vst v43  }
0x115: {  	v48 =	vld [tilespmem:s3+$0xB090];
	v49 =	vadd.f32 v40, v13;
	[tilespmem:s3+$0xACB0] =	vst v45  }
0x116: {  	v39 =	vld [tilespmem:s3+$0xB0E0];
	v58 =	vadd.f32 v50, v18;
	[tilespmem:s3+$0xACC0] =	vst v47  }
0x117: {  	v52 =	vld [tilespmem:s3+$0xB0B0];
	v51 =	vadd.f32 v42, v14;
	[tilespmem:s3+$0xACD0] =	vst v49  }
0x118: {  	v54 =	vld [tilespmem:s3+$0xB0C0];
	v53 =	vadd.f32 v44, v15;
	[tilespmem:s3+$0xB0A0] =	vst v58  }
0x119: {  	v56 =	vld [tilespmem:s3+$0xB0D0];
	v55 =	vadd.f32 v46, v16;
	[tilespmem:s3+$0xACE0] =	vst v51  }
0x11a: {  	v40 =	vld [tilespmem:s3+$0xB0F0];
	v57 =	vadd.f32 v48, v17;
	[tilespmem:s3+$0xACF0] =	vst v53  }
0x11b: {  	v60 =	vld [tilespmem:s3+$0xB480];
	v63 =	vadd.f32 v39, v22;
	[tilespmem:s3+$0xB080] =	vst v55  }
0x11c: {  	v35 =	vld [tilespmem:s3+$0xB490];
	[tilespmem:s3+$0xB090] =	vst v57;
	v59 =	vadd.f32 v52, v19  }
0x11d: {  	v34 =	vld [tilespmem:s3+$0xB4A0];
	[tilespmem:s3+$0xB0E0] =	vst v63;
	v61 =	vadd.f32 v54, v20  }
0x11e: {  	v32 =	vld [tilespmem:s3+$0xB4B0];
	v62 =	vadd.f32 v56, v21;
	[tilespmem:s3+$0xB0B0] =	vst v59  }
0x11f: {  	v33 =	vld [tilespmem:s3+$0xB4C0];
	v38 =	vadd.f32 v40, v23;
	[tilespmem:s3+$0xB0C0] =	vst v61  }
0x120: {  	s0 =	simm.s32 $0x80;
	s2 =	simm.s32 $0x200;
	v36 =	vld [tilespmem:s3+$0xB4D0];
	v37 =	vadd.f32 v60, v24;
	[tilespmem:s3+$0xB0D0] =	vst v62  }
.LBB2_8:
0x121: {  	s7 =	sand.u32 $0xF000, s2;
	s18 =	sand.u32 $0x380, s0;
	p1 =	sne.s32 s2, $0x9E00;
	[tilespmem:s3+$0xB0F0] =	vst v38;
	v35 =	vadd.f32 v35, v25;
	v38 =	vld [tilespmem:s3+$0xB4E0]  }
0x122: {  	s7 =	sor.u32 s18, s7;
	[tilespmem:s3+$0xB480] =	vst v37;
	v34 =	vadd.f32 v34, v26;
	v37 =	vld [tilespmem:s3+$0xB4F0]  }
0x123: {  	v39 =	vld [tilespmem:s7+$0xA880];
	[tilespmem:s3+$0xB490] =	vst v35;
	v32 =	vadd.f32 v32, v27  }
0x124: {  	v35 =	vld [tilespmem:s7+$0xA890];
	[tilespmem:s3+$0xB4A0] =	vst v34;
	v33 =	vadd.f32 v33, v28  }
0x125: {  	v34 =	vld [tilespmem:s7+$0xA8A0];
	[tilespmem:s3+$0xB4B0] =	vst v32;
	v32 =	vadd.f32 v36, v29  }
0x126: {  	v36 =	vld [tilespmem:s7+$0xA8B0];
	[tilespmem:s3+$0xB4C0] =	vst v33;
	v33 =	vadd.f32 v38, v30  }
0x127: {  	v38 =	vld [tilespmem:s7+$0xA8C0];
	[tilespmem:s3+$0xB4D0] =	vst v32;
	v32 =	vadd.f32 v37, v31  }
0x128: {  	v37 =	vadd.f32 v39, v0;
	v39 =	vld [tilespmem:s7+$0xA8D0];
	[tilespmem:s3+$0xB4E0] =	vst v33  }
0x129: {  	v33 =	vadd.f32 v35, v1;
	v35 =	vld [tilespmem:s7+$0xA8E0];
	[tilespmem:s3+$0xB4F0] =	vst v32;
	s3 =	smov.u32 s7  }
0x12a: {  	[tilespmem:s3+$0xA880] =	vst v37;
	v32 =	vadd.f32 v34, v2;
	v34 =	vld [tilespmem:s3+$0xA8F0]  }
0x12b: {  	[tilespmem:s3+$0xA890] =	vst v33;
	v33 =	vadd.f32 v36, v3;
	v36 =	vld [tilespmem:s3+$0xAC80]  }
0x12c: {  	[tilespmem:s3+$0xA8A0] =	vst v32;
	v32 =	vadd.f32 v38, v4;
	v37 =	vld [tilespmem:s3+$0xAC90]  }
0x12d: {  	[tilespmem:s3+$0xA8B0] =	vst v33;
	v33 =	vadd.f32 v39, v5;
	v38 =	vld [tilespmem:s3+$0xACA0]  }
0x12e: {  	[tilespmem:s3+$0xA8C0] =	vst v32;
	v32 =	vadd.f32 v35, v6;
	v35 =	vld [tilespmem:s3+$0xACB0]  }
0x12f: {  	[tilespmem:s3+$0xA8D0] =	vst v33;
	v33 =	vadd.f32 v34, v7;
	v34 =	vld [tilespmem:s3+$0xACC0]  }
0x130: {  	[tilespmem:s3+$0xA8E0] =	vst v32;
	v32 =	vadd.f32 v36, v8;
	v36 =	vld [tilespmem:s3+$0xACD0]  }
0x131: {  	[tilespmem:s3+$0xA8F0] =	vst v33;
	v33 =	vadd.f32 v37, v9;
	v37 =	vld [tilespmem:s3+$0xACE0]  }
0x132: {  	[tilespmem:s3+$0xAC80] =	vst v32;
	v32 =	vadd.f32 v38, v10;
	v38 =	vld [tilespmem:s3+$0xACF0]  }
0x133: {  	[tilespmem:s3+$0xAC90] =	vst v33;
	v33 =	vadd.f32 v35, v11;
	v35 =	vld [tilespmem:s3+$0xB080]  }
0x134: {  	[tilespmem:s3+$0xACA0] =	vst v32;
	v32 =	vadd.f32 v34, v12;
	v34 =	vld [tilespmem:s3+$0xB090]  }
0x135: {  	[tilespmem:s3+$0xACB0] =	vst v33;
	v33 =	vadd.f32 v36, v13;
	v36 =	vld [tilespmem:s3+$0xB0A0]  }
0x136: {  	[tilespmem:s3+$0xACC0] =	vst v32;
	v32 =	vadd.f32 v37, v14;
	v37 =	vld [tilespmem:s3+$0xB0B0]  }
0x137: {  	[tilespmem:s3+$0xACD0] =	vst v33;
	v33 =	vadd.f32 v38, v15;
	v38 =	vld [tilespmem:s3+$0xB0C0]  }
0x138: {  	[tilespmem:s3+$0xACE0] =	vst v32;
	v32 =	vadd.f32 v35, v16;
	v39 =	vld [tilespmem:s3+$0xB0D0]  }
0x139: {  	[tilespmem:s3+$0xACF0] =	vst v33;
	v33 =	vadd.f32 v34, v17;
	v40 =	vld [tilespmem:s3+$0xB0E0]  }
0x13a: {  	[tilespmem:s3+$0xB080] =	vst v32;
	v32 =	vadd.f32 v36, v18;
	v36 =	vld [tilespmem:s3+$0xB0F0]  }
0x13b: {  	[tilespmem:s3+$0xB090] =	vst v33;
	v33 =	vadd.f32 v37, v19;
	v37 =	vld [tilespmem:s3+$0xB480]  }
.Ltmp7:
0x13c: {  	[tilespmem:s3+$0xB0A0] =	vst v32;
	v32 =	vadd.f32 v38, v20;
	v35 =	vld [tilespmem:s3+$0xB490];
	(pc) =	sbr.rel @p1 .LBB2_8-.Ltmp7, $4  }
0x13d: {  	[tilespmem:s3+$0xB0B0] =	vst v33;
	v33 =	vadd.f32 v39, v21;
	v34 =	vld [tilespmem:s3+$0xB4A0]  }
0x13e: {  	[tilespmem:s3+$0xB0C0] =	vst v32;
	v39 =	vadd.f32 v40, v22;
	v32 =	vld [tilespmem:s3+$0xB4B0]  }
0x13f: {  	[tilespmem:s3+$0xB0D0] =	vst v33;
	v38 =	vadd.f32 v36, v23;
	v33 =	vld [tilespmem:s3+$0xB4C0]  }
0x140: {  	s0 =	sadd.s32 $0x80, s0;
	s2 =	sadd.s32 $0x200, s2;
	[tilespmem:s3+$0xB0E0] =	vst v39;
	v37 =	vadd.f32 v37, v24;
	v36 =	vld [tilespmem:s3+$0xB4D0]  }
0x141: {  	[tilespmem:s3+$0xB0F0] =	vst v38;
	v35 =	vadd.f32 v35, v25;
	v59 =	vld [tilespmem:s3+$0xB4E0]  }
0x142: {  	v60 =	vld [tilespmem:s3+$0xB4F0];
	[tilespmem:s3+$0xB480] =	vst v37;
	v34 =	vadd.f32 v34, v26  }
0x143: {  	[tilespmem:s3+$0xB490] =	vst v35;
	v32 =	vadd.f32 v32, v27  }
0x144: {  	[tilespmem:s3+$0xB4A0] =	vst v34;
	v33 =	vadd.f32 v33, v28  }
0x145: {  	[tilespmem:s3+$0xB4B0] =	vst v32;
	v61 =	vadd.f32 v36, v29  }
0x146: {  	[tilespmem:s3+$0xB4C0] =	vst v33;
	v62 =	vadd.f32 v59, v30  }
0x147: {  	s0 =	smul.u32 $0x1400, s31;
	v63 =	vadd.f32 v60, v31;
	[tilespmem:s3+$0xB4D0] =	vst v61  }
0x148: {  	[tilespmem:s3+$0xB4E0] =	vst v62  }
0x149: {  	s0 =	sadd.s32 s4, s0;
	[tilespmem:s3+$0xB4F0] =	vst v63  }
0x14a: {  	[hbm4b:s0+s5] =	stream.linear.scatter [tilespmem:s16], [sflag:$0x5], $0xA000, $0x38;
	[tilespmem:$0x1E880] =	vst v63  }
.LBB2_10:
0x14b: {  	s0 =	sadd.s32 s13, s30  }
0x14c: {  	p1 =	sgt.u32 s0, $0x4E1  }
.Ltmp8:
0x14d: {  	s2 =	simm.s32 @!p1 $0x5;
	(pc) =	sbr.rel @p0 .LBB2_14-.Ltmp8, $4  }
0x14e: {  	s0 =	smul.u32 @!p1 $0x1400, s0;
	_ =	swait.ge @!p1 [sflag:s2], $0xA000  }
0x14f: {  	s3 =	simm.s32 @!p1 $0xA880;
	[sflag:s2] =	ssyncset.done @!p1 $0x0  }
0x150: {  	s0 =	sadd.s32 @!p1 s1, s0;
	[sflag:s2] =	ssyncadd.s32 @!p1 $0xFFFF6000;
	s2 =	simm.s32 @!p1 $0x0  }
0x151: {  	[tilespmem:s3], [sflag:$0x2] =	stream.linear.gather @!p1 [hbm4b:s0+s2], $0xA000, $0x38;
	[tilespmem:$0x1E880] =	vst v63  }
0x152: {  	_ =	swait.ge [sflag:s21], $0xA000;
	s0 =	simm.s32 $0x0  }
0x153: {  	[sflag:s21] =	ssyncset.done $0x0;
	s2 =	sand.u32 $0xF000, s0;
	s0 =	sand.u32 $0x380, s0  }
0x154: {  	[sflag:s21] =	ssyncadd.s32 $0xFFFF6000;
	s0 =	sor.u32 s0, s2  }
0x155: {  	s30 =	sadd.s32 $0x14880, s0;
	v32 =	vld [tilespmem:s0+$0x14880]  }
0x156: {  	v33 =	vld [tilespmem:s30+$0x810]  }
0x157: {  	v34 =	vld [tilespmem:s30+$0x800]  }
0x158: {  	v35 =	vld [tilespmem:s30+$0x470]  }
0x159: {  	v36 =	vld [tilespmem:s30+$0x450]  }
0x15a: {  	v37 =	vld [tilespmem:s30+$0x440]  }
0x15b: {  	v38 =	vld [tilespmem:s30+$0x430]  }
0x15c: {  	v39 =	vld [tilespmem:s30+$0x420]  }
0x15d: {  	v40 =	vld [tilespmem:s30+$0x410]  }
0x15e: {  	v41 =	vld [tilespmem:s30+$0xC70]  }
0x15f: {  	v42 =	vld [tilespmem:s30+$0x400]  }
0x160: {  	v43 =	vld [tilespmem:s30+$0xC20]  }
0x161: {  	v44 =	vld [tilespmem:s30+$0xC40];
	v32 =	vadd.f32 v32, v0  }
0x162: {  	v53 =	vld [tilespmem:s30+$0x70];
	v39 =	vadd.f32 v39, v10  }
0x163: {  	v46 =	vld [tilespmem:s30+$0x460];
	v40 =	vadd.f32 v40, v9;
	[tilespmem:s0+$0x14880] =	vst v32  }
0x164: {  	v57 =	vld [tilespmem:s30+$0x820];
	v54 =	vadd.f32 v41, v31;
	[tilespmem:s30+$0x420] =	vst v39  }
0x165: {  	v47 =	vld [tilespmem:s30+$0x830];
	v42 =	vadd.f32 v42, v8;
	[tilespmem:s30+$0x410] =	vst v40  }
0x166: {  	v59 =	vld [tilespmem:s30+$0x840];
	v43 =	vadd.f32 v43, v26;
	[tilespmem:s30+$0xC70] =	vst v54  }
0x167: {  	v60 =	vld [tilespmem:s30+$0x850];
	v61 =	vadd.f32 v44, v28;
	[tilespmem:s30+$0x400] =	vst v42  }
0x168: {  	v38 =	vadd.f32 v38, v11;
	v56 =	vld [tilespmem:s30+$0x10];
	[tilespmem:s30+$0xC20] =	vst v43  }
0x169: {  	v62 =	vld [tilespmem:s30+$0x860];
	v63 =	vadd.f32 v37, v12;
	[tilespmem:s30+$0xC40] =	vst v61  }
0x16a: {  	v49 =	vadd.f32 v36, v13;
	v45 =	vld [tilespmem:s30+$0x30];
	[tilespmem:s30+$0x430] =	vst v38  }
0x16b: {  	v46 =	vadd.f32 v46, v14;
	v55 =	vld [tilespmem:s30+$0x20];
	[tilespmem:s30+$0x440] =	vst v63  }
0x16c: {  	v48 =	vld [tilespmem:s30+$0x870];
	v51 =	vadd.f32 v35, v15;
	v37 =	vadd.f32 v34, v16;
	[tilespmem:s30+$0x450] =	vst v49  }
0x16d: {  	v50 =	vld [tilespmem:s30+$0x40];
	v35 =	vadd.f32 v33, v17;
	[tilespmem:s30+$0x460] =	vst v46;
	v40 =	vadd.f32 v56, v1  }
0x16e: {  	v33 =	vadd.f32 v57, v18;
	v44 =	vld [tilespmem:s30+$0x60];
	v32 =	vadd.f32 v53, v7;
	[tilespmem:s30+$0x470] =	vst v51  }
0x16f: {  	v36 =	vadd.f32 v47, v19;
	v58 =	vadd.f32 v45, v3;
	[tilespmem:s30+$0x10] =	vst v40;
	v40 =	vld [tilespmem:s30+$0xC00]  }
0x170: {  	v34 =	vadd.f32 v59, v20;
	v42 =	vld [tilespmem:s30+$0x50];
	[tilespmem:s30+$0x70] =	vst v32;
	v41 =	vadd.f32 v55, v2  }
0x171: {  	v38 =	vadd.f32 v60, v21;
	v39 =	vadd.f32 v62, v22;
	v43 =	vld [tilespmem:s30+$0xC10];
	[tilespmem:s30+$0x30] =	vst v58  }
0x172: {  	s3 =	simm.s32 $0x80;
	s2 =	simm.s32 $0x200;
	v32 =	vadd.f32 v48, v23;
	v45 =	vld [tilespmem:s30+$0xC30];
	[tilespmem:s30+$0x20] =	vst v41;
	v41 =	vadd.f32 v50, v4  }
.LBB2_12:
0x173: {  	s0 =	smov.u32 s2  }
0x174: {  	s7 =	sand.u32 $0xF000, s2;
	s18 =	sand.u32 $0x380, s3;
	[tilespmem:s30+$0x800] =	vst v37;
	v37 =	vadd.f32 v40, v24;
	v40 =	vld [tilespmem:s30+$0xC50];
	s0 =	sadd.s32 $0x200, s2  }
0x175: {  	p0 =	sne.s32 s2, $0x9E00;
	s7 =	sor.u32 s18, s7;
	v42 =	vadd.f32 v42, v5;
	[tilespmem:s30+$0x810] =	vst v35;
	v35 =	vld [tilespmem:s30+$0xC60]  }
0x176: {  	s2 =	sadd.s32 $0x14880, s7;
	v44 =	vadd.f32 v44, v6;
	v46 =	vld [tilespmem:s7+$0x14880];
	[tilespmem:s30+$0x820] =	vst v33  }
0x177: {  	v33 =	vld [tilespmem:s2+$0x810];
	[tilespmem:s30+$0x830] =	vst v36;
	v36 =	vadd.f32 v43, v25  }
0x178: {  	v43 =	vld [tilespmem:s2+$0x800];
	[tilespmem:s30+$0x840] =	vst v34;
	v34 =	vadd.f32 v45, v27  }
0x179: {  	v45 =	vld [tilespmem:s2+$0x470];
	[tilespmem:s30+$0x850] =	vst v38;
	v38 =	vadd.f32 v40, v29  }
0x17a: {  	v40 =	vld [tilespmem:s2+$0x460];
	[tilespmem:s30+$0x860] =	vst v39;
	v35 =	vadd.f32 v35, v30  }
0x17b: {  	v39 =	vadd.f32 v46, v0;
	v46 =	vld [tilespmem:s2+$0x450];
	[tilespmem:s30+$0x40] =	vst v41  }
0x17c: {  	v41 =	vld [tilespmem:s2+$0x440];
	[tilespmem:s30+$0xC60] =	vst v35  }
0x17d: {  	v35 =	vld [tilespmem:s2+$0x430];
	[tilespmem:s30+$0x60] =	vst v44  }
0x17e: {  	v44 =	vld [tilespmem:s2+$0x420];
	[tilespmem:s30+$0x50] =	vst v42  }
0x17f: {  	v42 =	vld [tilespmem:s2+$0x410];
	[tilespmem:s30+$0xC50] =	vst v38  }
0x180: {  	v38 =	vld [tilespmem:s2+$0xC70];
	[tilespmem:s30+$0xC00] =	vst v37  }
0x181: {  	v37 =	vld [tilespmem:s2+$0x400];
	[tilespmem:s30+$0x870] =	vst v32  }
0x182: {  	v32 =	vld [tilespmem:s2+$0xC20];
	[tilespmem:s30+$0xC10] =	vst v36  }
0x183: {  	v36 =	vadd.f32 v44, v10;
	v44 =	vld [tilespmem:s2+$0xC40];
	[tilespmem:s30+$0xC30] =	vst v34;
	s30 =	smov.u32 s2  }
0x184: {  	[tilespmem:s7+$0x14880] =	vst v39;
	v34 =	vld [tilespmem:s30+$0x70];
	v39 =	vadd.f32 v42, v9  }
0x185: {  	v42 =	vld [tilespmem:s30+$0x30];
	[tilespmem:s30+$0x420] =	vst v36;
	v36 =	vadd.f32 v38, v31  }
0x186: {  	v38 =	vld [tilespmem:s30+$0x20];
	v37 =	vadd.f32 v37, v8;
	[tilespmem:s30+$0x410] =	vst v39;
	v39 =	vadd.f32 v35, v11  }
0x187: {  	v41 =	vadd.f32 v41, v12;
	v35 =	vld [tilespmem:s30+$0x10];
	v32 =	vadd.f32 v32, v26;
	[tilespmem:s30+$0xC70] =	vst v36  }
0x188: {  	v46 =	vadd.f32 v46, v13;
	[tilespmem:s30+$0x400] =	vst v37;
	v36 =	vld [tilespmem:s30+$0x820];
	v37 =	vadd.f32 v44, v28  }
0x189: {  	v47 =	vadd.f32 v40, v14;
	v34 =	vadd.f32 v34, v7;
	v40 =	vld [tilespmem:s30+$0x830];
	[tilespmem:s30+$0xC20] =	vst v32  }
0x18a: {  	v45 =	vadd.f32 v45, v15;
	v32 =	vadd.f32 v42, v3;
	v42 =	vld [tilespmem:s30+$0x840];
	[tilespmem:s30+$0xC40] =	vst v37  }
0x18b: {  	v37 =	vadd.f32 v43, v16;
	v38 =	vadd.f32 v38, v2;
	[tilespmem:s30+$0x70] =	vst v34;
	v43 =	vld [tilespmem:s30+$0x850]  }
0x18c: {  	v34 =	vadd.f32 v35, v1;
	[tilespmem:s30+$0x30] =	vst v32;
	v35 =	vadd.f32 v33, v17;
	v32 =	vld [tilespmem:s30+$0x860]  }
0x18d: {  	[tilespmem:s30+$0x20] =	vst v38;
	v33 =	vadd.f32 v36, v18;
	v48 =	vld [tilespmem:s30+$0x870]  }
0x18e: {  	[tilespmem:s30+$0x10] =	vst v34;
	v49 =	vld [tilespmem:s30+$0x40];
	v36 =	vadd.f32 v40, v19  }
.Ltmp9:
0x18f: {  	[tilespmem:s30+$0x430] =	vst v39;
	v34 =	vadd.f32 v42, v20;
	v40 =	vld [tilespmem:s30+$0xC00];
	(pc) =	sbr.rel @p0 .LBB2_12-.Ltmp9, $4  }
0x190: {  	v42 =	vld [tilespmem:s30+$0x50];
	[tilespmem:s30+$0x440] =	vst v41;
	v38 =	vadd.f32 v43, v21  }
0x191: {  	v44 =	vld [tilespmem:s30+$0x60];
	[tilespmem:s30+$0x450] =	vst v46;
	v39 =	vadd.f32 v32, v22  }
0x192: {  	[tilespmem:s30+$0x460] =	vst v47;
	v32 =	vadd.f32 v48, v23;
	v43 =	vld [tilespmem:s30+$0xC10]  }
0x193: {  	s3 =	sadd.s32 $0x80, s3;
	s2 =	smov.u32 s0;
	v41 =	vadd.f32 v49, v4;
	[tilespmem:s30+$0x470] =	vst v45;
	v45 =	vld [tilespmem:s30+$0xC30]  }
0x194: {  	[tilespmem:s30+$0x800] =	vst v37  }
0x195: {  	[tilespmem:s30+$0x810] =	vst v35  }
0x196: {  	[tilespmem:s30+$0x820] =	vst v33  }
0x197: {  	[tilespmem:s30+$0x830] =	vst v36  }
0x198: {  	[tilespmem:s30+$0x840] =	vst v34  }
0x199: {  	[tilespmem:s30+$0x850] =	vst v38  }
0x19a: {  	[tilespmem:s30+$0x860] =	vst v39  }
0x19b: {  	v56 =	vld [tilespmem:s30+$0xC60];
	v61 =	vadd.f32 v40, v24;
	[tilespmem:s30+$0x870] =	vst v32  }
0x19c: {  	v57 =	vld [tilespmem:s30+$0xC50];
	[tilespmem:s30+$0x40] =	vst v41;
	v60 =	vadd.f32 v42, v5  }
0x19d: {  	v59 =	vadd.f32 v44, v6;
	[tilespmem:s30+$0xC00] =	vst v61  }
0x19e: {  	[tilespmem:s30+$0x50] =	vst v60;
	v62 =	vadd.f32 v43, v25  }
0x19f: {  	[tilespmem:s30+$0x60] =	vst v59;
	v63 =	vadd.f32 v45, v27  }
.Ltmp10:
0x1a0: {  	v58 =	vadd.f32 v56, v30;
	[tilespmem:s30+$0xC10] =	vst v62;
	(pc) =	sbr.rel .LBB2_14-.Ltmp10, $4  }
0x1a1: {  	s0 =	smul.u32 $0x1400, s29;
	v33 =	vadd.f32 v57, v29;
	[tilespmem:s30+$0xC30] =	vst v63  }
0x1a2: {  	[tilespmem:s30+$0xC60] =	vst v58  }
0x1a3: {  	s0 =	sadd.s32 s4, s0;
	[tilespmem:s30+$0xC50] =	vst v33  }
0x1a4: {  	[hbm4b:s0+s5] =	stream.linear.scatter [tilespmem:s22], [sflag:$0x6], $0xA000, $0x38;
	[tilespmem:$0x1E880] =	vst v63  }
.LBB2_16:
0x1a5: {  	_ =	sfence.sel $0x180000  }
0x1a6: {  	[bflag:$0x0] =	sbarrier.arrive $0xFFFF  }
0x1a7: {  	_ =	strace $0x90000047  }
0x1a8: {  	s0 =	stileid.u32;
	[bflag:$0x2] =	sbarrier.arrive $0xFFFF  }
0x1a9: {  	p0 =	sne.s32 s0, $0x0;
	s0 =	rddreg [dreg:$0x4]  }
0x1aa: {  	s0 =	sadd.s32 @!p0 $0x100000, s0  }
0x1ab: {  	[sflag:s0] =	ssyncadd.tile.s32 @!p0 $0x1;
	_ =	shalt  }
.Lfunc_end2:
_tile_overlayer_lowered:
.L_overlay_start_2:
0x1ac: {  	(tag) =	ssettag $0x2  }
0x1ad: {  	s0 =	rddreg [dreg:$0x0];
	s2 =	stileid.u32  }
0x1ae: {  	s1 =	rddreg [dreg:$0x1];
	p0 =	sne.s32 s2, $0x0  }
0x1af: {  	s3 =	rddreg [dreg:$0x2];
	[bflag:$0x3] =	sbarrier.arrive $0xFFFF;
	s2 =	simm.s32 @!p0 $0x1C07  }
0x1b0: {  	[timem:s3], [sflag:s2] =	dma.local @!p0 [hbm:s0], s1  }
0x1b1: {  	s0 =	simm.s32 @!p0 $0x7  }
0x1b2: {  	_ =	swait.ge @!p0 [sflag:s0], s1  }
0x1b3: {  	s1 =	ssub.s32 @!p0 $0x0, s1;
	[sflag:s0] =	ssyncset.done @!p0 $0x0  }
0x1b4: {  	[sflag:s0] =	ssyncadd.s32 @!p0 s1  }
0x1b5: {  	[bflag:$0x3] =	sbarrier.arrive $0xFFFF  }
0x1b6: {  	_ =	shalt  }

</sc_bundles>
